<compile_context>
chip_gen: v7x
topology: tpu7x:2x2x1
jax: 0.10.2.dev20260603
libtpu: 0.0.44.dev20260713+nightly
codegen_flags: <defaults>
</compile_context>

<pallas_src>
import jax
import jax.numpy as jnp
from jax import lax
from jax.experimental import pallas as pl
from jax.experimental.pallas import tpu as pltpu
from jax.experimental.pallas import tpu_sc as plsc

NROWS = 128
NCOLS = 32768
K = 64
NC, NS, L = 2, 16, 16
NW = NC * NS
ROWS_PER_W = NROWS // NW
NVREG = NCOLS // L
NBINS = 256
HSTRIDE = NBINS + 1
HSIZE = HSTRIDE * L
NHIST = 4
NCHUNK = 4
CWORDS = NCOLS // NCHUNK
CVREG = CWORDS // L


def _tr(k):
    return jnp.where(k < 0, k ^ jnp.int32(0x7FFFFFFF), k)


def _body(x_hbm, out_hbm, row_v, idxs_v, hist_v, didx_v, ostage_v, sems,
          sem_out):
    wid = lax.axis_index("s") * NC + lax.axis_index("c")
    row0 = wid * ROWS_PER_W
    lanes = lax.iota(jnp.int32, L)
    ones = jnp.ones((L,), jnp.int32)
    zeros = jnp.zeros((L,), jnp.int32)
    tmask = lanes >= 0
    lane0 = lanes == 0
    lanebins = lanes * HSTRIDE

    def zero_hist(ncopies):
        @plsc.parallel_loop(0, (HSTRIDE * ncopies * L) // L, unroll=4)
        def _zb(i):
            hist_v[pl.ds(i * L, L)] = zeros

    def pass1_chunk(c0):
        @plsc.parallel_loop(0, CVREG // NHIST, unroll=4)
        def _p1(j):
            for t in range(NHIST):
                base = c0 + (j * NHIST + t) * L
                ikey = _tr(row_v[pl.ds(base, L)])
                digit = ((ikey >> 24) & 0xFF) ^ 0x80
                plsc.addupdate_scatter(
                    hist_v, [digit + (lanebins + t * HSIZE)], ones,
                    mask=tmask)

    def gather_keys(iv, valid):
        return _tr(plsc.load_gather(row_v, [iv], mask=valid))

    def hist_pass(M, shift, hi):
        zero_hist(1)
        def hb(j, _):
            base = j * L
            valid = (base + lanes) < M
            kv = gather_keys(idxs_v[pl.ds(base, L)], valid)
            digit = jnp.where(kv > hi, 255, (kv >> shift) & 0xFF)
            plsc.addupdate_scatter(hist_v, [digit + lanebins], ones,
                                   mask=valid)
            return 0
        lax.fori_loop(0, (M + L - 1) // L, hb, 0)

    def find_bin(ncopies):
        def fbv(i, carry):
            b, found, sab = carry
            v = L - 1 - i
            def lr(l, acc):
                a = acc
                for c in range(ncopies):
                    a = a + hist_v[pl.ds(l * HSTRIDE + c * HSIZE + v * L, L)]
                return a
            t_v = lax.fori_loop(0, L, lr, zeros, unroll=4)
            rc_v = lax.rev(plsc.cumsum(lax.rev(t_v, (0,))), (0,))
            need = K - sab
            cnt = jnp.sum((rc_v >= need).astype(jnp.int32))
            hit = cnt > 0
            b = jnp.where(found | (~hit), b, v * L + cnt - 1)
            return b, found | hit, sab + jnp.max(rc_v)
        b, _, _ = lax.fori_loop(
            0, L, fbv, (jnp.int32(-1), jnp.bool_(False), jnp.int32(0)))
        return b

    def split1(tp):
        @plsc.parallel_loop(0, NVREG, unroll=8, carry=zeros)
        def _sb(j, boff):
            base = j * L
            kv = _tr(row_v[pl.ds(base, L)])
            m = kv >= tp
            c = plsc.cumsum(m.astype(jnp.int32))
            plsc.store_scatter(idxs_v, [boff + c - 1], base + lanes, mask=m)
            return boff + plsc.all_reduce_population_count(m)
        return _sb

    def split(M, tp):
        def sb(j, boff):
            base = j * L
            valid = (base + lanes) < M
            iv = idxs_v[pl.ds(base, L)]
            kv = gather_keys(iv, valid)
            m = (kv >= tp) & valid
            c = plsc.cumsum(m.astype(jnp.int32))
            plsc.store_scatter(idxs_v, [boff + c - 1], iv, mask=m)
            return boff + plsc.all_reduce_population_count(m)
        return lax.fori_loop(0, (M + L - 1) // L, sb, zeros)

    def chunk_copy(row, c):
        return pltpu.make_async_copy(
            x_hbm.at[row, pl.ds(c * CWORDS, CWORDS)],
            row_v.at[pl.ds(c * CWORDS, CWORDS)], sems[c])

    def row_body(r, _):
        row = row0 + r
        for c in range(NCHUNK):
            chunk_copy(row, c).start()
        zero_hist(NHIST)
        for c in range(NCHUNK):
            chunk_copy(row, c).wait()
            pass1_chunk(c * CWORDS)

        b1 = find_bin(NHIST)
        tp = ((b1 ^ 0x80) & 0xFF) << 24
        boff = split1(tp)

        def level(lvl, carry):
            tp, M = carry
            shift = 16 - lvl * 8
            hi = tp | (lax.shift_left(jnp.int32(1), shift + 8) - 1)
            hist_pass(M, shift, hi)
            b = find_bin(1)
            tp = tp | lax.shift_left(b, shift)
            boff = split(M, tp)
            return tp, jnp.max(boff)
        tp, M = lax.fori_loop(0, 3, level, (tp, jnp.max(boff)))

        def fb(j, carry):
            doff, boff = carry
            base = j * L
            valid = (base + lanes) < M
            iv = idxs_v[pl.ds(base, L)]
            kv = gather_keys(iv, valid)
            m_gt = (kv > tp) & valid
            m_eq = (kv == tp) & valid
            c_gt = plsc.cumsum(m_gt.astype(jnp.int32))
            plsc.store_scatter(didx_v, [doff + c_gt - 1], iv, mask=m_gt)
            c_eq = plsc.cumsum(m_eq.astype(jnp.int32))
            plsc.store_scatter(idxs_v, [boff + c_eq - 1], iv, mask=m_eq)
            doff = doff + plsc.all_reduce_population_count(m_gt)
            boff = boff + plsc.all_reduce_population_count(m_eq)
            return doff, boff
        doff, _ = lax.fori_loop(0, (M + L - 1) // L, fb, (zeros, zeros))
        kneed = K - jnp.max(doff)
        doffs = jnp.max(doff)

        def ap(j, _):
            pos = j * L + lanes
            m = pos < kneed
            iv = idxs_v[pl.ds(j * L, L)]
            plsc.store_scatter(didx_v, [doffs + pos], iv, mask=m)
            return 0
        lax.fori_loop(0, (kneed + L - 1) // L, ap, 0)

        Is = [didx_v[pl.ds(a * L, L)] for a in range(K // L)]
        Ks = [gather_keys(iv, tmask) for iv in Is]
        rsplat = jnp.full((L,), r, jnp.int32)

        @plsc.parallel_loop(0, K, unroll=2)
        def _rk(c):
            csplat = jnp.full((L,), c, jnp.int32)
            ic = plsc.load_gather(didx_v, [csplat])
            kc = gather_keys(ic, tmask)
            rank = zeros
            for a in range(K // L):
                m = (Ks[a] > kc) | ((Ks[a] == kc) & (Is[a] < ic))
                rank = rank + plsc.all_reduce_population_count(m)
            plsc.store_scatter(ostage_v, [rsplat, rank], ic, mask=lane0)
        return 0

    lax.fori_loop(0, ROWS_PER_W, row_body, 0)
    pltpu.make_async_copy(ostage_v, out_hbm.at[pl.ds(row0, ROWS_PER_W)],
                          sem_out).start()
    pltpu.make_async_copy(ostage_v, out_hbm.at[pl.ds(row0, ROWS_PER_W)],
                          sem_out).wait()


@jax.jit
def kernel(input_tensor):
    x_i32 = lax.bitcast_convert_type(input_tensor, jnp.int32)
    mesh = plsc.VectorSubcoreMesh(core_axis_name="c", subcore_axis_name="s",
                                  num_cores=NC, num_subcores=NS)
    f = pl.kernel(
        _body,
        out_type=jax.ShapeDtypeStruct((NROWS, K), jnp.int32),
        mesh=mesh,
        scratch_types=[
            pltpu.VMEM((NCOLS,), jnp.int32),
            pltpu.VMEM((NCOLS,), jnp.int32),
            pltpu.VMEM((HSIZE * NHIST,), jnp.int32),
            pltpu.VMEM((K,), jnp.int32),
            pltpu.VMEM((ROWS_PER_W, K), jnp.int32),
            [pltpu.SemaphoreType.DMA] * NCHUNK,
            pltpu.SemaphoreType.DMA,
        ],
        compiler_params=pltpu.CompilerParams(
            needs_layout_passes=False,
            use_tc_tiling_on_sc=True,
        ),
    )
    return f(x_i32)

# --- scband reference (transcript-rebuilt; emitter-appended) ---
"""Pipeline reference for scband-top-kindices-52123723105141 (READ-ONLY COPY).

The authoritative reference and input builder live on the scoring server;
editing this copy changes nothing except your own understanding.
"""

import jax, jax.numpy as jnp
import numpy as np

K = 64

def setup_inputs(seed: int = 0) -> dict:
    key = jax.random.key(seed)
    input_tensor = jax.random.normal(key, (128, 32768), dtype=jnp.float32)
    return {"input_tensor": input_tensor}

def reference(input_tensor):
    # torch.topk(input, k) -> values sorted descending along last dim; .indices
    _, idx = jax.lax.top_k(input_tensor, K)
    return idx

if __name__ == "__main__":
    import jax
    _d = setup_inputs()
    print(jax.jit(kernel)(*tuple(_d.values())))

</pallas_src>

<mosaic_0001>
#map = affine_map<(d0, d1) -> (0, 0)>
module attributes {stable_mosaic.version = 14 : i64} {
  func.func @_body(%arg0: i32, %arg1: i32, %arg2: memref<128x32768xi32, #tpu.memory_space<hbm>>, %arg3: memref<128x64xi32, #tpu.memory_space<hbm>>, %arg4: memref<32768xi32, #tpu.memory_space<vmem>>, %arg5: memref<32768xi32, #tpu.memory_space<vmem>>, %arg6: memref<16448xi32, #tpu.memory_space<vmem>>, %arg7: memref<64xi32, #tpu.memory_space<vmem>>, %arg8: memref<4x64xi32, #tpu.memory_space<vmem>>, %arg9: memref<!tpu.dma_semaphore, #tpu.memory_space<semaphore_mem>>, %arg10: memref<!tpu.dma_semaphore, #tpu.memory_space<semaphore_mem>>, %arg11: memref<!tpu.dma_semaphore, #tpu.memory_space<semaphore_mem>>, %arg12: memref<!tpu.dma_semaphore, #tpu.memory_space<semaphore_mem>>, %arg13: memref<!tpu.dma_semaphore, #tpu.memory_space<semaphore_mem>>) attributes {dimension_semantics = [#tpu.dimension_semantics<core_parallel>, #tpu.dimension_semantics<subcore_parallel>], iteration_bounds = array<i64: 2, 16>, scalar_prefetch = 0 : i64, scratch_operands = 10 : i64, tpu.core_type = #tpu.core_type<sc_vector_subcore>, window_params = [{transform_indices = #map}, {transform_indices = #map}]} {
    %mul3A = arith.constant 2 : i32
    %mul3A_0 = arith.muli %arg1, %mul3A : i32
    %add3A = arith.addi %mul3A_0, %arg0 : i32
    %mul3A_1 = arith.constant 4 : i32
    %mul3A_2 = arith.muli %add3A, %mul3A_1 : i32
    %iota3A = tpu.iota {dimensions = array<i32: 0>} : vector<16xi32>
    %broadcast_in_dim3A = arith.constant 1 : i32
    %broadcast_in_dim3A_3 = vector.broadcast %broadcast_in_dim3A : i32 to vector<16xi32>
    %broadcast_in_dim3A_4 = arith.constant 0 : i32
    %broadcast_in_dim3A_5 = vector.broadcast %broadcast_in_dim3A_4 : i32 to vector<16xi32>
    %ge3A = arith.constant 0 : i32
    %ge3A_6 = vector.broadcast %ge3A : i32 to vector<16xi32>
    %ge3A_7 = arith.cmpi sge, %iota3A, %ge3A_6 : vector<16xi32>
    %eq3A = arith.constant 0 : i32
    %eq3A_8 = vector.broadcast %eq3A : i32 to vector<16xi32>
    %eq3A_9 = arith.cmpi eq, %iota3A, %eq3A_8 : vector<16xi32>
    %mul3A_10 = arith.constant 257 : i32
    %mul3A_11 = vector.broadcast %mul3A_10 : i32 to vector<16xi32>
    %mul3A_12 = arith.muli %iota3A, %mul3A_11 : vector<16xi32>
    %scan3A = arith.constant 0 : i32
    %scan3A_13 = arith.constant 0 : i32
    %scan3A_14 = arith.constant 4 : i32
    %scan3A_15 = arith.addi %scan3A_13, %scan3A_14 : i32
    %scan3A_16 = arith.constant 1 : i32
    %scan3A_17 = scf.for %scan3A_25 = %scan3A_13 to %scan3A_15 step %scan3A_16 iter_args(%scan3A_26 = %scan3A) -> (i32)  : i32 {
      %add3A_27 = arith.addi %mul3A_2, %scan3A_25 : i32
      %dma_start3A_28 = arith.constant 0 : i32
      %dma_start3A_29 = tpu.memref_slice %arg4[%dma_start3A_28] : memref<32768xi32, #tpu.memory_space<vmem>> -> memref<8192xi32, #tpu.memory_space<vmem>>
      %dma_start3A_30 = arith.constant 0 : i32
      %dma_start3A_31 = tpu.memref_slice %arg2[%add3A_27, %dma_start3A_30] : memref<128x32768xi32, #tpu.memory_space<hbm>> -> memref<1x8192xi32, #tpu.memory_space<hbm>>
      %dma_start3A_32 = tpu.memref_squeeze %dma_start3A_31 : memref<1x8192xi32, #tpu.memory_space<hbm>> -> memref<8192xi32, #tpu.memory_space<hbm>>
      %dma_start3A_33 = arith.constant 0 : i32
      %dma_start3A_34 = tpu.memref_slice %arg4[%dma_start3A_33] : memref<32768xi32, #tpu.memory_space<vmem>> -> memref<8192xi32, #tpu.memory_space<vmem>>
      %dma_start3A_35 = arith.constant 0 : i32
      %dma_start3A_36 = tpu.memref_slice %arg2[%add3A_27, %dma_start3A_35] : memref<128x32768xi32, #tpu.memory_space<hbm>> -> memref<1x8192xi32, #tpu.memory_space<hbm>>
      %dma_start3A_37 = tpu.memref_squeeze %dma_start3A_36 : memref<1x8192xi32, #tpu.memory_space<hbm>> -> memref<8192xi32, #tpu.memory_space<hbm>>
      tpu.enqueue_dma source(%dma_start3A_37 : memref<8192xi32, #tpu.memory_space<hbm>>) target(%dma_start3A_34 : memref<8192xi32, #tpu.memory_space<vmem>>) target_semaphore(%arg9 : memref<!tpu.dma_semaphore, #tpu.memory_space<semaphore_mem>>)
      %dma_start3A_38 = arith.constant 8192 : i32
      %dma_start3A_39 = tpu.memref_slice %arg4[%dma_start3A_38] : memref<32768xi32, #tpu.memory_space<vmem>> -> memref<8192xi32, #tpu.memory_space<vmem>>
      %dma_start3A_40 = arith.constant 8192 : i32
      %dma_start3A_41 = tpu.memref_slice %arg2[%add3A_27, %dma_start3A_40] : memref<128x32768xi32, #tpu.memory_space<hbm>> -> memref<1x8192xi32, #tpu.memory_space<hbm>>
      %dma_start3A_42 = tpu.memref_squeeze %dma_start3A_41 : memref<1x8192xi32, #tpu.memory_space<hbm>> -> memref<8192xi32, #tpu.memory_space<hbm>>
      %dma_start3A_43 = arith.constant 8192 : i32
      %dma_start3A_44 = tpu.memref_slice %arg4[%dma_start3A_43] : memref<32768xi32, #tpu.memory_space<vmem>> -> memref<8192xi32, #tpu.memory_space<vmem>>
      %dma_start3A_45 = arith.constant 8192 : i32
      %dma_start3A_46 = tpu.memref_slice %arg2[%add3A_27, %dma_start3A_45] : memref<128x32768xi32, #tpu.memory_space<hbm>> -> memref<1x8192xi32, #tpu.memory_space<hbm>>
      %dma_start3A_47 = tpu.memref_squeeze %dma_start3A_46 : memref<1x8192xi32, #tpu.memory_space<hbm>> -> memref<8192xi32, #tpu.memory_space<hbm>>
      tpu.enqueue_dma source(%dma_start3A_47 : memref<8192xi32, #tpu.memory_space<hbm>>) target(%dma_start3A_44 : memref<8192xi32, #tpu.memory_space<vmem>>) target_semaphore(%arg10 : memref<!tpu.dma_semaphore, #tpu.memory_space<semaphore_mem>>)
      %dma_start3A_48 = arith.constant 16384 : i32
      %dma_start3A_49 = tpu.memref_slice %arg4[%dma_start3A_48] : memref<32768xi32, #tpu.memory_space<vmem>> -> memref<8192xi32, #tpu.memory_space<vmem>>
      %dma_start3A_50 = arith.constant 16384 : i32
      %dma_start3A_51 = tpu.memref_slice %arg2[%add3A_27, %dma_start3A_50] : memref<128x32768xi32, #tpu.memory_space<hbm>> -> memref<1x8192xi32, #tpu.memory_space<hbm>>
      %dma_start3A_52 = tpu.memref_squeeze %dma_start3A_51 : memref<1x8192xi32, #tpu.memory_space<hbm>> -> memref<8192xi32, #tpu.memory_space<hbm>>
      %dma_start3A_53 = arith.constant 16384 : i32
      %dma_start3A_54 = tpu.memref_slice %arg4[%dma_start3A_53] : memref<32768xi32, #tpu.memory_space<vmem>> -> memref<8192xi32, #tpu.memory_space<vmem>>
      %dma_start3A_55 = arith.constant 16384 : i32
      %dma_start3A_56 = tpu.memref_slice %arg2[%add3A_27, %dma_start3A_55] : memref<128x32768xi32, #tpu.memory_space<hbm>> -> memref<1x8192xi32, #tpu.memory_space<hbm>>
      %dma_start3A_57 = tpu.memref_squeeze %dma_start3A_56 : memref<1x8192xi32, #tpu.memory_space<hbm>> -> memref<8192xi32, #tpu.memory_space<hbm>>
      tpu.enqueue_dma source(%dma_start3A_57 : memref<8192xi32, #tpu.memory_space<hbm>>) target(%dma_start3A_54 : memref<8192xi32, #tpu.memory_space<vmem>>) target_semaphore(%arg11 : memref<!tpu.dma_semaphore, #tpu.memory_space<semaphore_mem>>)
      %dma_start3A_58 = arith.constant 24576 : i32
      %dma_start3A_59 = tpu.memref_slice %arg4[%dma_start3A_58] : memref<32768xi32, #tpu.memory_space<vmem>> -> memref<8192xi32, #tpu.memory_space<vmem>>
      %dma_start3A_60 = arith.constant 24576 : i32
      %dma_start3A_61 = tpu.memref_slice %arg2[%add3A_27, %dma_start3A_60] : memref<128x32768xi32, #tpu.memory_space<hbm>> -> memref<1x8192xi32, #tpu.memory_space<hbm>>
      %dma_start3A_62 = tpu.memref_squeeze %dma_start3A_61 : memref<1x8192xi32, #tpu.memory_space<hbm>> -> memref<8192xi32, #tpu.memory_space<hbm>>
      %dma_start3A_63 = arith.constant 24576 : i32
      %dma_start3A_64 = tpu.memref_slice %arg4[%dma_start3A_63] : memref<32768xi32, #tpu.memory_space<vmem>> -> memref<8192xi32, #tpu.memory_space<vmem>>
      %dma_start3A_65 = arith.constant 24576 : i32
      %dma_start3A_66 = tpu.memref_slice %arg2[%add3A_27, %dma_start3A_65] : memref<128x32768xi32, #tpu.memory_space<hbm>> -> memref<1x8192xi32, #tpu.memory_space<hbm>>
      %dma_start3A_67 = tpu.memref_squeeze %dma_start3A_66 : memref<1x8192xi32, #tpu.memory_space<hbm>> -> memref<8192xi32, #tpu.memory_space<hbm>>
      tpu.enqueue_dma source(%dma_start3A_67 : memref<8192xi32, #tpu.memory_space<hbm>>) target(%dma_start3A_64 : memref<8192xi32, #tpu.memory_space<vmem>>) target_semaphore(%arg12 : memref<!tpu.dma_semaphore, #tpu.memory_space<semaphore_mem>>)
      %parallel_loop3A = arith.constant 0 : i32
      %parallel_loop3A_68 = arith.constant 1028 : i32
      %parallel_loop3A_69 = arith.constant 1 : i32
      scf.for %parallel_loop3A_282 = %parallel_loop3A to %parallel_loop3A_68 step %parallel_loop3A_69  : i32 {
        %parallel_loop3A_283 = arith.constant 16 : i32
        %parallel_loop3A_284 = arith.muli %parallel_loop3A_282, %parallel_loop3A_283 : i32
        %parallel_loop3A_285 = arith.index_cast %parallel_loop3A_284 : i32 to index
        %parallel_loop3A_286 = tpu.vector_load %arg6[%parallel_loop3A_285] {strides = array<i32>} : memref<16448xi32, #tpu.memory_space<vmem>>, vector<16xi32>,
        tpu.vector_store %arg6[%parallel_loop3A_285], %broadcast_in_dim3A_5 {strides = array<i32>} : memref<16448xi32, #tpu.memory_space<vmem>>, vector<16xi32>,
      } {sc.loop_unroll_factor = 4 : i64, sc.parallel_access}
      %dma_wait3A_70 = arith.constant 0 : i32
      %dma_wait3A_71 = tpu.memref_slice %arg4[%dma_wait3A_70] : memref<32768xi32, #tpu.memory_space<vmem>> -> memref<8192xi32, #tpu.memory_space<vmem>>
      %dma_wait3A_72 = arith.constant 0 : i32
      %dma_wait3A_73 = tpu.memref_slice %arg2[%add3A_27, %dma_wait3A_72] : memref<128x32768xi32, #tpu.memory_space<hbm>> -> memref<1x8192xi32, #tpu.memory_space<hbm>>
      %dma_wait3A_74 = tpu.memref_squeeze %dma_wait3A_73 : memref<1x8192xi32, #tpu.memory_space<hbm>> -> memref<8192xi32, #tpu.memory_space<hbm>>
      %dma_wait3A_75 = arith.constant 0 : i32
      %dma_wait3A_76 = tpu.memref_slice %arg4[%dma_wait3A_75] : memref<32768xi32, #tpu.memory_space<vmem>> -> memref<8192xi32, #tpu.memory_space<vmem>>
      %dma_wait3A_77 = arith.constant 0 : i32
      %dma_wait3A_78 = tpu.memref_slice %arg2[%add3A_27, %dma_wait3A_77] : memref<128x32768xi32, #tpu.memory_space<hbm>> -> memref<1x8192xi32, #tpu.memory_space<hbm>>
      %dma_wait3A_79 = tpu.memref_squeeze %dma_wait3A_78 : memref<1x8192xi32, #tpu.memory_space<hbm>> -> memref<8192xi32, #tpu.memory_space<hbm>>
      tpu.wait_dma2 semaphore(%arg9 : memref<!tpu.dma_semaphore, #tpu.memory_space<semaphore_mem>>) src(%dma_wait3A_79 : memref<8192xi32, #tpu.memory_space<hbm>>) dst(%dma_wait3A_76 : memref<8192xi32, #tpu.memory_space<vmem>>)
      %parallel_loop3A_80 = arith.constant 0 : i32
      %parallel_loop3A_81 = arith.constant 128 : i32
      %parallel_loop3A_82 = arith.constant 1 : i32
      scf.for %parallel_loop3A_282 = %parallel_loop3A_80 to %parallel_loop3A_81 step %parallel_loop3A_82  : i32 {
        %parallel_loop3A_283 = arith.constant 4 : i32
        %parallel_loop3A_284 = arith.muli %parallel_loop3A_282, %parallel_loop3A_283 : i32
        %parallel_loop3A_285 = arith.constant 0 : i32
        %parallel_loop3A_286 = arith.addi %parallel_loop3A_284, %parallel_loop3A_285 : i32
        %parallel_loop3A_287 = arith.constant 16 : i32
        %parallel_loop3A_288 = arith.muli %parallel_loop3A_286, %parallel_loop3A_287 : i32
        %parallel_loop3A_289 = arith.constant 0 : i32
        %parallel_loop3A_290 = arith.addi %parallel_loop3A_289, %parallel_loop3A_288 : i32
        %parallel_loop3A_291 = arith.index_cast %parallel_loop3A_290 : i32 to index
        %parallel_loop3A_292 = tpu.vector_load %arg4[%parallel_loop3A_291] {strides = array<i32>} : memref<32768xi32, #tpu.memory_space<vmem>>, vector<16xi32>,
        %parallel_loop3A_293 = arith.constant 0 : i32
        %parallel_loop3A_294 = vector.broadcast %parallel_loop3A_293 : i32 to vector<16xi32>
        %parallel_loop3A_295 = arith.cmpi slt, %parallel_loop3A_292, %parallel_loop3A_294 : vector<16xi32>
        %parallel_loop3A_296 = arith.constant 2147483647 : i32
        %parallel_loop3A_297 = vector.broadcast %parallel_loop3A_296 : i32 to vector<16xi32>
        %parallel_loop3A_298 = arith.xori %parallel_loop3A_292, %parallel_loop3A_297 : vector<16xi32>
        %parallel_loop3A_299 = arith.select %parallel_loop3A_295, %parallel_loop3A_298, %parallel_loop3A_292 : vector<16xi1>, vector<16xi32>
        %parallel_loop3A_300 = arith.constant 24 : i32
        %parallel_loop3A_301 = vector.broadcast %parallel_loop3A_300 : i32 to vector<16xi32>
        %parallel_loop3A_302 = arith.shrsi %parallel_loop3A_299, %parallel_loop3A_301 : vector<16xi32>
        %parallel_loop3A_303 = arith.constant 255 : i32
        %parallel_loop3A_304 = vector.broadcast %parallel_loop3A_303 : i32 to vector<16xi32>
        %parallel_loop3A_305 = arith.andi %parallel_loop3A_302, %parallel_loop3A_304 : vector<16xi32>
        %parallel_loop3A_306 = arith.constant 128 : i32
        %parallel_loop3A_307 = vector.broadcast %parallel_loop3A_306 : i32 to vector<16xi32>
        %parallel_loop3A_308 = arith.xori %parallel_loop3A_305, %parallel_loop3A_307 : vector<16xi32>
        %parallel_loop3A_309 = arith.constant 0 : i32
        %parallel_loop3A_310 = vector.broadcast %parallel_loop3A_309 : i32 to vector<16xi32>
        %parallel_loop3A_311 = arith.addi %mul3A_12, %parallel_loop3A_310 : vector<16xi32>
        %parallel_loop3A_312 = arith.addi %parallel_loop3A_308, %parallel_loop3A_311 : vector<16xi32>
        tpu.vector_store_idx %arg6[%parallel_loop3A_312], %broadcast_in_dim3A_3 masked %ge3A_7 {add = true} : memref<16448xi32, #tpu.memory_space<vmem>>[vector<16xi32>], vector<16xi32>, vector<16xi1>
        %parallel_loop3A_313 = arith.constant 4 : i32
        %parallel_loop3A_314 = arith.muli %parallel_loop3A_282, %parallel_loop3A_313 : i32
        %parallel_loop3A_315 = arith.constant 1 : i32
        %parallel_loop3A_316 = arith.addi %parallel_loop3A_314, %parallel_loop3A_315 : i32
        %parallel_loop3A_317 = arith.constant 16 : i32
        %parallel_loop3A_318 = arith.muli %parallel_loop3A_316, %parallel_loop3A_317 : i32
        %parallel_loop3A_319 = arith.constant 0 : i32
        %parallel_loop3A_320 = arith.addi %parallel_loop3A_319, %parallel_loop3A_318 : i32
        %parallel_loop3A_321 = arith.index_cast %parallel_loop3A_320 : i32 to index
        %parallel_loop3A_322 = tpu.vector_load %arg4[%parallel_loop3A_321] {strides = array<i32>} : memref<32768xi32, #tpu.memory_space<vmem>>, vector<16xi32>,
        %parallel_loop3A_323 = arith.constant 0 : i32
        %parallel_loop3A_324 = vector.broadcast %parallel_loop3A_323 : i32 to vector<16xi32>
        %parallel_loop3A_325 = arith.cmpi slt, %parallel_loop3A_322, %parallel_loop3A_324 : vector<16xi32>
        %parallel_loop3A_326 = arith.constant 2147483647 : i32
        %parallel_loop3A_327 = vector.broadcast %parallel_loop3A_326 : i32 to vector<16xi32>
        %parallel_loop3A_328 = arith.xori %parallel_loop3A_322, %parallel_loop3A_327 : vector<16xi32>
        %parallel_loop3A_329 = arith.select %parallel_loop3A_325, %parallel_loop3A_328, %parallel_loop3A_322 : vector<16xi1>, vector<16xi32>
        %parallel_loop3A_330 = arith.constant 24 : i32
        %parallel_loop3A_331 = vector.broadcast %parallel_loop3A_330 : i32 to vector<16xi32>
        %parallel_loop3A_332 = arith.shrsi %parallel_loop3A_329, %parallel_loop3A_331 : vector<16xi32>
        %parallel_loop3A_333 = arith.constant 255 : i32
        %parallel_loop3A_334 = vector.broadcast %parallel_loop3A_333 : i32 to vector<16xi32>
        %parallel_loop3A_335 = arith.andi %parallel_loop3A_332, %parallel_loop3A_334 : vector<16xi32>
        %parallel_loop3A_336 = arith.constant 128 : i32
        %parallel_loop3A_337 = vector.broadcast %parallel_loop3A_336 : i32 to vector<16xi32>
        %parallel_loop3A_338 = arith.xori %parallel_loop3A_335, %parallel_loop3A_337 : vector<16xi32>
        %parallel_loop3A_339 = arith.constant 4112 : i32
        %parallel_loop3A_340 = vector.broadcast %parallel_loop3A_339 : i32 to vector<16xi32>
        %parallel_loop3A_341 = arith.addi %mul3A_12, %parallel_loop3A_340 : vector<16xi32>
        %parallel_loop3A_342 = arith.addi %parallel_loop3A_338, %parallel_loop3A_341 : vector<16xi32>
        tpu.vector_store_idx %arg6[%parallel_loop3A_342], %broadcast_in_dim3A_3 masked %ge3A_7 {add = true} : memref<16448xi32, #tpu.memory_space<vmem>>[vector<16xi32>], vector<16xi32>, vector<16xi1>
        %parallel_loop3A_343 = arith.constant 4 : i32
        %parallel_loop3A_344 = arith.muli %parallel_loop3A_282, %parallel_loop3A_343 : i32
        %parallel_loop3A_345 = arith.constant 2 : i32
        %parallel_loop3A_346 = arith.addi %parallel_loop3A_344, %parallel_loop3A_345 : i32
        %parallel_loop3A_347 = arith.constant 16 : i32
        %parallel_loop3A_348 = arith.muli %parallel_loop3A_346, %parallel_loop3A_347 : i32
        %parallel_loop3A_349 = arith.constant 0 : i32
        %parallel_loop3A_350 = arith.addi %parallel_loop3A_349, %parallel_loop3A_348 : i32
        %parallel_loop3A_351 = arith.index_cast %parallel_loop3A_350 : i32 to index
        %parallel_loop3A_352 = tpu.vector_load %arg4[%parallel_loop3A_351] {strides = array<i32>} : memref<32768xi32, #tpu.memory_space<vmem>>, vector<16xi32>,
        %parallel_loop3A_353 = arith.constant 0 : i32
        %parallel_loop3A_354 = vector.broadcast %parallel_loop3A_353 : i32 to vector<16xi32>
        %parallel_loop3A_355 = arith.cmpi slt, %parallel_loop3A_352, %parallel_loop3A_354 : vector<16xi32>
        %parallel_loop3A_356 = arith.constant 2147483647 : i32
        %parallel_loop3A_357 = vector.broadcast %parallel_loop3A_356 : i32 to vector<16xi32>
        %parallel_loop3A_358 = arith.xori %parallel_loop3A_352, %parallel_loop3A_357 : vector<16xi32>
        %parallel_loop3A_359 = arith.select %parallel_loop3A_355, %parallel_loop3A_358, %parallel_loop3A_352 : vector<16xi1>, vector<16xi32>
        %parallel_loop3A_360 = arith.constant 24 : i32
        %parallel_loop3A_361 = vector.broadcast %parallel_loop3A_360 : i32 to vector<16xi32>
        %parallel_loop3A_362 = arith.shrsi %parallel_loop3A_359, %parallel_loop3A_361 : vector<16xi32>
        %parallel_loop3A_363 = arith.constant 255 : i32
        %parallel_loop3A_364 = vector.broadcast %parallel_loop3A_363 : i32 to vector<16xi32>
        %parallel_loop3A_365 = arith.andi %parallel_loop3A_362, %parallel_loop3A_364 : vector<16xi32>
        %parallel_loop3A_366 = arith.constant 128 : i32
        %parallel_loop3A_367 = vector.broadcast %parallel_loop3A_366 : i32 to vector<16xi32>
        %parallel_loop3A_368 = arith.xori %parallel_loop3A_365, %parallel_loop3A_367 : vector<16xi32>
        %parallel_loop3A_369 = arith.constant 8224 : i32
        %parallel_loop3A_370 = vector.broadcast %parallel_loop3A_369 : i32 to vector<16xi32>
        %parallel_loop3A_371 = arith.addi %mul3A_12, %parallel_loop3A_370 : vector<16xi32>
        %parallel_loop3A_372 = arith.addi %parallel_loop3A_368, %parallel_loop3A_371 : vector<16xi32>
        tpu.vector_store_idx %arg6[%parallel_loop3A_372], %broadcast_in_dim3A_3 masked %ge3A_7 {add = true} : memref<16448xi32, #tpu.memory_space<vmem>>[vector<16xi32>], vector<16xi32>, vector<16xi1>
        %parallel_loop3A_373 = arith.constant 4 : i32
        %parallel_loop3A_374 = arith.muli %parallel_loop3A_282, %parallel_loop3A_373 : i32
        %parallel_loop3A_375 = arith.constant 3 : i32
        %parallel_loop3A_376 = arith.addi %parallel_loop3A_374, %parallel_loop3A_375 : i32
        %parallel_loop3A_377 = arith.constant 16 : i32
        %parallel_loop3A_378 = arith.muli %parallel_loop3A_376, %parallel_loop3A_377 : i32
        %parallel_loop3A_379 = arith.constant 0 : i32
        %parallel_loop3A_380 = arith.addi %parallel_loop3A_379, %parallel_loop3A_378 : i32
        %parallel_loop3A_381 = arith.index_cast %parallel_loop3A_380 : i32 to index
        %parallel_loop3A_382 = tpu.vector_load %arg4[%parallel_loop3A_381] {strides = array<i32>} : memref<32768xi32, #tpu.memory_space<vmem>>, vector<16xi32>,
        %parallel_loop3A_383 = arith.constant 0 : i32
        %parallel_loop3A_384 = vector.broadcast %parallel_loop3A_383 : i32 to vector<16xi32>
        %parallel_loop3A_385 = arith.cmpi slt, %parallel_loop3A_382, %parallel_loop3A_384 : vector<16xi32>
        %parallel_loop3A_386 = arith.constant 2147483647 : i32
        %parallel_loop3A_387 = vector.broadcast %parallel_loop3A_386 : i32 to vector<16xi32>
        %parallel_loop3A_388 = arith.xori %parallel_loop3A_382, %parallel_loop3A_387 : vector<16xi32>
        %parallel_loop3A_389 = arith.select %parallel_loop3A_385, %parallel_loop3A_388, %parallel_loop3A_382 : vector<16xi1>, vector<16xi32>
        %parallel_loop3A_390 = arith.constant 24 : i32
        %parallel_loop3A_391 = vector.broadcast %parallel_loop3A_390 : i32 to vector<16xi32>
        %parallel_loop3A_392 = arith.shrsi %parallel_loop3A_389, %parallel_loop3A_391 : vector<16xi32>
        %parallel_loop3A_393 = arith.constant 255 : i32
        %parallel_loop3A_394 = vector.broadcast %parallel_loop3A_393 : i32 to vector<16xi32>
        %parallel_loop3A_395 = arith.andi %parallel_loop3A_392, %parallel_loop3A_394 : vector<16xi32>
        %parallel_loop3A_396 = arith.constant 128 : i32
        %parallel_loop3A_397 = vector.broadcast %parallel_loop3A_396 : i32 to vector<16xi32>
        %parallel_loop3A_398 = arith.xori %parallel_loop3A_395, %parallel_loop3A_397 : vector<16xi32>
        %parallel_loop3A_399 = arith.constant 12336 : i32
        %parallel_loop3A_400 = vector.broadcast %parallel_loop3A_399 : i32 to vector<16xi32>
        %parallel_loop3A_401 = arith.addi %mul3A_12, %parallel_loop3A_400 : vector<16xi32>
        %parallel_loop3A_402 = arith.addi %parallel_loop3A_398, %parallel_loop3A_401 : vector<16xi32>
        tpu.vector_store_idx %arg6[%parallel_loop3A_402], %broadcast_in_dim3A_3 masked %ge3A_7 {add = true} : memref<16448xi32, #tpu.memory_space<vmem>>[vector<16xi32>], vector<16xi32>, vector<16xi1>
      } {sc.loop_unroll_factor = 4 : i64, sc.parallel_access}
      %dma_wait3A_83 = arith.constant 8192 : i32
      %dma_wait3A_84 = tpu.memref_slice %arg4[%dma_wait3A_83] : memref<32768xi32, #tpu.memory_space<vmem>> -> memref<8192xi32, #tpu.memory_space<vmem>>
      %dma_wait3A_85 = arith.constant 8192 : i32
      %dma_wait3A_86 = tpu.memref_slice %arg2[%add3A_27, %dma_wait3A_85] : memref<128x32768xi32, #tpu.memory_space<hbm>> -> memref<1x8192xi32, #tpu.memory_space<hbm>>
      %dma_wait3A_87 = tpu.memref_squeeze %dma_wait3A_86 : memref<1x8192xi32, #tpu.memory_space<hbm>> -> memref<8192xi32, #tpu.memory_space<hbm>>
      %dma_wait3A_88 = arith.constant 8192 : i32
      %dma_wait3A_89 = tpu.memref_slice %arg4[%dma_wait3A_88] : memref<32768xi32, #tpu.memory_space<vmem>> -> memref<8192xi32, #tpu.memory_space<vmem>>
      %dma_wait3A_90 = arith.constant 8192 : i32
      %dma_wait3A_91 = tpu.memref_slice %arg2[%add3A_27, %dma_wait3A_90] : memref<128x32768xi32, #tpu.memory_space<hbm>> -> memref<1x8192xi32, #tpu.memory_space<hbm>>
      %dma_wait3A_92 = tpu.memref_squeeze %dma_wait3A_91 : memref<1x8192xi32, #tpu.memory_space<hbm>> -> memref<8192xi32, #tpu.memory_space<hbm>>
      tpu.wait_dma2 semaphore(%arg10 : memref<!tpu.dma_semaphore, #tpu.memory_space<semaphore_mem>>) src(%dma_wait3A_92 : memref<8192xi32, #tpu.memory_space<hbm>>) dst(%dma_wait3A_89 : memref<8192xi32, #tpu.memory_space<vmem>>)
      %parallel_loop3A_93 = arith.constant 0 : i32
      %parallel_loop3A_94 = arith.constant 128 : i32
      %parallel_loop3A_95 = arith.constant 1 : i32
      scf.for %parallel_loop3A_282 = %parallel_loop3A_93 to %parallel_loop3A_94 step %parallel_loop3A_95  : i32 {
        %parallel_loop3A_283 = arith.constant 4 : i32
        %parallel_loop3A_284 = arith.muli %parallel_loop3A_282, %parallel_loop3A_283 : i32
        %parallel_loop3A_285 = arith.constant 0 : i32
        %parallel_loop3A_286 = arith.addi %parallel_loop3A_284, %parallel_loop3A_285 : i32
        %parallel_loop3A_287 = arith.constant 16 : i32
        %parallel_loop3A_288 = arith.muli %parallel_loop3A_286, %parallel_loop3A_287 : i32
        %parallel_loop3A_289 = arith.constant 8192 : i32
        %parallel_loop3A_290 = arith.addi %parallel_loop3A_289, %parallel_loop3A_288 : i32
        %parallel_loop3A_291 = arith.index_cast %parallel_loop3A_290 : i32 to index
        %parallel_loop3A_292 = tpu.vector_load %arg4[%parallel_loop3A_291] {strides = array<i32>} : memref<32768xi32, #tpu.memory_space<vmem>>, vector<16xi32>,
        %parallel_loop3A_293 = arith.constant 0 : i32
        %parallel_loop3A_294 = vector.broadcast %parallel_loop3A_293 : i32 to vector<16xi32>
        %parallel_loop3A_295 = arith.cmpi slt, %parallel_loop3A_292, %parallel_loop3A_294 : vector<16xi32>
        %parallel_loop3A_296 = arith.constant 2147483647 : i32
        %parallel_loop3A_297 = vector.broadcast %parallel_loop3A_296 : i32 to vector<16xi32>
        %parallel_loop3A_298 = arith.xori %parallel_loop3A_292, %parallel_loop3A_297 : vector<16xi32>
        %parallel_loop3A_299 = arith.select %parallel_loop3A_295, %parallel_loop3A_298, %parallel_loop3A_292 : vector<16xi1>, vector<16xi32>
        %parallel_loop3A_300 = arith.constant 24 : i32
        %parallel_loop3A_301 = vector.broadcast %parallel_loop3A_300 : i32 to vector<16xi32>
        %parallel_loop3A_302 = arith.shrsi %parallel_loop3A_299, %parallel_loop3A_301 : vector<16xi32>
        %parallel_loop3A_303 = arith.constant 255 : i32
        %parallel_loop3A_304 = vector.broadcast %parallel_loop3A_303 : i32 to vector<16xi32>
        %parallel_loop3A_305 = arith.andi %parallel_loop3A_302, %parallel_loop3A_304 : vector<16xi32>
        %parallel_loop3A_306 = arith.constant 128 : i32
        %parallel_loop3A_307 = vector.broadcast %parallel_loop3A_306 : i32 to vector<16xi32>
        %parallel_loop3A_308 = arith.xori %parallel_loop3A_305, %parallel_loop3A_307 : vector<16xi32>
        %parallel_loop3A_309 = arith.constant 0 : i32
        %parallel_loop3A_310 = vector.broadcast %parallel_loop3A_309 : i32 to vector<16xi32>
        %parallel_loop3A_311 = arith.addi %mul3A_12, %parallel_loop3A_310 : vector<16xi32>
        %parallel_loop3A_312 = arith.addi %parallel_loop3A_308, %parallel_loop3A_311 : vector<16xi32>
        tpu.vector_store_idx %arg6[%parallel_loop3A_312], %broadcast_in_dim3A_3 masked %ge3A_7 {add = true} : memref<16448xi32, #tpu.memory_space<vmem>>[vector<16xi32>], vector<16xi32>, vector<16xi1>
        %parallel_loop3A_313 = arith.constant 4 : i32
        %parallel_loop3A_314 = arith.muli %parallel_loop3A_282, %parallel_loop3A_313 : i32
        %parallel_loop3A_315 = arith.constant 1 : i32
        %parallel_loop3A_316 = arith.addi %parallel_loop3A_314, %parallel_loop3A_315 : i32
        %parallel_loop3A_317 = arith.constant 16 : i32
        %parallel_loop3A_318 = arith.muli %parallel_loop3A_316, %parallel_loop3A_317 : i32
        %parallel_loop3A_319 = arith.constant 8192 : i32
        %parallel_loop3A_320 = arith.addi %parallel_loop3A_319, %parallel_loop3A_318 : i32
        %parallel_loop3A_321 = arith.index_cast %parallel_loop3A_320 : i32 to index
        %parallel_loop3A_322 = tpu.vector_load %arg4[%parallel_loop3A_321] {strides = array<i32>} : memref<32768xi32, #tpu.memory_space<vmem>>, vector<16xi32>,
        %parallel_loop3A_323 = arith.constant 0 : i32
        %parallel_loop3A_324 = vector.broadcast %parallel_loop3A_323 : i32 to vector<16xi32>
        %parallel_loop3A_325 = arith.cmpi slt, %parallel_loop3A_322, %parallel_loop3A_324 : vector<16xi32>
        %parallel_loop3A_326 = arith.constant 2147483647 : i32
        %parallel_loop3A_327 = vector.broadcast %parallel_loop3A_326 : i32 to vector<16xi32>
        %parallel_loop3A_328 = arith.xori %parallel_loop3A_322, %parallel_loop3A_327 : vector<16xi32>
        %parallel_loop3A_329 = arith.select %parallel_loop3A_325, %parallel_loop3A_328, %parallel_loop3A_322 : vector<16xi1>, vector<16xi32>
        %parallel_loop3A_330 = arith.constant 24 : i32
        %parallel_loop3A_331 = vector.broadcast %parallel_loop3A_330 : i32 to vector<16xi32>
        %parallel_loop3A_332 = arith.shrsi %parallel_loop3A_329, %parallel_loop3A_331 : vector<16xi32>
        %parallel_loop3A_333 = arith.constant 255 : i32
        %parallel_loop3A_334 = vector.broadcast %parallel_loop3A_333 : i32 to vector<16xi32>
        %parallel_loop3A_335 = arith.andi %parallel_loop3A_332, %parallel_loop3A_334 : vector<16xi32>
        %parallel_loop3A_336 = arith.constant 128 : i32
        %parallel_loop3A_337 = vector.broadcast %parallel_loop3A_336 : i32 to vector<16xi32>
        %parallel_loop3A_338 = arith.xori %parallel_loop3A_335, %parallel_loop3A_337 : vector<16xi32>
        %parallel_loop3A_339 = arith.constant 4112 : i32
        %parallel_loop3A_340 = vector.broadcast %parallel_loop3A_339 : i32 to vector<16xi32>
        %parallel_loop3A_341 = arith.addi %mul3A_12, %parallel_loop3A_340 : vector<16xi32>
        %parallel_loop3A_342 = arith.addi %parallel_loop3A_338, %parallel_loop3A_341 : vector<16xi32>
        tpu.vector_store_idx %arg6[%parallel_loop3A_342], %broadcast_in_dim3A_3 masked %ge3A_7 {add = true} : memref<16448xi32, #tpu.memory_space<vmem>>[vector<16xi32>], vector<16xi32>, vector<16xi1>
        %parallel_loop3A_343 = arith.constant 4 : i32
        %parallel_loop3A_344 = arith.muli %parallel_loop3A_282, %parallel_loop3A_343 : i32
        %parallel_loop3A_345 = arith.constant 2 : i32
        %parallel_loop3A_346 = arith.addi %parallel_loop3A_344, %parallel_loop3A_345 : i32
        %parallel_loop3A_347 = arith.constant 16 : i32
        %parallel_loop3A_348 = arith.muli %parallel_loop3A_346, %parallel_loop3A_347 : i32
        %parallel_loop3A_349 = arith.constant 8192 : i32
        %parallel_loop3A_350 = arith.addi %parallel_loop3A_349, %parallel_loop3A_348 : i32
        %parallel_loop3A_351 = arith.index_cast %parallel_loop3A_350 : i32 to index
        %parallel_loop3A_352 = tpu.vector_load %arg4[%parallel_loop3A_351] {strides = array<i32>} : memref<32768xi32, #tpu.memory_space<vmem>>, vector<16xi32>,
        %parallel_loop3A_353 = arith.constant 0 : i32
        %parallel_loop3A_354 = vector.broadcast %parallel_loop3A_353 : i32 to vector<16xi32>
        %parallel_loop3A_355 = arith.cmpi slt, %parallel_loop3A_352, %parallel_loop3A_354 : vector<16xi32>
        %parallel_loop3A_356 = arith.constant 2147483647 : i32
        %parallel_loop3A_357 = vector.broadcast %parallel_loop3A_356 : i32 to vector<16xi32>
        %parallel_loop3A_358 = arith.xori %parallel_loop3A_352, %parallel_loop3A_357 : vector<16xi32>
        %parallel_loop3A_359 = arith.select %parallel_loop3A_355, %parallel_loop3A_358, %parallel_loop3A_352 : vector<16xi1>, vector<16xi32>
        %parallel_loop3A_360 = arith.constant 24 : i32
        %parallel_loop3A_361 = vector.broadcast %parallel_loop3A_360 : i32 to vector<16xi32>
        %parallel_loop3A_362 = arith.shrsi %parallel_loop3A_359, %parallel_loop3A_361 : vector<16xi32>
        %parallel_loop3A_363 = arith.constant 255 : i32
        %parallel_loop3A_364 = vector.broadcast %parallel_loop3A_363 : i32 to vector<16xi32>
        %parallel_loop3A_365 = arith.andi %parallel_loop3A_362, %parallel_loop3A_364 : vector<16xi32>
        %parallel_loop3A_366 = arith.constant 128 : i32
        %parallel_loop3A_367 = vector.broadcast %parallel_loop3A_366 : i32 to vector<16xi32>
        %parallel_loop3A_368 = arith.xori %parallel_loop3A_365, %parallel_loop3A_367 : vector<16xi32>
        %parallel_loop3A_369 = arith.constant 8224 : i32
        %parallel_loop3A_370 = vector.broadcast %parallel_loop3A_369 : i32 to vector<16xi32>
        %parallel_loop3A_371 = arith.addi %mul3A_12, %parallel_loop3A_370 : vector<16xi32>
        %parallel_loop3A_372 = arith.addi %parallel_loop3A_368, %parallel_loop3A_371 : vector<16xi32>
        tpu.vector_store_idx %arg6[%parallel_loop3A_372], %broadcast_in_dim3A_3 masked %ge3A_7 {add = true} : memref<16448xi32, #tpu.memory_space<vmem>>[vector<16xi32>], vector<16xi32>, vector<16xi1>
        %parallel_loop3A_373 = arith.constant 4 : i32
        %parallel_loop3A_374 = arith.muli %parallel_loop3A_282, %parallel_loop3A_373 : i32
        %parallel_loop3A_375 = arith.constant 3 : i32
        %parallel_loop3A_376 = arith.addi %parallel_loop3A_374, %parallel_loop3A_375 : i32
        %parallel_loop3A_377 = arith.constant 16 : i32
        %parallel_loop3A_378 = arith.muli %parallel_loop3A_376, %parallel_loop3A_377 : i32
        %parallel_loop3A_379 = arith.constant 8192 : i32
        %parallel_loop3A_380 = arith.addi %parallel_loop3A_379, %parallel_loop3A_378 : i32
        %parallel_loop3A_381 = arith.index_cast %parallel_loop3A_380 : i32 to index
        %parallel_loop3A_382 = tpu.vector_load %arg4[%parallel_loop3A_381] {strides = array<i32>} : memref<32768xi32, #tpu.memory_space<vmem>>, vector<16xi32>,
        %parallel_loop3A_383 = arith.constant 0 : i32
        %parallel_loop3A_384 = vector.broadcast %parallel_loop3A_383 : i32 to vector<16xi32>
        %parallel_loop3A_385 = arith.cmpi slt, %parallel_loop3A_382, %parallel_loop3A_384 : vector<16xi32>
        %parallel_loop3A_386 = arith.constant 2147483647 : i32
        %parallel_loop3A_387 = vector.broadcast %parallel_loop3A_386 : i32 to vector<16xi32>
        %parallel_loop3A_388 = arith.xori %parallel_loop3A_382, %parallel_loop3A_387 : vector<16xi32>
        %parallel_loop3A_389 = arith.select %parallel_loop3A_385, %parallel_loop3A_388, %parallel_loop3A_382 : vector<16xi1>, vector<16xi32>
        %parallel_loop3A_390 = arith.constant 24 : i32
        %parallel_loop3A_391 = vector.broadcast %parallel_loop3A_390 : i32 to vector<16xi32>
        %parallel_loop3A_392 = arith.shrsi %parallel_loop3A_389, %parallel_loop3A_391 : vector<16xi32>
        %parallel_loop3A_393 = arith.constant 255 : i32
        %parallel_loop3A_394 = vector.broadcast %parallel_loop3A_393 : i32 to vector<16xi32>
        %parallel_loop3A_395 = arith.andi %parallel_loop3A_392, %parallel_loop3A_394 : vector<16xi32>
        %parallel_loop3A_396 = arith.constant 128 : i32
        %parallel_loop3A_397 = vector.broadcast %parallel_loop3A_396 : i32 to vector<16xi32>
        %parallel_loop3A_398 = arith.xori %parallel_loop3A_395, %parallel_loop3A_397 : vector<16xi32>
        %parallel_loop3A_399 = arith.constant 12336 : i32
        %parallel_loop3A_400 = vector.broadcast %parallel_loop3A_399 : i32 to vector<16xi32>
        %parallel_loop3A_401 = arith.addi %mul3A_12, %parallel_loop3A_400 : vector<16xi32>
        %parallel_loop3A_402 = arith.addi %parallel_loop3A_398, %parallel_loop3A_401 : vector<16xi32>
        tpu.vector_store_idx %arg6[%parallel_loop3A_402], %broadcast_in_dim3A_3 masked %ge3A_7 {add = true} : memref<16448xi32, #tpu.memory_space<vmem>>[vector<16xi32>], vector<16xi32>, vector<16xi1>
      } {sc.loop_unroll_factor = 4 : i64, sc.parallel_access}
      %dma_wait3A_96 = arith.constant 16384 : i32
      %dma_wait3A_97 = tpu.memref_slice %arg4[%dma_wait3A_96] : memref<32768xi32, #tpu.memory_space<vmem>> -> memref<8192xi32, #tpu.memory_space<vmem>>
      %dma_wait3A_98 = arith.constant 16384 : i32
      %dma_wait3A_99 = tpu.memref_slice %arg2[%add3A_27, %dma_wait3A_98] : memref<128x32768xi32, #tpu.memory_space<hbm>> -> memref<1x8192xi32, #tpu.memory_space<hbm>>
      %dma_wait3A_100 = tpu.memref_squeeze %dma_wait3A_99 : memref<1x8192xi32, #tpu.memory_space<hbm>> -> memref<8192xi32, #tpu.memory_space<hbm>>
      %dma_wait3A_101 = arith.constant 16384 : i32
      %dma_wait3A_102 = tpu.memref_slice %arg4[%dma_wait3A_101] : memref<32768xi32, #tpu.memory_space<vmem>> -> memref<8192xi32, #tpu.memory_space<vmem>>
      %dma_wait3A_103 = arith.constant 16384 : i32
      %dma_wait3A_104 = tpu.memref_slice %arg2[%add3A_27, %dma_wait3A_103] : memref<128x32768xi32, #tpu.memory_space<hbm>> -> memref<1x8192xi32, #tpu.memory_space<hbm>>
      %dma_wait3A_105 = tpu.memref_squeeze %dma_wait3A_104 : memref<1x8192xi32, #tpu.memory_space<hbm>> -> memref<8192xi32, #tpu.memory_space<hbm>>
      tpu.wait_dma2 semaphore(%arg11 : memref<!tpu.dma_semaphore, #tpu.memory_space<semaphore_mem>>) src(%dma_wait3A_105 : memref<8192xi32, #tpu.memory_space<hbm>>) dst(%dma_wait3A_102 : memref<8192xi32, #tpu.memory_space<vmem>>)
      %parallel_loop3A_106 = arith.constant 0 : i32
      %parallel_loop3A_107 = arith.constant 128 : i32
      %parallel_loop3A_108 = arith.constant 1 : i32
      scf.for %parallel_loop3A_282 = %parallel_loop3A_106 to %parallel_loop3A_107 step %parallel_loop3A_108  : i32 {
        %parallel_loop3A_283 = arith.constant 4 : i32
        %parallel_loop3A_284 = arith.muli %parallel_loop3A_282, %parallel_loop3A_283 : i32
        %parallel_loop3A_285 = arith.constant 0 : i32
        %parallel_loop3A_286 = arith.addi %parallel_loop3A_284, %parallel_loop3A_285 : i32
        %parallel_loop3A_287 = arith.constant 16 : i32
        %parallel_loop3A_288 = arith.muli %parallel_loop3A_286, %parallel_loop3A_287 : i32
        %parallel_loop3A_289 = arith.constant 16384 : i32
        %parallel_loop3A_290 = arith.addi %parallel_loop3A_289, %parallel_loop3A_288 : i32
        %parallel_loop3A_291 = arith.index_cast %parallel_loop3A_290 : i32 to index
        %parallel_loop3A_292 = tpu.vector_load %arg4[%parallel_loop3A_291] {strides = array<i32>} : memref<32768xi32, #tpu.memory_space<vmem>>, vector<16xi32>,
        %parallel_loop3A_293 = arith.constant 0 : i32
        %parallel_loop3A_294 = vector.broadcast %parallel_loop3A_293 : i32 to vector<16xi32>
        %parallel_loop3A_295 = arith.cmpi slt, %parallel_loop3A_292, %parallel_loop3A_294 : vector<16xi32>
        %parallel_loop3A_296 = arith.constant 2147483647 : i32
        %parallel_loop3A_297 = vector.broadcast %parallel_loop3A_296 : i32 to vector<16xi32>
        %parallel_loop3A_298 = arith.xori %parallel_loop3A_292, %parallel_loop3A_297 : vector<16xi32>
        %parallel_loop3A_299 = arith.select %parallel_loop3A_295, %parallel_loop3A_298, %parallel_loop3A_292 : vector<16xi1>, vector<16xi32>
        %parallel_loop3A_300 = arith.constant 24 : i32
        %parallel_loop3A_301 = vector.broadcast %parallel_loop3A_300 : i32 to vector<16xi32>
        %parallel_loop3A_302 = arith.shrsi %parallel_loop3A_299, %parallel_loop3A_301 : vector<16xi32>
        %parallel_loop3A_303 = arith.constant 255 : i32
        %parallel_loop3A_304 = vector.broadcast %parallel_loop3A_303 : i32 to vector<16xi32>
        %parallel_loop3A_305 = arith.andi %parallel_loop3A_302, %parallel_loop3A_304 : vector<16xi32>
        %parallel_loop3A_306 = arith.constant 128 : i32
        %parallel_loop3A_307 = vector.broadcast %parallel_loop3A_306 : i32 to vector<16xi32>
        %parallel_loop3A_308 = arith.xori %parallel_loop3A_305, %parallel_loop3A_307 : vector<16xi32>
        %parallel_loop3A_309 = arith.constant 0 : i32
        %parallel_loop3A_310 = vector.broadcast %parallel_loop3A_309 : i32 to vector<16xi32>
        %parallel_loop3A_311 = arith.addi %mul3A_12, %parallel_loop3A_310 : vector<16xi32>
        %parallel_loop3A_312 = arith.addi %parallel_loop3A_308, %parallel_loop3A_311 : vector<16xi32>
        tpu.vector_store_idx %arg6[%parallel_loop3A_312], %broadcast_in_dim3A_3 masked %ge3A_7 {add = true} : memref<16448xi32, #tpu.memory_space<vmem>>[vector<16xi32>], vector<16xi32>, vector<16xi1>
        %parallel_loop3A_313 = arith.constant 4 : i32
        %parallel_loop3A_314 = arith.muli %parallel_loop3A_282, %parallel_loop3A_313 : i32
        %parallel_loop3A_315 = arith.constant 1 : i32
        %parallel_loop3A_316 = arith.addi %parallel_loop3A_314, %parallel_loop3A_315 : i32
        %parallel_loop3A_317 = arith.constant 16 : i32
        %parallel_loop3A_318 = arith.muli %parallel_loop3A_316, %parallel_loop3A_317 : i32
        %parallel_loop3A_319 = arith.constant 16384 : i32
        %parallel_loop3A_320 = arith.addi %parallel_loop3A_319, %parallel_loop3A_318 : i32
        %parallel_loop3A_321 = arith.index_cast %parallel_loop3A_320 : i32 to index
        %parallel_loop3A_322 = tpu.vector_load %arg4[%parallel_loop3A_321] {strides = array<i32>} : memref<32768xi32, #tpu.memory_space<vmem>>, vector<16xi32>,
        %parallel_loop3A_323 = arith.constant 0 : i32
        %parallel_loop3A_324 = vector.broadcast %parallel_loop3A_323 : i32 to vector<16xi32>
        %parallel_loop3A_325 = arith.cmpi slt, %parallel_loop3A_322, %parallel_loop3A_324 : vector<16xi32>
        %parallel_loop3A_326 = arith.constant 2147483647 : i32
        %parallel_loop3A_327 = vector.broadcast %parallel_loop3A_326 : i32 to vector<16xi32>
        %parallel_loop3A_328 = arith.xori %parallel_loop3A_322, %parallel_loop3A_327 : vector<16xi32>
        %parallel_loop3A_329 = arith.select %parallel_loop3A_325, %parallel_loop3A_328, %parallel_loop3A_322 : vector<16xi1>, vector<16xi32>
        %parallel_loop3A_330 = arith.constant 24 : i32
        %parallel_loop3A_331 = vector.broadcast %parallel_loop3A_330 : i32 to vector<16xi32>
        %parallel_loop3A_332 = arith.shrsi %parallel_loop3A_329, %parallel_loop3A_331 : vector<16xi32>
        %parallel_loop3A_333 = arith.constant 255 : i32
        %parallel_loop3A_334 = vector.broadcast %parallel_loop3A_333 : i32 to vector<16xi32>
        %parallel_loop3A_335 = arith.andi %parallel_loop3A_332, %parallel_loop3A_334 : vector<16xi32>
        %parallel_loop3A_336 = arith.constant 128 : i32
        %parallel_loop3A_337 = vector.broadcast %parallel_loop3A_336 : i32 to vector<16xi32>
        %parallel_loop3A_338 = arith.xori %parallel_loop3A_335, %parallel_loop3A_337 : vector<16xi32>
        %parallel_loop3A_339 = arith.constant 4112 : i32
        %parallel_loop3A_340 = vector.broadcast %parallel_loop3A_339 : i32 to vector<16xi32>
        %parallel_loop3A_341 = arith.addi %mul3A_12, %parallel_loop3A_340 : vector<16xi32>
        %parallel_loop3A_342 = arith.addi %parallel_loop3A_338, %parallel_loop3A_341 : vector<16xi32>
        tpu.vector_store_idx %arg6[%parallel_loop3A_342], %broadcast_in_dim3A_3 masked %ge3A_7 {add = true} : memref<16448xi32, #tpu.memory_space<vmem>>[vector<16xi32>], vector<16xi32>, vector<16xi1>
        %parallel_loop3A_343 = arith.constant 4 : i32
        %parallel_loop3A_344 = arith.muli %parallel_loop3A_282, %parallel_loop3A_343 : i32
        %parallel_loop3A_345 = arith.constant 2 : i32
        %parallel_loop3A_346 = arith.addi %parallel_loop3A_344, %parallel_loop3A_345 : i32
        %parallel_loop3A_347 = arith.constant 16 : i32
        %parallel_loop3A_348 = arith.muli %parallel_loop3A_346, %parallel_loop3A_347 : i32
        %parallel_loop3A_349 = arith.constant 16384 : i32
        %parallel_loop3A_350 = arith.addi %parallel_loop3A_349, %parallel_loop3A_348 : i32
        %parallel_loop3A_351 = arith.index_cast %parallel_loop3A_350 : i32 to index
        %parallel_loop3A_352 = tpu.vector_load %arg4[%parallel_loop3A_351] {strides = array<i32>} : memref<32768xi32, #tpu.memory_space<vmem>>, vector<16xi32>,
        %parallel_loop3A_353 = arith.constant 0 : i32
        %parallel_loop3A_354 = vector.broadcast %parallel_loop3A_353 : i32 to vector<16xi32>
        %parallel_loop3A_355 = arith.cmpi slt, %parallel_loop3A_352, %parallel_loop3A_354 : vector<16xi32>
        %parallel_loop3A_356 = arith.constant 2147483647 : i32
        %parallel_loop3A_357 = vector.broadcast %parallel_loop3A_356 : i32 to vector<16xi32>
        %parallel_loop3A_358 = arith.xori %parallel_loop3A_352, %parallel_loop3A_357 : vector<16xi32>
        %parallel_loop3A_359 = arith.select %parallel_loop3A_355, %parallel_loop3A_358, %parallel_loop3A_352 : vector<16xi1>, vector<16xi32>
        %parallel_loop3A_360 = arith.constant 24 : i32
        %parallel_loop3A_361 = vector.broadcast %parallel_loop3A_360 : i32 to vector<16xi32>
        %parallel_loop3A_362 = arith.shrsi %parallel_loop3A_359, %parallel_loop3A_361 : vector<16xi32>
        %parallel_loop3A_363 = arith.constant 255 : i32
        %parallel_loop3A_364 = vector.broadcast %parallel_loop3A_363 : i32 to vector<16xi32>
        %parallel_loop3A_365 = arith.andi %parallel_loop3A_362, %parallel_loop3A_364 : vector<16xi32>
        %parallel_loop3A_366 = arith.constant 128 : i32
        %parallel_loop3A_367 = vector.broadcast %parallel_loop3A_366 : i32 to vector<16xi32>
        %parallel_loop3A_368 = arith.xori %parallel_loop3A_365, %parallel_loop3A_367 : vector<16xi32>
        %parallel_loop3A_369 = arith.constant 8224 : i32
        %parallel_loop3A_370 = vector.broadcast %parallel_loop3A_369 : i32 to vector<16xi32>
        %parallel_loop3A_371 = arith.addi %mul3A_12, %parallel_loop3A_370 : vector<16xi32>
        %parallel_loop3A_372 = arith.addi %parallel_loop3A_368, %parallel_loop3A_371 : vector<16xi32>
        tpu.vector_store_idx %arg6[%parallel_loop3A_372], %broadcast_in_dim3A_3 masked %ge3A_7 {add = true} : memref<16448xi32, #tpu.memory_space<vmem>>[vector<16xi32>], vector<16xi32>, vector<16xi1>
        %parallel_loop3A_373 = arith.constant 4 : i32
        %parallel_loop3A_374 = arith.muli %parallel_loop3A_282, %parallel_loop3A_373 : i32
        %parallel_loop3A_375 = arith.constant 3 : i32
        %parallel_loop3A_376 = arith.addi %parallel_loop3A_374, %parallel_loop3A_375 : i32
        %parallel_loop3A_377 = arith.constant 16 : i32
        %parallel_loop3A_378 = arith.muli %parallel_loop3A_376, %parallel_loop3A_377 : i32
        %parallel_loop3A_379 = arith.constant 16384 : i32
        %parallel_loop3A_380 = arith.addi %parallel_loop3A_379, %parallel_loop3A_378 : i32
        %parallel_loop3A_381 = arith.index_cast %parallel_loop3A_380 : i32 to index
        %parallel_loop3A_382 = tpu.vector_load %arg4[%parallel_loop3A_381] {strides = array<i32>} : memref<32768xi32, #tpu.memory_space<vmem>>, vector<16xi32>,
        %parallel_loop3A_383 = arith.constant 0 : i32
        %parallel_loop3A_384 = vector.broadcast %parallel_loop3A_383 : i32 to vector<16xi32>
        %parallel_loop3A_385 = arith.cmpi slt, %parallel_loop3A_382, %parallel_loop3A_384 : vector<16xi32>
        %parallel_loop3A_386 = arith.constant 2147483647 : i32
        %parallel_loop3A_387 = vector.broadcast %parallel_loop3A_386 : i32 to vector<16xi32>
        %parallel_loop3A_388 = arith.xori %parallel_loop3A_382, %parallel_loop3A_387 : vector<16xi32>
        %parallel_loop3A_389 = arith.select %parallel_loop3A_385, %parallel_loop3A_388, %parallel_loop3A_382 : vector<16xi1>, vector<16xi32>
        %parallel_loop3A_390 = arith.constant 24 : i32
        %parallel_loop3A_391 = vector.broadcast %parallel_loop3A_390 : i32 to vector<16xi32>
        %parallel_loop3A_392 = arith.shrsi %parallel_loop3A_389, %parallel_loop3A_391 : vector<16xi32>
        %parallel_loop3A_393 = arith.constant 255 : i32
        %parallel_loop3A_394 = vector.broadcast %parallel_loop3A_393 : i32 to vector<16xi32>
        %parallel_loop3A_395 = arith.andi %parallel_loop3A_392, %parallel_loop3A_394 : vector<16xi32>
        %parallel_loop3A_396 = arith.constant 128 : i32
        %parallel_loop3A_397 = vector.broadcast %parallel_loop3A_396 : i32 to vector<16xi32>
        %parallel_loop3A_398 = arith.xori %parallel_loop3A_395, %parallel_loop3A_397 : vector<16xi32>
        %parallel_loop3A_399 = arith.constant 12336 : i32
        %parallel_loop3A_400 = vector.broadcast %parallel_loop3A_399 : i32 to vector<16xi32>
        %parallel_loop3A_401 = arith.addi %mul3A_12, %parallel_loop3A_400 : vector<16xi32>
        %parallel_loop3A_402 = arith.addi %parallel_loop3A_398, %parallel_loop3A_401 : vector<16xi32>
        tpu.vector_store_idx %arg6[%parallel_loop3A_402], %broadcast_in_dim3A_3 masked %ge3A_7 {add = true} : memref<16448xi32, #tpu.memory_space<vmem>>[vector<16xi32>], vector<16xi32>, vector<16xi1>
      } {sc.loop_unroll_factor = 4 : i64, sc.parallel_access}
      %dma_wait3A_109 = arith.constant 24576 : i32
      %dma_wait3A_110 = tpu.memref_slice %arg4[%dma_wait3A_109] : memref<32768xi32, #tpu.memory_space<vmem>> -> memref<8192xi32, #tpu.memory_space<vmem>>
      %dma_wait3A_111 = arith.constant 24576 : i32
      %dma_wait3A_112 = tpu.memref_slice %arg2[%add3A_27, %dma_wait3A_111] : memref<128x32768xi32, #tpu.memory_space<hbm>> -> memref<1x8192xi32, #tpu.memory_space<hbm>>
      %dma_wait3A_113 = tpu.memref_squeeze %dma_wait3A_112 : memref<1x8192xi32, #tpu.memory_space<hbm>> -> memref<8192xi32, #tpu.memory_space<hbm>>
      %dma_wait3A_114 = arith.constant 24576 : i32
      %dma_wait3A_115 = tpu.memref_slice %arg4[%dma_wait3A_114] : memref<32768xi32, #tpu.memory_space<vmem>> -> memref<8192xi32, #tpu.memory_space<vmem>>
      %dma_wait3A_116 = arith.constant 24576 : i32
      %dma_wait3A_117 = tpu.memref_slice %arg2[%add3A_27, %dma_wait3A_116] : memref<128x32768xi32, #tpu.memory_space<hbm>> -> memref<1x8192xi32, #tpu.memory_space<hbm>>
      %dma_wait3A_118 = tpu.memref_squeeze %dma_wait3A_117 : memref<1x8192xi32, #tpu.memory_space<hbm>> -> memref<8192xi32, #tpu.memory_space<hbm>>
      tpu.wait_dma2 semaphore(%arg12 : memref<!tpu.dma_semaphore, #tpu.memory_space<semaphore_mem>>) src(%dma_wait3A_118 : memref<8192xi32, #tpu.memory_space<hbm>>) dst(%dma_wait3A_115 : memref<8192xi32, #tpu.memory_space<vmem>>)
      %parallel_loop3A_119 = arith.constant 0 : i32
      %parallel_loop3A_120 = arith.constant 128 : i32
      %parallel_loop3A_121 = arith.constant 1 : i32
      scf.for %parallel_loop3A_282 = %parallel_loop3A_119 to %parallel_loop3A_120 step %parallel_loop3A_121  : i32 {
        %parallel_loop3A_283 = arith.constant 4 : i32
        %parallel_loop3A_284 = arith.muli %parallel_loop3A_282, %parallel_loop3A_283 : i32
        %parallel_loop3A_285 = arith.constant 0 : i32
        %parallel_loop3A_286 = arith.addi %parallel_loop3A_284, %parallel_loop3A_285 : i32
        %parallel_loop3A_287 = arith.constant 16 : i32
        %parallel_loop3A_288 = arith.muli %parallel_loop3A_286, %parallel_loop3A_287 : i32
        %parallel_loop3A_289 = arith.constant 24576 : i32
        %parallel_loop3A_290 = arith.addi %parallel_loop3A_289, %parallel_loop3A_288 : i32
        %parallel_loop3A_291 = arith.index_cast %parallel_loop3A_290 : i32 to index
        %parallel_loop3A_292 = tpu.vector_load %arg4[%parallel_loop3A_291] {strides = array<i32>} : memref<32768xi32, #tpu.memory_space<vmem>>, vector<16xi32>,
        %parallel_loop3A_293 = arith.constant 0 : i32
        %parallel_loop3A_294 = vector.broadcast %parallel_loop3A_293 : i32 to vector<16xi32>
        %parallel_loop3A_295 = arith.cmpi slt, %parallel_loop3A_292, %parallel_loop3A_294 : vector<16xi32>
        %parallel_loop3A_296 = arith.constant 2147483647 : i32
        %parallel_loop3A_297 = vector.broadcast %parallel_loop3A_296 : i32 to vector<16xi32>
        %parallel_loop3A_298 = arith.xori %parallel_loop3A_292, %parallel_loop3A_297 : vector<16xi32>
        %parallel_loop3A_299 = arith.select %parallel_loop3A_295, %parallel_loop3A_298, %parallel_loop3A_292 : vector<16xi1>, vector<16xi32>
        %parallel_loop3A_300 = arith.constant 24 : i32
        %parallel_loop3A_301 = vector.broadcast %parallel_loop3A_300 : i32 to vector<16xi32>
        %parallel_loop3A_302 = arith.shrsi %parallel_loop3A_299, %parallel_loop3A_301 : vector<16xi32>
        %parallel_loop3A_303 = arith.constant 255 : i32
        %parallel_loop3A_304 = vector.broadcast %parallel_loop3A_303 : i32 to vector<16xi32>
        %parallel_loop3A_305 = arith.andi %parallel_loop3A_302, %parallel_loop3A_304 : vector<16xi32>
        %parallel_loop3A_306 = arith.constant 128 : i32
        %parallel_loop3A_307 = vector.broadcast %parallel_loop3A_306 : i32 to vector<16xi32>
        %parallel_loop3A_308 = arith.xori %parallel_loop3A_305, %parallel_loop3A_307 : vector<16xi32>
        %parallel_loop3A_309 = arith.constant 0 : i32
        %parallel_loop3A_310 = vector.broadcast %parallel_loop3A_309 : i32 to vector<16xi32>
        %parallel_loop3A_311 = arith.addi %mul3A_12, %parallel_loop3A_310 : vector<16xi32>
        %parallel_loop3A_312 = arith.addi %parallel_loop3A_308, %parallel_loop3A_311 : vector<16xi32>
        tpu.vector_store_idx %arg6[%parallel_loop3A_312], %broadcast_in_dim3A_3 masked %ge3A_7 {add = true} : memref<16448xi32, #tpu.memory_space<vmem>>[vector<16xi32>], vector<16xi32>, vector<16xi1>
        %parallel_loop3A_313 = arith.constant 4 : i32
        %parallel_loop3A_314 = arith.muli %parallel_loop3A_282, %parallel_loop3A_313 : i32
        %parallel_loop3A_315 = arith.constant 1 : i32
        %parallel_loop3A_316 = arith.addi %parallel_loop3A_314, %parallel_loop3A_315 : i32
        %parallel_loop3A_317 = arith.constant 16 : i32
        %parallel_loop3A_318 = arith.muli %parallel_loop3A_316, %parallel_loop3A_317 : i32
        %parallel_loop3A_319 = arith.constant 24576 : i32
        %parallel_loop3A_320 = arith.addi %parallel_loop3A_319, %parallel_loop3A_318 : i32
        %parallel_loop3A_321 = arith.index_cast %parallel_loop3A_320 : i32 to index
        %parallel_loop3A_322 = tpu.vector_load %arg4[%parallel_loop3A_321] {strides = array<i32>} : memref<32768xi32, #tpu.memory_space<vmem>>, vector<16xi32>,
        %parallel_loop3A_323 = arith.constant 0 : i32
        %parallel_loop3A_324 = vector.broadcast %parallel_loop3A_323 : i32 to vector<16xi32>
        %parallel_loop3A_325 = arith.cmpi slt, %parallel_loop3A_322, %parallel_loop3A_324 : vector<16xi32>
        %parallel_loop3A_326 = arith.constant 2147483647 : i32
        %parallel_loop3A_327 = vector.broadcast %parallel_loop3A_326 : i32 to vector<16xi32>
        %parallel_loop3A_328 = arith.xori %parallel_loop3A_322, %parallel_loop3A_327 : vector<16xi32>
        %parallel_loop3A_329 = arith.select %parallel_loop3A_325, %parallel_loop3A_328, %parallel_loop3A_322 : vector<16xi1>, vector<16xi32>
        %parallel_loop3A_330 = arith.constant 24 : i32
        %parallel_loop3A_331 = vector.broadcast %parallel_loop3A_330 : i32 to vector<16xi32>
        %parallel_loop3A_332 = arith.shrsi %parallel_loop3A_329, %parallel_loop3A_331 : vector<16xi32>
        %parallel_loop3A_333 = arith.constant 255 : i32
        %parallel_loop3A_334 = vector.broadcast %parallel_loop3A_333 : i32 to vector<16xi32>
        %parallel_loop3A_335 = arith.andi %parallel_loop3A_332, %parallel_loop3A_334 : vector<16xi32>
        %parallel_loop3A_336 = arith.constant 128 : i32
        %parallel_loop3A_337 = vector.broadcast %parallel_loop3A_336 : i32 to vector<16xi32>
        %parallel_loop3A_338 = arith.xori %parallel_loop3A_335, %parallel_loop3A_337 : vector<16xi32>
        %parallel_loop3A_339 = arith.constant 4112 : i32
        %parallel_loop3A_340 = vector.broadcast %parallel_loop3A_339 : i32 to vector<16xi32>
        %parallel_loop3A_341 = arith.addi %mul3A_12, %parallel_loop3A_340 : vector<16xi32>
        %parallel_loop3A_342 = arith.addi %parallel_loop3A_338, %parallel_loop3A_341 : vector<16xi32>
        tpu.vector_store_idx %arg6[%parallel_loop3A_342], %broadcast_in_dim3A_3 masked %ge3A_7 {add = true} : memref<16448xi32, #tpu.memory_space<vmem>>[vector<16xi32>], vector<16xi32>, vector<16xi1>
        %parallel_loop3A_343 = arith.constant 4 : i32
        %parallel_loop3A_344 = arith.muli %parallel_loop3A_282, %parallel_loop3A_343 : i32
        %parallel_loop3A_345 = arith.constant 2 : i32
        %parallel_loop3A_346 = arith.addi %parallel_loop3A_344, %parallel_loop3A_345 : i32
        %parallel_loop3A_347 = arith.constant 16 : i32
        %parallel_loop3A_348 = arith.muli %parallel_loop3A_346, %parallel_loop3A_347 : i32
        %parallel_loop3A_349 = arith.constant 24576 : i32
        %parallel_loop3A_350 = arith.addi %parallel_loop3A_349, %parallel_loop3A_348 : i32
        %parallel_loop3A_351 = arith.index_cast %parallel_loop3A_350 : i32 to index
        %parallel_loop3A_352 = tpu.vector_load %arg4[%parallel_loop3A_351] {strides = array<i32>} : memref<32768xi32, #tpu.memory_space<vmem>>, vector<16xi32>,
        %parallel_loop3A_353 = arith.constant 0 : i32
        %parallel_loop3A_354 = vector.broadcast %parallel_loop3A_353 : i32 to vector<16xi32>
        %parallel_loop3A_355 = arith.cmpi slt, %parallel_loop3A_352, %parallel_loop3A_354 : vector<16xi32>
        %parallel_loop3A_356 = arith.constant 2147483647 : i32
        %parallel_loop3A_357 = vector.broadcast %parallel_loop3A_356 : i32 to vector<16xi32>
        %parallel_loop3A_358 = arith.xori %parallel_loop3A_352, %parallel_loop3A_357 : vector<16xi32>
        %parallel_loop3A_359 = arith.select %parallel_loop3A_355, %parallel_loop3A_358, %parallel_loop3A_352 : vector<16xi1>, vector<16xi32>
        %parallel_loop3A_360 = arith.constant 24 : i32
        %parallel_loop3A_361 = vector.broadcast %parallel_loop3A_360 : i32 to vector<16xi32>
        %parallel_loop3A_362 = arith.shrsi %parallel_loop3A_359, %parallel_loop3A_361 : vector<16xi32>
        %parallel_loop3A_363 = arith.constant 255 : i32
        %parallel_loop3A_364 = vector.broadcast %parallel_loop3A_363 : i32 to vector<16xi32>
        %parallel_loop3A_365 = arith.andi %parallel_loop3A_362, %parallel_loop3A_364 : vector<16xi32>
        %parallel_loop3A_366 = arith.constant 128 : i32
        %parallel_loop3A_367 = vector.broadcast %parallel_loop3A_366 : i32 to vector<16xi32>
        %parallel_loop3A_368 = arith.xori %parallel_loop3A_365, %parallel_loop3A_367 : vector<16xi32>
        %parallel_loop3A_369 = arith.constant 8224 : i32
        %parallel_loop3A_370 = vector.broadcast %parallel_loop3A_369 : i32 to vector<16xi32>
        %parallel_loop3A_371 = arith.addi %mul3A_12, %parallel_loop3A_370 : vector<16xi32>
        %parallel_loop3A_372 = arith.addi %parallel_loop3A_368, %parallel_loop3A_371 : vector<16xi32>
        tpu.vector_store_idx %arg6[%parallel_loop3A_372], %broadcast_in_dim3A_3 masked %ge3A_7 {add = true} : memref<16448xi32, #tpu.memory_space<vmem>>[vector<16xi32>], vector<16xi32>, vector<16xi1>
        %parallel_loop3A_373 = arith.constant 4 : i32
        %parallel_loop3A_374 = arith.muli %parallel_loop3A_282, %parallel_loop3A_373 : i32
        %parallel_loop3A_375 = arith.constant 3 : i32
        %parallel_loop3A_376 = arith.addi %parallel_loop3A_374, %parallel_loop3A_375 : i32
        %parallel_loop3A_377 = arith.constant 16 : i32
        %parallel_loop3A_378 = arith.muli %parallel_loop3A_376, %parallel_loop3A_377 : i32
        %parallel_loop3A_379 = arith.constant 24576 : i32
        %parallel_loop3A_380 = arith.addi %parallel_loop3A_379, %parallel_loop3A_378 : i32
        %parallel_loop3A_381 = arith.index_cast %parallel_loop3A_380 : i32 to index
        %parallel_loop3A_382 = tpu.vector_load %arg4[%parallel_loop3A_381] {strides = array<i32>} : memref<32768xi32, #tpu.memory_space<vmem>>, vector<16xi32>,
        %parallel_loop3A_383 = arith.constant 0 : i32
        %parallel_loop3A_384 = vector.broadcast %parallel_loop3A_383 : i32 to vector<16xi32>
        %parallel_loop3A_385 = arith.cmpi slt, %parallel_loop3A_382, %parallel_loop3A_384 : vector<16xi32>
        %parallel_loop3A_386 = arith.constant 2147483647 : i32
        %parallel_loop3A_387 = vector.broadcast %parallel_loop3A_386 : i32 to vector<16xi32>
        %parallel_loop3A_388 = arith.xori %parallel_loop3A_382, %parallel_loop3A_387 : vector<16xi32>
        %parallel_loop3A_389 = arith.select %parallel_loop3A_385, %parallel_loop3A_388, %parallel_loop3A_382 : vector<16xi1>, vector<16xi32>
        %parallel_loop3A_390 = arith.constant 24 : i32
        %parallel_loop3A_391 = vector.broadcast %parallel_loop3A_390 : i32 to vector<16xi32>
        %parallel_loop3A_392 = arith.shrsi %parallel_loop3A_389, %parallel_loop3A_391 : vector<16xi32>
        %parallel_loop3A_393 = arith.constant 255 : i32
        %parallel_loop3A_394 = vector.broadcast %parallel_loop3A_393 : i32 to vector<16xi32>
        %parallel_loop3A_395 = arith.andi %parallel_loop3A_392, %parallel_loop3A_394 : vector<16xi32>
        %parallel_loop3A_396 = arith.constant 128 : i32
        %parallel_loop3A_397 = vector.broadcast %parallel_loop3A_396 : i32 to vector<16xi32>
        %parallel_loop3A_398 = arith.xori %parallel_loop3A_395, %parallel_loop3A_397 : vector<16xi32>
        %parallel_loop3A_399 = arith.constant 12336 : i32
        %parallel_loop3A_400 = vector.broadcast %parallel_loop3A_399 : i32 to vector<16xi32>
        %parallel_loop3A_401 = arith.addi %mul3A_12, %parallel_loop3A_400 : vector<16xi32>
        %parallel_loop3A_402 = arith.addi %parallel_loop3A_398, %parallel_loop3A_401 : vector<16xi32>
        tpu.vector_store_idx %arg6[%parallel_loop3A_402], %broadcast_in_dim3A_3 masked %ge3A_7 {add = true} : memref<16448xi32, #tpu.memory_space<vmem>>[vector<16xi32>], vector<16xi32>, vector<16xi1>
      } {sc.loop_unroll_factor = 4 : i64, sc.parallel_access}
      %scan3A_122 = arith.constant -1 : i32
      %scan3A_123 = arith.constant false
      %scan3A_124 = arith.constant 0 : i32
      %scan3A_125 = arith.constant 0 : i32
      %scan3A_126 = arith.constant 16 : i32
      %scan3A_127 = arith.addi %scan3A_125, %scan3A_126 : i32
      %scan3A_128 = arith.constant 1 : i32
      %scan3A_129:3 = scf.for %scan3A_282 = %scan3A_125 to %scan3A_127 step %scan3A_128 iter_args(%scan3A_283 = %scan3A_122, %scan3A_284 = %scan3A_123, %scan3A_285 = %scan3A_124) -> (i32, i1, i32)  : i32 {
        %sub3A_286 = arith.constant 15 : i32
        %sub3A_287 = arith.subi %sub3A_286, %scan3A_282 : i32
        %scan3A_288 = arith.constant 0 : i32
        %scan3A_289 = arith.constant 16 : i32
        %scan3A_290 = arith.addi %scan3A_288, %scan3A_289 : i32
        %scan3A_291 = arith.constant 4 : i32
        %scan3A_292 = scf.for %scan3A_330 = %scan3A_288 to %scan3A_290 step %scan3A_291 iter_args(%scan3A_331 = %broadcast_in_dim3A_5) -> (vector<16xi32>)  : i32 {
          %mul3A_332 = arith.constant 257 : i32
          %mul3A_333 = arith.muli %scan3A_330, %mul3A_332 : i32
          %add3A_334 = arith.constant 0 : i32
          %add3A_335 = arith.addi %mul3A_333, %add3A_334 : i32
          %mul3A_336 = arith.constant 16 : i32
          %mul3A_337 = arith.muli %sub3A_287, %mul3A_336 : i32
          %add3A_338 = arith.addi %add3A_335, %mul3A_337 : i32
          %get3A_339 = arith.index_cast %add3A_338 : i32 to index
          %get3A_340 = tpu.vector_load %arg6[%get3A_339] {strides = array<i32>} : memref<16448xi32, #tpu.memory_space<vmem>>, vector<16xi32>,
          %add3A_341 = arith.addi %scan3A_331, %get3A_340 : vector<16xi32>
          %mul3A_342 = arith.constant 257 : i32
          %mul3A_343 = arith.muli %scan3A_330, %mul3A_342 : i32
          %add3A_344 = arith.constant 4112 : i32
          %add3A_345 = arith.addi %mul3A_343, %add3A_344 : i32
          %mul3A_346 = arith.constant 16 : i32
          %mul3A_347 = arith.muli %sub3A_287, %mul3A_346 : i32
          %add3A_348 = arith.addi %add3A_345, %mul3A_347 : i32
          %get3A_349 = arith.index_cast %add3A_348 : i32 to index
          %get3A_350 = tpu.vector_load %arg6[%get3A_349] {strides = array<i32>} : memref<16448xi32, #tpu.memory_space<vmem>>, vector<16xi32>,
          %add3A_351 = arith.addi %add3A_341, %get3A_350 : vector<16xi32>
          %mul3A_352 = arith.constant 257 : i32
          %mul3A_353 = arith.muli %scan3A_330, %mul3A_352 : i32
          %add3A_354 = arith.constant 8224 : i32
          %add3A_355 = arith.addi %mul3A_353, %add3A_354 : i32
          %mul3A_356 = arith.constant 16 : i32
          %mul3A_357 = arith.muli %sub3A_287, %mul3A_356 : i32
          %add3A_358 = arith.addi %add3A_355, %mul3A_357 : i32
          %get3A_359 = arith.index_cast %add3A_358 : i32 to index
          %get3A_360 = tpu.vector_load %arg6[%get3A_359] {strides = array<i32>} : memref<16448xi32, #tpu.memory_space<vmem>>, vector<16xi32>,
          %add3A_361 = arith.addi %add3A_351, %get3A_360 : vector<16xi32>
          %mul3A_362 = arith.constant 257 : i32
          %mul3A_363 = arith.muli %scan3A_330, %mul3A_362 : i32
          %add3A_364 = arith.constant 12336 : i32
          %add3A_365 = arith.addi %mul3A_363, %add3A_364 : i32
          %mul3A_366 = arith.constant 16 : i32
          %mul3A_367 = arith.muli %sub3A_287, %mul3A_366 : i32
          %add3A_368 = arith.addi %add3A_365, %mul3A_367 : i32
          %get3A_369 = arith.index_cast %add3A_368 : i32 to index
          %get3A_370 = tpu.vector_load %arg6[%get3A_369] {strides = array<i32>} : memref<16448xi32, #tpu.memory_space<vmem>>, vector<16xi32>,
          %add3A_371 = arith.addi %add3A_361, %get3A_370 : vector<16xi32>
          %scan3A_372 = arith.constant 1 : i32
          %scan3A_373 = arith.addi %scan3A_330, %scan3A_372 : i32
          %mul3A_374 = arith.constant 257 : i32
          %mul3A_375 = arith.muli %scan3A_373, %mul3A_374 : i32
          %add3A_376 = arith.constant 0 : i32
          %add3A_377 = arith.addi %mul3A_375, %add3A_376 : i32
          %mul3A_378 = arith.constant 16 : i32
          %mul3A_379 = arith.muli %sub3A_287, %mul3A_378 : i32
          %add3A_380 = arith.addi %add3A_377, %mul3A_379 : i32
          %get3A_381 = arith.index_cast %add3A_380 : i32 to index
          %get3A_382 = tpu.vector_load %arg6[%get3A_381] {strides = array<i32>} : memref<16448xi32, #tpu.memory_space<vmem>>, vector<16xi32>,
          %add3A_383 = arith.addi %add3A_371, %get3A_382 : vector<16xi32>
          %mul3A_384 = arith.constant 257 : i32
          %mul3A_385 = arith.muli %scan3A_373, %mul3A_384 : i32
          %add3A_386 = arith.constant 4112 : i32
          %add3A_387 = arith.addi %mul3A_385, %add3A_386 : i32
          %mul3A_388 = arith.constant 16 : i32
          %mul3A_389 = arith.muli %sub3A_287, %mul3A_388 : i32
          %add3A_390 = arith.addi %add3A_387, %mul3A_389 : i32
          %get3A_391 = arith.index_cast %add3A_390 : i32 to index
          %get3A_392 = tpu.vector_load %arg6[%get3A_391] {strides = array<i32>} : memref<16448xi32, #tpu.memory_space<vmem>>, vector<16xi32>,
          %add3A_393 = arith.addi %add3A_383, %get3A_392 : vector<16xi32>
          %mul3A_394 = arith.constant 257 : i32
          %mul3A_395 = arith.muli %scan3A_373, %mul3A_394 : i32
          %add3A_396 = arith.constant 8224 : i32
          %add3A_397 = arith.addi %mul3A_395, %add3A_396 : i32
          %mul3A_398 = arith.constant 16 : i32
          %mul3A_399 = arith.muli %sub3A_287, %mul3A_398 : i32
          %add3A_400 = arith.addi %add3A_397, %mul3A_399 : i32
          %get3A_401 = arith.index_cast %add3A_400 : i32 to index
          %get3A_402 = tpu.vector_load %arg6[%get3A_401] {strides = array<i32>} : memref<16448xi32, #tpu.memory_space<vmem>>, vector<16xi32>,
          %add3A_403 = arith.addi %add3A_393, %get3A_402 : vector<16xi32>
          %mul3A_404 = arith.constant 257 : i32
          %mul3A_405 = arith.muli %scan3A_373, %mul3A_404 : i32
          %add3A_406 = arith.constant 12336 : i32
          %add3A_407 = arith.addi %mul3A_405, %add3A_406 : i32
          %mul3A_408 = arith.constant 16 : i32
          %mul3A_409 = arith.muli %sub3A_287, %mul3A_408 : i32
          %add3A_410 = arith.addi %add3A_407, %mul3A_409 : i32
          %get3A_411 = arith.index_cast %add3A_410 : i32 to index
          %get3A_412 = tpu.vector_load %arg6[%get3A_411] {strides = array<i32>} : memref<16448xi32, #tpu.memory_space<vmem>>, vector<16xi32>,
          %add3A_413 = arith.addi %add3A_403, %get3A_412 : vector<16xi32>
          %scan3A_414 = arith.constant 2 : i32
          %scan3A_415 = arith.addi %scan3A_330, %scan3A_414 : i32
          %mul3A_416 = arith.constant 257 : i32
          %mul3A_417 = arith.muli %scan3A_415, %mul3A_416 : i32
          %add3A_418 = arith.constant 0 : i32
          %add3A_419 = arith.addi %mul3A_417, %add3A_418 : i32
          %mul3A_420 = arith.constant 16 : i32
          %mul3A_421 = arith.muli %sub3A_287, %mul3A_420 : i32
          %add3A_422 = arith.addi %add3A_419, %mul3A_421 : i32
          %get3A_423 = arith.index_cast %add3A_422 : i32 to index
          %get3A_424 = tpu.vector_load %arg6[%get3A_423] {strides = array<i32>} : memref<16448xi32, #tpu.memory_space<vmem>>, vector<16xi32>,
          %add3A_425 = arith.addi %add3A_413, %get3A_424 : vector<16xi32>
          %mul3A_426 = arith.constant 257 : i32
          %mul3A_427 = arith.muli %scan3A_415, %mul3A_426 : i32
          %add3A_428 = arith.constant 4112 : i32
          %add3A_429 = arith.addi %mul3A_427, %add3A_428 : i32
          %mul3A_430 = arith.constant 16 : i32
          %mul3A_431 = arith.muli %sub3A_287, %mul3A_430 : i32
          %add3A_432 = arith.addi %add3A_429, %mul3A_431 : i32
          %get3A_433 = arith.index_cast %add3A_432 : i32 to index
          %get3A_434 = tpu.vector_load %arg6[%get3A_433] {strides = array<i32>} : memref<16448xi32, #tpu.memory_space<vmem>>, vector<16xi32>,
          %add3A_435 = arith.addi %add3A_425, %get3A_434 : vector<16xi32>
          %mul3A_436 = arith.constant 257 : i32
          %mul3A_437 = arith.muli %scan3A_415, %mul3A_436 : i32
          %add3A_438 = arith.constant 8224 : i32
          %add3A_439 = arith.addi %mul3A_437, %add3A_438 : i32
          %mul3A_440 = arith.constant 16 : i32
          %mul3A_441 = arith.muli %sub3A_287, %mul3A_440 : i32
          %add3A_442 = arith.addi %add3A_439, %mul3A_441 : i32
          %get3A_443 = arith.index_cast %add3A_442 : i32 to index
          %get3A_444 = tpu.vector_load %arg6[%get3A_443] {strides = array<i32>} : memref<16448xi32, #tpu.memory_space<vmem>>, vector<16xi32>,
          %add3A_445 = arith.addi %add3A_435, %get3A_444 : vector<16xi32>
          %mul3A_446 = arith.constant 257 : i32
          %mul3A_447 = arith.muli %scan3A_415, %mul3A_446 : i32
          %add3A_448 = arith.constant 12336 : i32
          %add3A_449 = arith.addi %mul3A_447, %add3A_448 : i32
          %mul3A_450 = arith.constant 16 : i32
          %mul3A_451 = arith.muli %sub3A_287, %mul3A_450 : i32
          %add3A_452 = arith.addi %add3A_449, %mul3A_451 : i32
          %get3A_453 = arith.index_cast %add3A_452 : i32 to index
          %get3A_454 = tpu.vector_load %arg6[%get3A_453] {strides = array<i32>} : memref<16448xi32, #tpu.memory_space<vmem>>, vector<16xi32>,
          %add3A_455 = arith.addi %add3A_445, %get3A_454 : vector<16xi32>
          %scan3A_456 = arith.constant 3 : i32
          %scan3A_457 = arith.addi %scan3A_330, %scan3A_456 : i32
          %mul3A_458 = arith.constant 257 : i32
          %mul3A_459 = arith.muli %scan3A_457, %mul3A_458 : i32
          %add3A_460 = arith.constant 0 : i32
          %add3A_461 = arith.addi %mul3A_459, %add3A_460 : i32
          %mul3A_462 = arith.constant 16 : i32
          %mul3A_463 = arith.muli %sub3A_287, %mul3A_462 : i32
          %add3A_464 = arith.addi %add3A_461, %mul3A_463 : i32
          %get3A_465 = arith.index_cast %add3A_464 : i32 to index
          %get3A_466 = tpu.vector_load %arg6[%get3A_465] {strides = array<i32>} : memref<16448xi32, #tpu.memory_space<vmem>>, vector<16xi32>,
          %add3A_467 = arith.addi %add3A_455, %get3A_466 : vector<16xi32>
          %mul3A_468 = arith.constant 257 : i32
          %mul3A_469 = arith.muli %scan3A_457, %mul3A_468 : i32
          %add3A_470 = arith.constant 4112 : i32
          %add3A_471 = arith.addi %mul3A_469, %add3A_470 : i32
          %mul3A_472 = arith.constant 16 : i32
          %mul3A_473 = arith.muli %sub3A_287, %mul3A_472 : i32
          %add3A_474 = arith.addi %add3A_471, %mul3A_473 : i32
          %get3A_475 = arith.index_cast %add3A_474 : i32 to index
          %get3A_476 = tpu.vector_load %arg6[%get3A_475] {strides = array<i32>} : memref<16448xi32, #tpu.memory_space<vmem>>, vector<16xi32>,
          %add3A_477 = arith.addi %add3A_467, %get3A_476 : vector<16xi32>
          %mul3A_478 = arith.constant 257 : i32
          %mul3A_479 = arith.muli %scan3A_457, %mul3A_478 : i32
          %add3A_480 = arith.constant 8224 : i32
          %add3A_481 = arith.addi %mul3A_479, %add3A_480 : i32
          %mul3A_482 = arith.constant 16 : i32
          %mul3A_483 = arith.muli %sub3A_287, %mul3A_482 : i32
          %add3A_484 = arith.addi %add3A_481, %mul3A_483 : i32
          %get3A_485 = arith.index_cast %add3A_484 : i32 to index
          %get3A_486 = tpu.vector_load %arg6[%get3A_485] {strides = array<i32>} : memref<16448xi32, #tpu.memory_space<vmem>>, vector<16xi32>,
          %add3A_487 = arith.addi %add3A_477, %get3A_486 : vector<16xi32>
          %mul3A_488 = arith.constant 257 : i32
          %mul3A_489 = arith.muli %scan3A_457, %mul3A_488 : i32
          %add3A_490 = arith.constant 12336 : i32
          %add3A_491 = arith.addi %mul3A_489, %add3A_490 : i32
          %mul3A_492 = arith.constant 16 : i32
          %mul3A_493 = arith.muli %sub3A_287, %mul3A_492 : i32
          %add3A_494 = arith.addi %add3A_491, %mul3A_493 : i32
          %get3A_495 = arith.index_cast %add3A_494 : i32 to index
          %get3A_496 = tpu.vector_load %arg6[%get3A_495] {strides = array<i32>} : memref<16448xi32, #tpu.memory_space<vmem>>, vector<16xi32>,
          %add3A_497 = arith.addi %add3A_487, %get3A_496 : vector<16xi32>
          scf.yield %add3A_497 : vector<16xi32>
        }
        %scan3A_293 = arith.constant 16 : i32
        %rev3A = arith.constant 15 : i32
        %rev3A_294 = vector.broadcast %rev3A : i32 to vector<16xi32>
        %rev3A_295 = tpu.iota {dimensions = array<i32: 0>} : vector<16xi32>
        %rev3A_296 = arith.subi %rev3A_294, %rev3A_295 : vector<16xi32>
        %rev3A_297 = tpu.dynamic_gather %scan3A_292[%rev3A_296] in [0] : vector<16xi32>, vector<16xi32> -> vector<16xi32>
        %broadcast_in_dim3A_298 = arith.constant true
        %broadcast_in_dim3A_299 = vector.broadcast %broadcast_in_dim3A_298 : i1 to vector<16xi1>
        %masked_cumsum3A = tpu.scan <sum>, %rev3A_297 masked %broadcast_in_dim3A_299 : vector<16xi32>, vector<16xi1> -> vector<16xi32>
        %rev3A_300 = arith.constant 15 : i32
        %rev3A_301 = vector.broadcast %rev3A_300 : i32 to vector<16xi32>
        %rev3A_302 = tpu.iota {dimensions = array<i32: 0>} : vector<16xi32>
        %rev3A_303 = arith.subi %rev3A_301, %rev3A_302 : vector<16xi32>
        %rev3A_304 = tpu.dynamic_gather %masked_cumsum3A[%rev3A_303] in [0] : vector<16xi32>, vector<16xi32> -> vector<16xi32>
        %sub3A_305 = arith.constant 64 : i32
        %sub3A_306 = arith.subi %sub3A_305, %scan3A_285 : i32
        %ge3A_307 = vector.broadcast %sub3A_306 : i32 to vector<16xi32>
        %ge3A_308 = arith.cmpi sge, %rev3A_304, %ge3A_307 : vector<16xi32>
        %convert_element_type3A = arith.extui %ge3A_308 : vector<16xi1> to vector<16xi32>
        %reduce_sum3A = arith.constant true
        %reduce_sum3A_309 = vector.broadcast %reduce_sum3A : i1 to vector<16xi1>
        %reduce_sum3A_310 = tpu.scan <sum>, %convert_element_type3A masked %reduce_sum3A_309 : vector<16xi32>, vector<16xi1> -> vector<16xi32>
        %reduce_sum3A_311 = vector.extract %reduce_sum3A_310[15] : i32 from vector<16xi32>
        %gt3A = arith.constant 0 : i32
        %gt3A_312 = arith.cmpi sgt, %reduce_sum3A_311, %gt3A : i32
        %not3A = arith.constant true
        %not3A_313 = arith.xori %gt3A_312, %not3A : i1
        %or3A = arith.ori %scan3A_284, %not3A_313 : i1
        %mul3A_314 = arith.constant 16 : i32
        %mul3A_315 = arith.muli %sub3A_287, %mul3A_314 : i32
        %add3A_316 = arith.addi %mul3A_315, %reduce_sum3A_311 : i32
        %sub3A_317 = arith.constant 1 : i32
        %sub3A_318 = arith.subi %add3A_316, %sub3A_317 : i32
        %select_n3A_319 = arith.select %or3A, %scan3A_283, %sub3A_318 : i32
        %or3A_320 = arith.ori %scan3A_284, %gt3A_312 : i1
        %reduce_max3A_321 = arith.constant true
        %reduce_max3A_322 = vector.broadcast %reduce_max3A_321 : i1 to vector<16xi1>
        %reduce_max3A_323 = arith.constant -2147483648 : i32
        %reduce_max3A_324 = vector.broadcast %reduce_max3A_323 : i32 to vector<16xi32>
        %reduce_max3A_325 = arith.xori %rev3A_304, %reduce_max3A_324 : vector<16xi32>
        %reduce_max3A_326 = tpu.scan <max>, %reduce_max3A_325 masked %reduce_max3A_322 : vector<16xi32>, vector<16xi1> -> vector<16xi32>
        %reduce_max3A_327 = arith.xori %reduce_max3A_326, %reduce_max3A_324 : vector<16xi32>
        %reduce_max3A_328 = vector.extract %reduce_max3A_327[15] : i32 from vector<16xi32>
        %add3A_329 = arith.addi %scan3A_285, %reduce_max3A_328 : i32
        scf.yield %select_n3A_319, %or3A_320, %add3A_329 : i32, i1, i32
      }
      %scan3A_130 = arith.constant 16 : i32
      %xor3A = arith.constant 128 : i32
      %xor3A_131 = arith.xori %scan3A_129#0, %xor3A : i32
      %and3A = arith.constant 255 : i32
      %and3A_132 = arith.andi %xor3A_131, %and3A : i32
      %shift_left3A = arith.constant 24 : i32
      %shift_left3A_133 = arith.shli %and3A_132, %shift_left3A : i32
      %parallel_loop3A_134 = arith.constant 0 : i32
      %parallel_loop3A_135 = arith.constant 2048 : i32
      %parallel_loop3A_136 = arith.constant 1 : i32
      %parallel_loop3A_137 = scf.for %parallel_loop3A_282 = %parallel_loop3A_134 to %parallel_loop3A_135 step %parallel_loop3A_136 iter_args(%parallel_loop3A_283 = %broadcast_in_dim3A_5) -> (vector<16xi32>)  : i32 {
        %parallel_loop3A_284 = arith.constant 16 : i32
        %parallel_loop3A_285 = arith.muli %parallel_loop3A_282, %parallel_loop3A_284 : i32
        %parallel_loop3A_286 = arith.index_cast %parallel_loop3A_285 : i32 to index
        %parallel_loop3A_287 = tpu.vector_load %arg4[%parallel_loop3A_286] {strides = array<i32>} : memref<32768xi32, #tpu.memory_space<vmem>>, vector<16xi32>,
        %parallel_loop3A_288 = arith.constant 0 : i32
        %parallel_loop3A_289 = vector.broadcast %parallel_loop3A_288 : i32 to vector<16xi32>
        %parallel_loop3A_290 = arith.cmpi slt, %parallel_loop3A_287, %parallel_loop3A_289 : vector<16xi32>
        %parallel_loop3A_291 = arith.constant 2147483647 : i32
        %parallel_loop3A_292 = vector.broadcast %parallel_loop3A_291 : i32 to vector<16xi32>
        %parallel_loop3A_293 = arith.xori %parallel_loop3A_287, %parallel_loop3A_292 : vector<16xi32>
        %parallel_loop3A_294 = arith.select %parallel_loop3A_290, %parallel_loop3A_293, %parallel_loop3A_287 : vector<16xi1>, vector<16xi32>
        %parallel_loop3A_295 = vector.broadcast %shift_left3A_133 : i32 to vector<16xi32>
        %parallel_loop3A_296 = arith.cmpi sge, %parallel_loop3A_294, %parallel_loop3A_295 : vector<16xi32>
        %parallel_loop3A_297 = arith.extui %parallel_loop3A_296 : vector<16xi1> to vector<16xi32>
        %parallel_loop3A_298 = arith.constant true
        %parallel_loop3A_299 = vector.broadcast %parallel_loop3A_298 : i1 to vector<16xi1>
        %parallel_loop3A_300 = tpu.scan <sum>, %parallel_loop3A_297 masked %parallel_loop3A_299 : vector<16xi32>, vector<16xi1> -> vector<16xi32>
        %parallel_loop3A_301 = arith.addi %parallel_loop3A_283, %parallel_loop3A_300 : vector<16xi32>
        %parallel_loop3A_302 = arith.constant 1 : i32
        %parallel_loop3A_303 = vector.broadcast %parallel_loop3A_302 : i32 to vector<16xi32>
        %parallel_loop3A_304 = arith.subi %parallel_loop3A_301, %parallel_loop3A_303 : vector<16xi32>
        %parallel_loop3A_305 = vector.broadcast %parallel_loop3A_285 : i32 to vector<16xi32>
        %parallel_loop3A_306 = arith.addi %parallel_loop3A_305, %iota3A : vector<16xi32>
        tpu.vector_store_idx %arg5[%parallel_loop3A_304], %parallel_loop3A_306 masked %parallel_loop3A_296 : memref<32768xi32, #tpu.memory_space<vmem>>[vector<16xi32>], vector<16xi32>, vector<16xi1>
        %parallel_loop3A_307 = tpu.all_reduce %parallel_loop3A_296 {dim = 0 : i64, kind = #tpu.reduction_kind<sum>} : vector<16xi1> -> vector<16xi32>
        %parallel_loop3A_308 = arith.addi %parallel_loop3A_283, %parallel_loop3A_307 : vector<16xi32>
        scf.yield %parallel_loop3A_308 : vector<16xi32>
      } {sc.loop_unroll_factor = 8 : i64, sc.parallel_access}
      %reduce_max3A = arith.constant true
      %reduce_max3A_138 = vector.broadcast %reduce_max3A : i1 to vector<16xi1>
      %reduce_max3A_139 = arith.constant -2147483648 : i32
      %reduce_max3A_140 = vector.broadcast %reduce_max3A_139 : i32 to vector<16xi32>
      %reduce_max3A_141 = arith.xori %parallel_loop3A_137, %reduce_max3A_140 : vector<16xi32>
      %reduce_max3A_142 = tpu.scan <max>, %reduce_max3A_141 masked %reduce_max3A_138 : vector<16xi32>, vector<16xi1> -> vector<16xi32>
      %reduce_max3A_143 = arith.xori %reduce_max3A_142, %reduce_max3A_140 : vector<16xi32>
      %reduce_max3A_144 = vector.extract %reduce_max3A_143[15] : i32 from vector<16xi32>
      %scan3A_145 = arith.constant 0 : i32
      %scan3A_146 = arith.constant 3 : i32
      %scan3A_147 = arith.addi %scan3A_145, %scan3A_146 : i32
      %scan3A_148 = arith.constant 1 : i32
      %scan3A_149:2 = scf.for %scan3A_282 = %scan3A_145 to %scan3A_147 step %scan3A_148 iter_args(%scan3A_283 = %shift_left3A_133, %scan3A_284 = %reduce_max3A_144) -> (i32, i32)  : i32 {
        %mul3A_285 = arith.constant 8 : i32
        %mul3A_286 = arith.muli %scan3A_282, %mul3A_285 : i32
        %sub3A_287 = arith.constant 16 : i32
        %sub3A_288 = arith.subi %sub3A_287, %mul3A_286 : i32
        %add3A_289 = arith.constant 8 : i32
        %add3A_290 = arith.addi %sub3A_288, %add3A_289 : i32
        %shift_left3A_291 = arith.constant 1 : i32
        %shift_left3A_292 = arith.shli %shift_left3A_291, %add3A_290 : i32
        %sub3A_293 = arith.constant 1 : i32
        %sub3A_294 = arith.subi %shift_left3A_292, %sub3A_293 : i32
        %or3A = arith.ori %scan3A_283, %sub3A_294 : i32
        %parallel_loop3A_295 = arith.constant 0 : i32
        %parallel_loop3A_296 = arith.constant 257 : i32
        %parallel_loop3A_297 = arith.constant 1 : i32
        scf.for %parallel_loop3A_396 = %parallel_loop3A_295 to %parallel_loop3A_296 step %parallel_loop3A_297  : i32 {
          %parallel_loop3A_397 = arith.constant 16 : i32
          %parallel_loop3A_398 = arith.muli %parallel_loop3A_396, %parallel_loop3A_397 : i32
          %parallel_loop3A_399 = arith.index_cast %parallel_loop3A_398 : i32 to index
          %parallel_loop3A_400 = tpu.vector_load %arg6[%parallel_loop3A_399] {strides = array<i32>} : memref<16448xi32, #tpu.memory_space<vmem>>, vector<16xi32>,
          tpu.vector_store %arg6[%parallel_loop3A_399], %broadcast_in_dim3A_5 {strides = array<i32>} : memref<16448xi32, #tpu.memory_space<vmem>>, vector<16xi32>,
        } {sc.loop_unroll_factor = 4 : i64, sc.parallel_access}
        %add3A_298 = arith.constant 16 : i32
        %add3A_299 = arith.addi %scan3A_284, %add3A_298 : i32
        %sub3A_300 = arith.constant 1 : i32
        %sub3A_301 = arith.subi %add3A_299, %sub3A_300 : i32
        %jit3A_302 = arith.constant 16 : i32
        %div3A_303 = arith.divsi %sub3A_301, %jit3A_302 : i32
        %sign3A_304 = arith.constant 0 : i32
        %sign3A_305 = arith.cmpi sgt, %sub3A_301, %sign3A_304 : i32
        %sign3A_306 = arith.extui %sign3A_305 : i1 to i32
        %sign3A_307 = arith.constant 0 : i32
        %sign3A_308 = arith.cmpi slt, %sub3A_301, %sign3A_307 : i32
        %sign3A_309 = arith.extui %sign3A_308 : i1 to i32
        %sign3A_310 = arith.subi %sign3A_306, %sign3A_309 : i32
        %sign3A_311 = arith.constant 0 : i32
        %sign3A_312 = arith.cmpi sgt, %jit3A_302, %sign3A_311 : i32
        %sign3A_313 = arith.extui %sign3A_312 : i1 to i32
        %sign3A_314 = arith.constant 0 : i32
        %sign3A_315 = arith.cmpi slt, %jit3A_302, %sign3A_314 : i32
        %sign3A_316 = arith.extui %sign3A_315 : i1 to i32
        %sign3A_317 = arith.subi %sign3A_313, %sign3A_316 : i32
        %ne3A_318 = arith.cmpi ne, %sign3A_310, %sign3A_317 : i32
        %rem3A_319 = arith.remsi %sub3A_301, %jit3A_302 : i32
        %ne3A_320 = arith.constant 0 : i32
        %ne3A_321 = arith.cmpi ne, %rem3A_319, %ne3A_320 : i32
        %and3A_322 = arith.andi %ne3A_318, %ne3A_321 : i1
        %sub3A_323 = arith.constant 1 : i32
        %sub3A_324 = arith.subi %div3A_303, %sub3A_323 : i32
        %select_n3A_325 = arith.select %and3A_322, %sub3A_324, %div3A_303 : i32
        %while3A_326 = arith.constant 0 : i32
        %while3A_327 = arith.constant 0 : i32
        %while3A_328 = arith.subi %select_n3A_325, %while3A_326 : i32
        %while3A_329 = arith.addi %while3A_326, %while3A_328 : i32
        %while3A_330 = arith.constant 1 : i32
        %while3A_331 = arith.divsi %while3A_328, %while3A_330 : i32
        %while3A_332 = arith.muli %while3A_331, %while3A_330 : i32
        %while3A_333 = arith.addi %while3A_326, %while3A_332 : i32
        %while3A_334 = arith.constant 1 : i32
        %while3A_335 = scf.for %while3A_396 = %while3A_326 to %while3A_333 step %while3A_334 iter_args(%while3A_397 = %while3A_327) -> (i32)  : i32 {
          %mul3A_398 = arith.constant 16 : i32
          %mul3A_399 = arith.muli %while3A_396, %mul3A_398 : i32
          %add3A_400 = vector.broadcast %mul3A_399 : i32 to vector<16xi32>
          %add3A_401 = arith.addi %add3A_400, %iota3A : vector<16xi32>
          %lt3A_402 = vector.broadcast %scan3A_284 : i32 to vector<16xi32>
          %lt3A_403 = arith.cmpi slt, %add3A_401, %lt3A_402 : vector<16xi32>
          %get3A_404 = arith.index_cast %mul3A_399 : i32 to index
          %get3A_405 = tpu.vector_load %arg5[%get3A_404] {strides = array<i32>} : memref<32768xi32, #tpu.memory_space<vmem>>, vector<16xi32>,
          %gather3A_406 = tpu.vector_load_idx %arg4[%get3A_405] masked %lt3A_403 : memref<32768xi32, #tpu.memory_space<vmem>>[vector<16xi32>], vector<16xi32>, vector<16xi1>
          %lt3A_407 = arith.constant 0 : i32
          %lt3A_408 = vector.broadcast %lt3A_407 : i32 to vector<16xi32>
          %lt3A_409 = arith.cmpi slt, %gather3A_406, %lt3A_408 : vector<16xi32>
          %xor3A_410 = arith.constant 2147483647 : i32
          %xor3A_411 = vector.broadcast %xor3A_410 : i32 to vector<16xi32>
          %xor3A_412 = arith.xori %gather3A_406, %xor3A_411 : vector<16xi32>
          %select_n3A_413 = arith.select %lt3A_409, %xor3A_412, %gather3A_406 : vector<16xi1>, vector<16xi32>
          %gt3A = vector.broadcast %or3A : i32 to vector<16xi32>
          %gt3A_414 = arith.cmpi sgt, %select_n3A_413, %gt3A : vector<16xi32>
          %shift_right_arithmetic3A = vector.broadcast %sub3A_288 : i32 to vector<16xi32>
          %shift_right_arithmetic3A_415 = arith.shrsi %select_n3A_413, %shift_right_arithmetic3A : vector<16xi32>
          %and3A_416 = arith.constant 255 : i32
          %and3A_417 = vector.broadcast %and3A_416 : i32 to vector<16xi32>
          %and3A_418 = arith.andi %shift_right_arithmetic3A_415, %and3A_417 : vector<16xi32>
          %jit3A_419 = arith.constant 255 : i32
          %broadcast_in_dim3A_420 = vector.broadcast %jit3A_419 : i32 to vector<16xi32>
          %select_n3A_421 = arith.select %gt3A_414, %broadcast_in_dim3A_420, %and3A_418 : vector<16xi1>, vector<16xi32>
          %add3A_422 = arith.addi %select_n3A_421, %mul3A_12 : vector<16xi32>
          tpu.vector_store_idx %arg6[%add3A_422], %broadcast_in_dim3A_3 masked %lt3A_403 {add = true} : memref<16448xi32, #tpu.memory_space<vmem>>[vector<16xi32>], vector<16xi32>, vector<16xi1>
          %while3A_423 = arith.constant 0 : i32
          scf.yield %while3A_423 : i32
        }
        %while3A_336 = arith.constant 1 : i32
        %while3A_337 = scf.for %while3A_396 = %while3A_333 to %while3A_329 step %while3A_336 iter_args(%while3A_397 = %while3A_335) -> (i32)  : i32 {
          %mul3A_398 = arith.constant 16 : i32
          %mul3A_399 = arith.muli %while3A_396, %mul3A_398 : i32
          %add3A_400 = vector.broadcast %mul3A_399 : i32 to vector<16xi32>
          %add3A_401 = arith.addi %add3A_400, %iota3A : vector<16xi32>
          %lt3A_402 = vector.broadcast %scan3A_284 : i32 to vector<16xi32>
          %lt3A_403 = arith.cmpi slt, %add3A_401, %lt3A_402 : vector<16xi32>
          %get3A_404 = arith.index_cast %mul3A_399 : i32 to index
          %get3A_405 = tpu.vector_load %arg5[%get3A_404] {strides = array<i32>} : memref<32768xi32, #tpu.memory_space<vmem>>, vector<16xi32>,
          %gather3A_406 = tpu.vector_load_idx %arg4[%get3A_405] masked %lt3A_403 : memref<32768xi32, #tpu.memory_space<vmem>>[vector<16xi32>], vector<16xi32>, vector<16xi1>
          %lt3A_407 = arith.constant 0 : i32
          %lt3A_408 = vector.broadcast %lt3A_407 : i32 to vector<16xi32>
          %lt3A_409 = arith.cmpi slt, %gather3A_406, %lt3A_408 : vector<16xi32>
          %xor3A_410 = arith.constant 2147483647 : i32
          %xor3A_411 = vector.broadcast %xor3A_410 : i32 to vector<16xi32>
          %xor3A_412 = arith.xori %gather3A_406, %xor3A_411 : vector<16xi32>
          %select_n3A_413 = arith.select %lt3A_409, %xor3A_412, %gather3A_406 : vector<16xi1>, vector<16xi32>
          %gt3A = vector.broadcast %or3A : i32 to vector<16xi32>
          %gt3A_414 = arith.cmpi sgt, %select_n3A_413, %gt3A : vector<16xi32>
          %shift_right_arithmetic3A = vector.broadcast %sub3A_288 : i32 to vector<16xi32>
          %shift_right_arithmetic3A_415 = arith.shrsi %select_n3A_413, %shift_right_arithmetic3A : vector<16xi32>
          %and3A_416 = arith.constant 255 : i32
          %and3A_417 = vector.broadcast %and3A_416 : i32 to vector<16xi32>
          %and3A_418 = arith.andi %shift_right_arithmetic3A_415, %and3A_417 : vector<16xi32>
          %jit3A_419 = arith.constant 255 : i32
          %broadcast_in_dim3A_420 = vector.broadcast %jit3A_419 : i32 to vector<16xi32>
          %select_n3A_421 = arith.select %gt3A_414, %broadcast_in_dim3A_420, %and3A_418 : vector<16xi1>, vector<16xi32>
          %add3A_422 = arith.addi %select_n3A_421, %mul3A_12 : vector<16xi32>
          tpu.vector_store_idx %arg6[%add3A_422], %broadcast_in_dim3A_3 masked %lt3A_403 {add = true} : memref<16448xi32, #tpu.memory_space<vmem>>[vector<16xi32>], vector<16xi32>, vector<16xi1>
          %while3A_423 = arith.constant 0 : i32
          scf.yield %while3A_423 : i32
        }
        %scan3A_338 = arith.constant -1 : i32
        %scan3A_339 = arith.constant false
        %scan3A_340 = arith.constant 0 : i32
        %scan3A_341 = arith.constant 0 : i32
        %scan3A_342 = arith.constant 16 : i32
        %scan3A_343 = arith.addi %scan3A_341, %scan3A_342 : i32
        %scan3A_344 = arith.constant 1 : i32
        %scan3A_345:3 = scf.for %scan3A_396 = %scan3A_341 to %scan3A_343 step %scan3A_344 iter_args(%scan3A_397 = %scan3A_338, %scan3A_398 = %scan3A_339, %scan3A_399 = %scan3A_340) -> (i32, i1, i32)  : i32 {
          %sub3A_400 = arith.constant 15 : i32
          %sub3A_401 = arith.subi %sub3A_400, %scan3A_396 : i32
          %scan3A_402 = arith.constant 0 : i32
          %scan3A_403 = arith.constant 16 : i32
          %scan3A_404 = arith.addi %scan3A_402, %scan3A_403 : i32
          %scan3A_405 = arith.constant 4 : i32
          %scan3A_406 = scf.for %scan3A_445 = %scan3A_402 to %scan3A_404 step %scan3A_405 iter_args(%scan3A_446 = %broadcast_in_dim3A_5) -> (vector<16xi32>)  : i32 {
            %mul3A_447 = arith.constant 257 : i32
            %mul3A_448 = arith.muli %scan3A_445, %mul3A_447 : i32
            %add3A_449 = arith.constant 0 : i32
            %add3A_450 = arith.addi %mul3A_448, %add3A_449 : i32
            %mul3A_451 = arith.constant 16 : i32
            %mul3A_452 = arith.muli %sub3A_401, %mul3A_451 : i32
            %add3A_453 = arith.addi %add3A_450, %mul3A_452 : i32
            %get3A_454 = arith.index_cast %add3A_453 : i32 to index
            %get3A_455 = tpu.vector_load %arg6[%get3A_454] {strides = array<i32>} : memref<16448xi32, #tpu.memory_space<vmem>>, vector<16xi32>,
            %add3A_456 = arith.addi %scan3A_446, %get3A_455 : vector<16xi32>
            %scan3A_457 = arith.constant 1 : i32
            %scan3A_458 = arith.addi %scan3A_445, %scan3A_457 : i32
            %mul3A_459 = arith.constant 257 : i32
            %mul3A_460 = arith.muli %scan3A_458, %mul3A_459 : i32
            %add3A_461 = arith.constant 0 : i32
            %add3A_462 = arith.addi %mul3A_460, %add3A_461 : i32
            %mul3A_463 = arith.constant 16 : i32
            %mul3A_464 = arith.muli %sub3A_401, %mul3A_463 : i32
            %add3A_465 = arith.addi %add3A_462, %mul3A_464 : i32
            %get3A_466 = arith.index_cast %add3A_465 : i32 to index
            %get3A_467 = tpu.vector_load %arg6[%get3A_466] {strides = array<i32>} : memref<16448xi32, #tpu.memory_space<vmem>>, vector<16xi32>,
            %add3A_468 = arith.addi %add3A_456, %get3A_467 : vector<16xi32>
            %scan3A_469 = arith.constant 2 : i32
            %scan3A_470 = arith.addi %scan3A_445, %scan3A_469 : i32
            %mul3A_471 = arith.constant 257 : i32
            %mul3A_472 = arith.muli %scan3A_470, %mul3A_471 : i32
            %add3A_473 = arith.constant 0 : i32
            %add3A_474 = arith.addi %mul3A_472, %add3A_473 : i32
            %mul3A_475 = arith.constant 16 : i32
            %mul3A_476 = arith.muli %sub3A_401, %mul3A_475 : i32
            %add3A_477 = arith.addi %add3A_474, %mul3A_476 : i32
            %get3A_478 = arith.index_cast %add3A_477 : i32 to index
            %get3A_479 = tpu.vector_load %arg6[%get3A_478] {strides = array<i32>} : memref<16448xi32, #tpu.memory_space<vmem>>, vector<16xi32>,
            %add3A_480 = arith.addi %add3A_468, %get3A_479 : vector<16xi32>
            %scan3A_481 = arith.constant 3 : i32
            %scan3A_482 = arith.addi %scan3A_445, %scan3A_481 : i32
            %mul3A_483 = arith.constant 257 : i32
            %mul3A_484 = arith.muli %scan3A_482, %mul3A_483 : i32
            %add3A_485 = arith.constant 0 : i32
            %add3A_486 = arith.addi %mul3A_484, %add3A_485 : i32
            %mul3A_487 = arith.constant 16 : i32
            %mul3A_488 = arith.muli %sub3A_401, %mul3A_487 : i32
            %add3A_489 = arith.addi %add3A_486, %mul3A_488 : i32
            %get3A_490 = arith.index_cast %add3A_489 : i32 to index
            %get3A_491 = tpu.vector_load %arg6[%get3A_490] {strides = array<i32>} : memref<16448xi32, #tpu.memory_space<vmem>>, vector<16xi32>,
            %add3A_492 = arith.addi %add3A_480, %get3A_491 : vector<16xi32>
            scf.yield %add3A_492 : vector<16xi32>
          }
          %scan3A_407 = arith.constant 16 : i32
          %rev3A = arith.constant 15 : i32
          %rev3A_408 = vector.broadcast %rev3A : i32 to vector<16xi32>
          %rev3A_409 = tpu.iota {dimensions = array<i32: 0>} : vector<16xi32>
          %rev3A_410 = arith.subi %rev3A_408, %rev3A_409 : vector<16xi32>
          %rev3A_411 = tpu.dynamic_gather %scan3A_406[%rev3A_410] in [0] : vector<16xi32>, vector<16xi32> -> vector<16xi32>
          %broadcast_in_dim3A_412 = arith.constant true
          %broadcast_in_dim3A_413 = vector.broadcast %broadcast_in_dim3A_412 : i1 to vector<16xi1>
          %masked_cumsum3A = tpu.scan <sum>, %rev3A_411 masked %broadcast_in_dim3A_413 : vector<16xi32>, vector<16xi1> -> vector<16xi32>
          %rev3A_414 = arith.constant 15 : i32
          %rev3A_415 = vector.broadcast %rev3A_414 : i32 to vector<16xi32>
          %rev3A_416 = tpu.iota {dimensions = array<i32: 0>} : vector<16xi32>
          %rev3A_417 = arith.subi %rev3A_415, %rev3A_416 : vector<16xi32>
          %rev3A_418 = tpu.dynamic_gather %masked_cumsum3A[%rev3A_417] in [0] : vector<16xi32>, vector<16xi32> -> vector<16xi32>
          %sub3A_419 = arith.constant 64 : i32
          %sub3A_420 = arith.subi %sub3A_419, %scan3A_399 : i32
          %ge3A_421 = vector.broadcast %sub3A_420 : i32 to vector<16xi32>
          %ge3A_422 = arith.cmpi sge, %rev3A_418, %ge3A_421 : vector<16xi32>
          %convert_element_type3A = arith.extui %ge3A_422 : vector<16xi1> to vector<16xi32>
          %reduce_sum3A = arith.constant true
          %reduce_sum3A_423 = vector.broadcast %reduce_sum3A : i1 to vector<16xi1>
          %reduce_sum3A_424 = tpu.scan <sum>, %convert_element_type3A masked %reduce_sum3A_423 : vector<16xi32>, vector<16xi1> -> vector<16xi32>
          %reduce_sum3A_425 = vector.extract %reduce_sum3A_424[15] : i32 from vector<16xi32>
          %gt3A = arith.constant 0 : i32
          %gt3A_426 = arith.cmpi sgt, %reduce_sum3A_425, %gt3A : i32
          %not3A = arith.constant true
          %not3A_427 = arith.xori %gt3A_426, %not3A : i1
          %or3A_428 = arith.ori %scan3A_398, %not3A_427 : i1
          %mul3A_429 = arith.constant 16 : i32
          %mul3A_430 = arith.muli %sub3A_401, %mul3A_429 : i32
          %add3A_431 = arith.addi %mul3A_430, %reduce_sum3A_425 : i32
          %sub3A_432 = arith.constant 1 : i32
          %sub3A_433 = arith.subi %add3A_431, %sub3A_432 : i32
          %select_n3A_434 = arith.select %or3A_428, %scan3A_397, %sub3A_433 : i32
          %or3A_435 = arith.ori %scan3A_398, %gt3A_426 : i1
          %reduce_max3A_436 = arith.constant true
          %reduce_max3A_437 = vector.broadcast %reduce_max3A_436 : i1 to vector<16xi1>
          %reduce_max3A_438 = arith.constant -2147483648 : i32
          %reduce_max3A_439 = vector.broadcast %reduce_max3A_438 : i32 to vector<16xi32>
          %reduce_max3A_440 = arith.xori %rev3A_418, %reduce_max3A_439 : vector<16xi32>
          %reduce_max3A_441 = tpu.scan <max>, %reduce_max3A_440 masked %reduce_max3A_437 : vector<16xi32>, vector<16xi1> -> vector<16xi32>
          %reduce_max3A_442 = arith.xori %reduce_max3A_441, %reduce_max3A_439 : vector<16xi32>
          %reduce_max3A_443 = vector.extract %reduce_max3A_442[15] : i32 from vector<16xi32>
          %add3A_444 = arith.addi %scan3A_399, %reduce_max3A_443 : i32
          scf.yield %select_n3A_434, %or3A_435, %add3A_444 : i32, i1, i32
        }
        %scan3A_346 = arith.constant 16 : i32
        %shift_left3A_347 = arith.shli %scan3A_345#0, %sub3A_288 : i32
        %or3A_348 = arith.ori %scan3A_283, %shift_left3A_347 : i32
        %add3A_349 = arith.constant 16 : i32
        %add3A_350 = arith.addi %scan3A_284, %add3A_349 : i32
        %sub3A_351 = arith.constant 1 : i32
        %sub3A_352 = arith.subi %add3A_350, %sub3A_351 : i32
        %jit3A_353 = arith.constant 16 : i32
        %div3A_354 = arith.divsi %sub3A_352, %jit3A_353 : i32
        %sign3A_355 = arith.constant 0 : i32
        %sign3A_356 = arith.cmpi sgt, %sub3A_352, %sign3A_355 : i32
        %sign3A_357 = arith.extui %sign3A_356 : i1 to i32
        %sign3A_358 = arith.constant 0 : i32
        %sign3A_359 = arith.cmpi slt, %sub3A_352, %sign3A_358 : i32
        %sign3A_360 = arith.extui %sign3A_359 : i1 to i32
        %sign3A_361 = arith.subi %sign3A_357, %sign3A_360 : i32
        %sign3A_362 = arith.constant 0 : i32
        %sign3A_363 = arith.cmpi sgt, %jit3A_353, %sign3A_362 : i32
        %sign3A_364 = arith.extui %sign3A_363 : i1 to i32
        %sign3A_365 = arith.constant 0 : i32
        %sign3A_366 = arith.cmpi slt, %jit3A_353, %sign3A_365 : i32
        %sign3A_367 = arith.extui %sign3A_366 : i1 to i32
        %sign3A_368 = arith.subi %sign3A_364, %sign3A_367 : i32
        %ne3A_369 = arith.cmpi ne, %sign3A_361, %sign3A_368 : i32
        %rem3A_370 = arith.remsi %sub3A_352, %jit3A_353 : i32
        %ne3A_371 = arith.constant 0 : i32
        %ne3A_372 = arith.cmpi ne, %rem3A_370, %ne3A_371 : i32
        %and3A_373 = arith.andi %ne3A_369, %ne3A_372 : i1
        %sub3A_374 = arith.constant 1 : i32
        %sub3A_375 = arith.subi %div3A_354, %sub3A_374 : i32
        %select_n3A_376 = arith.select %and3A_373, %sub3A_375, %div3A_354 : i32
        %while3A_377 = arith.constant 0 : i32
        %while3A_378 = arith.subi %select_n3A_376, %while3A_377 : i32
        %while3A_379 = arith.addi %while3A_377, %while3A_378 : i32
        %while3A_380 = arith.constant 1 : i32
        %while3A_381 = arith.divsi %while3A_378, %while3A_380 : i32
        %while3A_382 = arith.muli %while3A_381, %while3A_380 : i32
        %while3A_383 = arith.addi %while3A_377, %while3A_382 : i32
        %while3A_384 = arith.constant 1 : i32
        %while3A_385 = scf.for %while3A_396 = %while3A_377 to %while3A_383 step %while3A_384 iter_args(%while3A_397 = %broadcast_in_dim3A_5) -> (vector<16xi32>)  : i32 {
          %mul3A_398 = arith.constant 16 : i32
          %mul3A_399 = arith.muli %while3A_396, %mul3A_398 : i32
          %add3A_400 = vector.broadcast %mul3A_399 : i32 to vector<16xi32>
          %add3A_401 = arith.addi %add3A_400, %iota3A : vector<16xi32>
          %lt3A_402 = vector.broadcast %scan3A_284 : i32 to vector<16xi32>
          %lt3A_403 = arith.cmpi slt, %add3A_401, %lt3A_402 : vector<16xi32>
          %get3A_404 = arith.index_cast %mul3A_399 : i32 to index
          %get3A_405 = tpu.vector_load %arg5[%get3A_404] {strides = array<i32>} : memref<32768xi32, #tpu.memory_space<vmem>>, vector<16xi32>,
          %gather3A_406 = tpu.vector_load_idx %arg4[%get3A_405] masked %lt3A_403 : memref<32768xi32, #tpu.memory_space<vmem>>[vector<16xi32>], vector<16xi32>, vector<16xi1>
          %lt3A_407 = arith.constant 0 : i32
          %lt3A_408 = vector.broadcast %lt3A_407 : i32 to vector<16xi32>
          %lt3A_409 = arith.cmpi slt, %gather3A_406, %lt3A_408 : vector<16xi32>
          %xor3A_410 = arith.constant 2147483647 : i32
          %xor3A_411 = vector.broadcast %xor3A_410 : i32 to vector<16xi32>
          %xor3A_412 = arith.xori %gather3A_406, %xor3A_411 : vector<16xi32>
          %select_n3A_413 = arith.select %lt3A_409, %xor3A_412, %gather3A_406 : vector<16xi1>, vector<16xi32>
          %ge3A_414 = vector.broadcast %or3A_348 : i32 to vector<16xi32>
          %ge3A_415 = arith.cmpi sge, %select_n3A_413, %ge3A_414 : vector<16xi32>
          %and3A_416 = arith.andi %ge3A_415, %lt3A_403 : vector<16xi1>
          %convert_element_type3A = arith.extui %and3A_416 : vector<16xi1> to vector<16xi32>
          %broadcast_in_dim3A_417 = arith.constant true
          %broadcast_in_dim3A_418 = vector.broadcast %broadcast_in_dim3A_417 : i1 to vector<16xi1>
          %masked_cumsum3A = tpu.scan <sum>, %convert_element_type3A masked %broadcast_in_dim3A_418 : vector<16xi32>, vector<16xi1> -> vector<16xi32>
          %add3A_419 = arith.addi %while3A_397, %masked_cumsum3A : vector<16xi32>
          %sub3A_420 = arith.constant 1 : i32
          %sub3A_421 = vector.broadcast %sub3A_420 : i32 to vector<16xi32>
          %sub3A_422 = arith.subi %add3A_419, %sub3A_421 : vector<16xi32>
          tpu.vector_store_idx %arg5[%sub3A_422], %get3A_405 masked %and3A_416 : memref<32768xi32, #tpu.memory_space<vmem>>[vector<16xi32>], vector<16xi32>, vector<16xi1>
          %all_reduce_population_count3A = tpu.all_reduce %and3A_416 {dim = 0 : i64, kind = #tpu.reduction_kind<sum>} : vector<16xi1> -> vector<16xi32>
          %add3A_423 = arith.addi %while3A_397, %all_reduce_population_count3A : vector<16xi32>
          scf.yield %add3A_423 : vector<16xi32>
        }
        %while3A_386 = arith.constant 1 : i32
        %while3A_387 = scf.for %while3A_396 = %while3A_383 to %while3A_379 step %while3A_386 iter_args(%while3A_397 = %while3A_385) -> (vector<16xi32>)  : i32 {
          %mul3A_398 = arith.constant 16 : i32
          %mul3A_399 = arith.muli %while3A_396, %mul3A_398 : i32
          %add3A_400 = vector.broadcast %mul3A_399 : i32 to vector<16xi32>
          %add3A_401 = arith.addi %add3A_400, %iota3A : vector<16xi32>
          %lt3A_402 = vector.broadcast %scan3A_284 : i32 to vector<16xi32>
          %lt3A_403 = arith.cmpi slt, %add3A_401, %lt3A_402 : vector<16xi32>
          %get3A_404 = arith.index_cast %mul3A_399 : i32 to index
          %get3A_405 = tpu.vector_load %arg5[%get3A_404] {strides = array<i32>} : memref<32768xi32, #tpu.memory_space<vmem>>, vector<16xi32>,
          %gather3A_406 = tpu.vector_load_idx %arg4[%get3A_405] masked %lt3A_403 : memref<32768xi32, #tpu.memory_space<vmem>>[vector<16xi32>], vector<16xi32>, vector<16xi1>
          %lt3A_407 = arith.constant 0 : i32
          %lt3A_408 = vector.broadcast %lt3A_407 : i32 to vector<16xi32>
          %lt3A_409 = arith.cmpi slt, %gather3A_406, %lt3A_408 : vector<16xi32>
          %xor3A_410 = arith.constant 2147483647 : i32
          %xor3A_411 = vector.broadcast %xor3A_410 : i32 to vector<16xi32>
          %xor3A_412 = arith.xori %gather3A_406, %xor3A_411 : vector<16xi32>
          %select_n3A_413 = arith.select %lt3A_409, %xor3A_412, %gather3A_406 : vector<16xi1>, vector<16xi32>
          %ge3A_414 = vector.broadcast %or3A_348 : i32 to vector<16xi32>
          %ge3A_415 = arith.cmpi sge, %select_n3A_413, %ge3A_414 : vector<16xi32>
          %and3A_416 = arith.andi %ge3A_415, %lt3A_403 : vector<16xi1>
          %convert_element_type3A = arith.extui %and3A_416 : vector<16xi1> to vector<16xi32>
          %broadcast_in_dim3A_417 = arith.constant true
          %broadcast_in_dim3A_418 = vector.broadcast %broadcast_in_dim3A_417 : i1 to vector<16xi1>
          %masked_cumsum3A = tpu.scan <sum>, %convert_element_type3A masked %broadcast_in_dim3A_418 : vector<16xi32>, vector<16xi1> -> vector<16xi32>
          %add3A_419 = arith.addi %while3A_397, %masked_cumsum3A : vector<16xi32>
          %sub3A_420 = arith.constant 1 : i32
          %sub3A_421 = vector.broadcast %sub3A_420 : i32 to vector<16xi32>
          %sub3A_422 = arith.subi %add3A_419, %sub3A_421 : vector<16xi32>
          tpu.vector_store_idx %arg5[%sub3A_422], %get3A_405 masked %and3A_416 : memref<32768xi32, #tpu.memory_space<vmem>>[vector<16xi32>], vector<16xi32>, vector<16xi1>
          %all_reduce_population_count3A = tpu.all_reduce %and3A_416 {dim = 0 : i64, kind = #tpu.reduction_kind<sum>} : vector<16xi1> -> vector<16xi32>
          %add3A_423 = arith.addi %while3A_397, %all_reduce_population_count3A : vector<16xi32>
          scf.yield %add3A_423 : vector<16xi32>
        }
        %reduce_max3A_388 = arith.constant true
        %reduce_max3A_389 = vector.broadcast %reduce_max3A_388 : i1 to vector<16xi1>
        %reduce_max3A_390 = arith.constant -2147483648 : i32
        %reduce_max3A_391 = vector.broadcast %reduce_max3A_390 : i32 to vector<16xi32>
        %reduce_max3A_392 = arith.xori %while3A_387, %reduce_max3A_391 : vector<16xi32>
        %reduce_max3A_393 = tpu.scan <max>, %reduce_max3A_392 masked %reduce_max3A_389 : vector<16xi32>, vector<16xi1> -> vector<16xi32>
        %reduce_max3A_394 = arith.xori %reduce_max3A_393, %reduce_max3A_391 : vector<16xi32>
        %reduce_max3A_395 = vector.extract %reduce_max3A_394[15] : i32 from vector<16xi32>
        scf.yield %or3A_348, %reduce_max3A_395 : i32, i32
      }
      %scan3A_150 = arith.constant 3 : i32
      %add3A_151 = arith.constant 16 : i32
      %add3A_152 = arith.addi %scan3A_149#1, %add3A_151 : i32
      %sub3A = arith.constant 1 : i32
      %sub3A_153 = arith.subi %add3A_152, %sub3A : i32
      %jit3A = arith.constant 16 : i32
      %div3A = arith.divsi %sub3A_153, %jit3A : i32
      %sign3A = arith.constant 0 : i32
      %sign3A_154 = arith.cmpi sgt, %sub3A_153, %sign3A : i32
      %sign3A_155 = arith.extui %sign3A_154 : i1 to i32
      %sign3A_156 = arith.constant 0 : i32
      %sign3A_157 = arith.cmpi slt, %sub3A_153, %sign3A_156 : i32
      %sign3A_158 = arith.extui %sign3A_157 : i1 to i32
      %sign3A_159 = arith.subi %sign3A_155, %sign3A_158 : i32
      %sign3A_160 = arith.constant 0 : i32
      %sign3A_161 = arith.cmpi sgt, %jit3A, %sign3A_160 : i32
      %sign3A_162 = arith.extui %sign3A_161 : i1 to i32
      %sign3A_163 = arith.constant 0 : i32
      %sign3A_164 = arith.cmpi slt, %jit3A, %sign3A_163 : i32
      %sign3A_165 = arith.extui %sign3A_164 : i1 to i32
      %sign3A_166 = arith.subi %sign3A_162, %sign3A_165 : i32
      %ne3A = arith.cmpi ne, %sign3A_159, %sign3A_166 : i32
      %rem3A = arith.remsi %sub3A_153, %jit3A : i32
      %ne3A_167 = arith.constant 0 : i32
      %ne3A_168 = arith.cmpi ne, %rem3A, %ne3A_167 : i32
      %and3A_169 = arith.andi %ne3A, %ne3A_168 : i1
      %sub3A_170 = arith.constant 1 : i32
      %sub3A_171 = arith.subi %div3A, %sub3A_170 : i32
      %select_n3A = arith.select %and3A_169, %sub3A_171, %div3A : i32
      %while3A = arith.constant 0 : i32
      %while3A_172 = arith.subi %select_n3A, %while3A : i32
      %while3A_173 = arith.addi %while3A, %while3A_172 : i32
      %while3A_174 = arith.constant 1 : i32
      %while3A_175 = arith.divsi %while3A_172, %while3A_174 : i32
      %while3A_176 = arith.muli %while3A_175, %while3A_174 : i32
      %while3A_177 = arith.addi %while3A, %while3A_176 : i32
      %while3A_178 = arith.constant 1 : i32
      %while3A_179:2 = scf.for %while3A_282 = %while3A to %while3A_177 step %while3A_178 iter_args(%while3A_283 = %broadcast_in_dim3A_5, %while3A_284 = %broadcast_in_dim3A_5) -> (vector<16xi32>, vector<16xi32>)  : i32 {
        %mul3A_285 = arith.constant 16 : i32
        %mul3A_286 = arith.muli %while3A_282, %mul3A_285 : i32
        %add3A_287 = vector.broadcast %mul3A_286 : i32 to vector<16xi32>
        %add3A_288 = arith.addi %add3A_287, %iota3A : vector<16xi32>
        %lt3A_289 = vector.broadcast %scan3A_149#1 : i32 to vector<16xi32>
        %lt3A_290 = arith.cmpi slt, %add3A_288, %lt3A_289 : vector<16xi32>
        %get3A_291 = arith.index_cast %mul3A_286 : i32 to index
        %get3A_292 = tpu.vector_load %arg5[%get3A_291] {strides = array<i32>} : memref<32768xi32, #tpu.memory_space<vmem>>, vector<16xi32>,
        %gather3A_293 = tpu.vector_load_idx %arg4[%get3A_292] masked %lt3A_290 : memref<32768xi32, #tpu.memory_space<vmem>>[vector<16xi32>], vector<16xi32>, vector<16xi1>
        %lt3A_294 = arith.constant 0 : i32
        %lt3A_295 = vector.broadcast %lt3A_294 : i32 to vector<16xi32>
        %lt3A_296 = arith.cmpi slt, %gather3A_293, %lt3A_295 : vector<16xi32>
        %xor3A_297 = arith.constant 2147483647 : i32
        %xor3A_298 = vector.broadcast %xor3A_297 : i32 to vector<16xi32>
        %xor3A_299 = arith.xori %gather3A_293, %xor3A_298 : vector<16xi32>
        %select_n3A_300 = arith.select %lt3A_296, %xor3A_299, %gather3A_293 : vector<16xi1>, vector<16xi32>
        %gt3A = vector.broadcast %scan3A_149#0 : i32 to vector<16xi32>
        %gt3A_301 = arith.cmpi sgt, %select_n3A_300, %gt3A : vector<16xi32>
        %and3A_302 = arith.andi %gt3A_301, %lt3A_290 : vector<16xi1>
        %eq3A_303 = vector.broadcast %scan3A_149#0 : i32 to vector<16xi32>
        %eq3A_304 = arith.cmpi eq, %select_n3A_300, %eq3A_303 : vector<16xi32>
        %and3A_305 = arith.andi %eq3A_304, %lt3A_290 : vector<16xi1>
        %convert_element_type3A = arith.extui %and3A_302 : vector<16xi1> to vector<16xi32>
        %broadcast_in_dim3A_306 = arith.constant true
        %broadcast_in_dim3A_307 = vector.broadcast %broadcast_in_dim3A_306 : i1 to vector<16xi1>
        %masked_cumsum3A = tpu.scan <sum>, %convert_element_type3A masked %broadcast_in_dim3A_307 : vector<16xi32>, vector<16xi1> -> vector<16xi32>
        %add3A_308 = arith.addi %while3A_283, %masked_cumsum3A : vector<16xi32>
        %sub3A_309 = arith.constant 1 : i32
        %sub3A_310 = vector.broadcast %sub3A_309 : i32 to vector<16xi32>
        %sub3A_311 = arith.subi %add3A_308, %sub3A_310 : vector<16xi32>
        tpu.vector_store_idx %arg7[%sub3A_311], %get3A_292 masked %and3A_302 : memref<64xi32, #tpu.memory_space<vmem>>[vector<16xi32>], vector<16xi32>, vector<16xi1>
        %convert_element_type3A_312 = arith.extui %and3A_305 : vector<16xi1> to vector<16xi32>
        %broadcast_in_dim3A_313 = arith.constant true
        %broadcast_in_dim3A_314 = vector.broadcast %broadcast_in_dim3A_313 : i1 to vector<16xi1>
        %masked_cumsum3A_315 = tpu.scan <sum>, %convert_element_type3A_312 masked %broadcast_in_dim3A_314 : vector<16xi32>, vector<16xi1> -> vector<16xi32>
        %add3A_316 = arith.addi %while3A_284, %masked_cumsum3A_315 : vector<16xi32>
        %sub3A_317 = arith.constant 1 : i32
        %sub3A_318 = vector.broadcast %sub3A_317 : i32 to vector<16xi32>
        %sub3A_319 = arith.subi %add3A_316, %sub3A_318 : vector<16xi32>
        tpu.vector_store_idx %arg5[%sub3A_319], %get3A_292 masked %and3A_305 : memref<32768xi32, #tpu.memory_space<vmem>>[vector<16xi32>], vector<16xi32>, vector<16xi1>
        %all_reduce_population_count3A = tpu.all_reduce %and3A_302 {dim = 0 : i64, kind = #tpu.reduction_kind<sum>} : vector<16xi1> -> vector<16xi32>
        %add3A_320 = arith.addi %while3A_283, %all_reduce_population_count3A : vector<16xi32>
        %all_reduce_population_count3A_321 = tpu.all_reduce %and3A_305 {dim = 0 : i64, kind = #tpu.reduction_kind<sum>} : vector<16xi1> -> vector<16xi32>
        %add3A_322 = arith.addi %while3A_284, %all_reduce_population_count3A_321 : vector<16xi32>
        scf.yield %add3A_320, %add3A_322 : vector<16xi32>, vector<16xi32>
      }
      %while3A_180 = arith.constant 1 : i32
      %while3A_181:2 = scf.for %while3A_282 = %while3A_177 to %while3A_173 step %while3A_180 iter_args(%while3A_283 = %while3A_179#0, %while3A_284 = %while3A_179#1) -> (vector<16xi32>, vector<16xi32>)  : i32 {
        %mul3A_285 = arith.constant 16 : i32
        %mul3A_286 = arith.muli %while3A_282, %mul3A_285 : i32
        %add3A_287 = vector.broadcast %mul3A_286 : i32 to vector<16xi32>
        %add3A_288 = arith.addi %add3A_287, %iota3A : vector<16xi32>
        %lt3A_289 = vector.broadcast %scan3A_149#1 : i32 to vector<16xi32>
        %lt3A_290 = arith.cmpi slt, %add3A_288, %lt3A_289 : vector<16xi32>
        %get3A_291 = arith.index_cast %mul3A_286 : i32 to index
        %get3A_292 = tpu.vector_load %arg5[%get3A_291] {strides = array<i32>} : memref<32768xi32, #tpu.memory_space<vmem>>, vector<16xi32>,
        %gather3A_293 = tpu.vector_load_idx %arg4[%get3A_292] masked %lt3A_290 : memref<32768xi32, #tpu.memory_space<vmem>>[vector<16xi32>], vector<16xi32>, vector<16xi1>
        %lt3A_294 = arith.constant 0 : i32
        %lt3A_295 = vector.broadcast %lt3A_294 : i32 to vector<16xi32>
        %lt3A_296 = arith.cmpi slt, %gather3A_293, %lt3A_295 : vector<16xi32>
        %xor3A_297 = arith.constant 2147483647 : i32
        %xor3A_298 = vector.broadcast %xor3A_297 : i32 to vector<16xi32>
        %xor3A_299 = arith.xori %gather3A_293, %xor3A_298 : vector<16xi32>
        %select_n3A_300 = arith.select %lt3A_296, %xor3A_299, %gather3A_293 : vector<16xi1>, vector<16xi32>
        %gt3A = vector.broadcast %scan3A_149#0 : i32 to vector<16xi32>
        %gt3A_301 = arith.cmpi sgt, %select_n3A_300, %gt3A : vector<16xi32>
        %and3A_302 = arith.andi %gt3A_301, %lt3A_290 : vector<16xi1>
        %eq3A_303 = vector.broadcast %scan3A_149#0 : i32 to vector<16xi32>
        %eq3A_304 = arith.cmpi eq, %select_n3A_300, %eq3A_303 : vector<16xi32>
        %and3A_305 = arith.andi %eq3A_304, %lt3A_290 : vector<16xi1>
        %convert_element_type3A = arith.extui %and3A_302 : vector<16xi1> to vector<16xi32>
        %broadcast_in_dim3A_306 = arith.constant true
        %broadcast_in_dim3A_307 = vector.broadcast %broadcast_in_dim3A_306 : i1 to vector<16xi1>
        %masked_cumsum3A = tpu.scan <sum>, %convert_element_type3A masked %broadcast_in_dim3A_307 : vector<16xi32>, vector<16xi1> -> vector<16xi32>
        %add3A_308 = arith.addi %while3A_283, %masked_cumsum3A : vector<16xi32>
        %sub3A_309 = arith.constant 1 : i32
        %sub3A_310 = vector.broadcast %sub3A_309 : i32 to vector<16xi32>
        %sub3A_311 = arith.subi %add3A_308, %sub3A_310 : vector<16xi32>
        tpu.vector_store_idx %arg7[%sub3A_311], %get3A_292 masked %and3A_302 : memref<64xi32, #tpu.memory_space<vmem>>[vector<16xi32>], vector<16xi32>, vector<16xi1>
        %convert_element_type3A_312 = arith.extui %and3A_305 : vector<16xi1> to vector<16xi32>
        %broadcast_in_dim3A_313 = arith.constant true
        %broadcast_in_dim3A_314 = vector.broadcast %broadcast_in_dim3A_313 : i1 to vector<16xi1>
        %masked_cumsum3A_315 = tpu.scan <sum>, %convert_element_type3A_312 masked %broadcast_in_dim3A_314 : vector<16xi32>, vector<16xi1> -> vector<16xi32>
        %add3A_316 = arith.addi %while3A_284, %masked_cumsum3A_315 : vector<16xi32>
        %sub3A_317 = arith.constant 1 : i32
        %sub3A_318 = vector.broadcast %sub3A_317 : i32 to vector<16xi32>
        %sub3A_319 = arith.subi %add3A_316, %sub3A_318 : vector<16xi32>
        tpu.vector_store_idx %arg5[%sub3A_319], %get3A_292 masked %and3A_305 : memref<32768xi32, #tpu.memory_space<vmem>>[vector<16xi32>], vector<16xi32>, vector<16xi1>
        %all_reduce_population_count3A = tpu.all_reduce %and3A_302 {dim = 0 : i64, kind = #tpu.reduction_kind<sum>} : vector<16xi1> -> vector<16xi32>
        %add3A_320 = arith.addi %while3A_283, %all_reduce_population_count3A : vector<16xi32>
        %all_reduce_population_count3A_321 = tpu.all_reduce %and3A_305 {dim = 0 : i64, kind = #tpu.reduction_kind<sum>} : vector<16xi1> -> vector<16xi32>
        %add3A_322 = arith.addi %while3A_284, %all_reduce_population_count3A_321 : vector<16xi32>
        scf.yield %add3A_320, %add3A_322 : vector<16xi32>, vector<16xi32>
      }
      %reduce_max3A_182 = arith.constant true
      %reduce_max3A_183 = vector.broadcast %reduce_max3A_182 : i1 to vector<16xi1>
      %reduce_max3A_184 = arith.constant -2147483648 : i32
      %reduce_max3A_185 = vector.broadcast %reduce_max3A_184 : i32 to vector<16xi32>
      %reduce_max3A_186 = arith.xori %while3A_181#0, %reduce_max3A_185 : vector<16xi32>
      %reduce_max3A_187 = tpu.scan <max>, %reduce_max3A_186 masked %reduce_max3A_183 : vector<16xi32>, vector<16xi1> -> vector<16xi32>
      %reduce_max3A_188 = arith.xori %reduce_max3A_187, %reduce_max3A_185 : vector<16xi32>
      %reduce_max3A_189 = vector.extract %reduce_max3A_188[15] : i32 from vector<16xi32>
      %sub3A_190 = arith.constant 64 : i32
      %sub3A_191 = arith.subi %sub3A_190, %reduce_max3A_189 : i32
      %reduce_max3A_192 = arith.constant true
      %reduce_max3A_193 = vector.broadcast %reduce_max3A_192 : i1 to vector<16xi1>
      %reduce_max3A_194 = arith.constant -2147483648 : i32
      %reduce_max3A_195 = vector.broadcast %reduce_max3A_194 : i32 to vector<16xi32>
      %reduce_max3A_196 = arith.xori %while3A_181#0, %reduce_max3A_195 : vector<16xi32>
      %reduce_max3A_197 = tpu.scan <max>, %reduce_max3A_196 masked %reduce_max3A_193 : vector<16xi32>, vector<16xi1> -> vector<16xi32>
      %reduce_max3A_198 = arith.xori %reduce_max3A_197, %reduce_max3A_195 : vector<16xi32>
      %reduce_max3A_199 = vector.extract %reduce_max3A_198[15] : i32 from vector<16xi32>
      %add3A_200 = arith.constant 16 : i32
      %add3A_201 = arith.addi %sub3A_191, %add3A_200 : i32
      %sub3A_202 = arith.constant 1 : i32
      %sub3A_203 = arith.subi %add3A_201, %sub3A_202 : i32
      %jit3A_204 = arith.constant 16 : i32
      %div3A_205 = arith.divsi %sub3A_203, %jit3A_204 : i32
      %sign3A_206 = arith.constant 0 : i32
      %sign3A_207 = arith.cmpi sgt, %sub3A_203, %sign3A_206 : i32
      %sign3A_208 = arith.extui %sign3A_207 : i1 to i32
      %sign3A_209 = arith.constant 0 : i32
      %sign3A_210 = arith.cmpi slt, %sub3A_203, %sign3A_209 : i32
      %sign3A_211 = arith.extui %sign3A_210 : i1 to i32
      %sign3A_212 = arith.subi %sign3A_208, %sign3A_211 : i32
      %sign3A_213 = arith.constant 0 : i32
      %sign3A_214 = arith.cmpi sgt, %jit3A_204, %sign3A_213 : i32
      %sign3A_215 = arith.extui %sign3A_214 : i1 to i32
      %sign3A_216 = arith.constant 0 : i32
      %sign3A_217 = arith.cmpi slt, %jit3A_204, %sign3A_216 : i32
      %sign3A_218 = arith.extui %sign3A_217 : i1 to i32
      %sign3A_219 = arith.subi %sign3A_215, %sign3A_218 : i32
      %ne3A_220 = arith.cmpi ne, %sign3A_212, %sign3A_219 : i32
      %rem3A_221 = arith.remsi %sub3A_203, %jit3A_204 : i32
      %ne3A_222 = arith.constant 0 : i32
      %ne3A_223 = arith.cmpi ne, %rem3A_221, %ne3A_222 : i32
      %and3A_224 = arith.andi %ne3A_220, %ne3A_223 : i1
      %sub3A_225 = arith.constant 1 : i32
      %sub3A_226 = arith.subi %div3A_205, %sub3A_225 : i32
      %select_n3A_227 = arith.select %and3A_224, %sub3A_226, %div3A_205 : i32
      %while3A_228 = arith.constant 0 : i32
      %while3A_229 = arith.constant 0 : i32
      %while3A_230 = arith.subi %select_n3A_227, %while3A_228 : i32
      %while3A_231 = arith.addi %while3A_228, %while3A_230 : i32
      %while3A_232 = arith.constant 1 : i32
      %while3A_233 = arith.divsi %while3A_230, %while3A_232 : i32
      %while3A_234 = arith.muli %while3A_233, %while3A_232 : i32
      %while3A_235 = arith.addi %while3A_228, %while3A_234 : i32
      %while3A_236 = arith.constant 1 : i32
      %while3A_237 = scf.for %while3A_282 = %while3A_228 to %while3A_235 step %while3A_236 iter_args(%while3A_283 = %while3A_229) -> (i32)  : i32 {
        %mul3A_284 = arith.constant 16 : i32
        %mul3A_285 = arith.muli %while3A_282, %mul3A_284 : i32
        %add3A_286 = vector.broadcast %mul3A_285 : i32 to vector<16xi32>
        %add3A_287 = arith.addi %add3A_286, %iota3A : vector<16xi32>
        %lt3A_288 = vector.broadcast %sub3A_191 : i32 to vector<16xi32>
        %lt3A_289 = arith.cmpi slt, %add3A_287, %lt3A_288 : vector<16xi32>
        %mul3A_290 = arith.constant 16 : i32
        %mul3A_291 = arith.muli %while3A_282, %mul3A_290 : i32
        %get3A_292 = arith.index_cast %mul3A_291 : i32 to index
        %get3A_293 = tpu.vector_load %arg5[%get3A_292] {strides = array<i32>} : memref<32768xi32, #tpu.memory_space<vmem>>, vector<16xi32>,
        %add3A_294 = vector.broadcast %reduce_max3A_199 : i32 to vector<16xi32>
        %add3A_295 = arith.addi %add3A_294, %add3A_287 : vector<16xi32>
        tpu.vector_store_idx %arg7[%add3A_295], %get3A_293 masked %lt3A_289 : memref<64xi32, #tpu.memory_space<vmem>>[vector<16xi32>], vector<16xi32>, vector<16xi1>
        %while3A_296 = arith.constant 0 : i32
        scf.yield %while3A_296 : i32
      }
      %while3A_238 = arith.constant 1 : i32
      %while3A_239 = scf.for %while3A_282 = %while3A_235 to %while3A_231 step %while3A_238 iter_args(%while3A_283 = %while3A_237) -> (i32)  : i32 {
        %mul3A_284 = arith.constant 16 : i32
        %mul3A_285 = arith.muli %while3A_282, %mul3A_284 : i32
        %add3A_286 = vector.broadcast %mul3A_285 : i32 to vector<16xi32>
        %add3A_287 = arith.addi %add3A_286, %iota3A : vector<16xi32>
        %lt3A_288 = vector.broadcast %sub3A_191 : i32 to vector<16xi32>
        %lt3A_289 = arith.cmpi slt, %add3A_287, %lt3A_288 : vector<16xi32>
        %mul3A_290 = arith.constant 16 : i32
        %mul3A_291 = arith.muli %while3A_282, %mul3A_290 : i32
        %get3A_292 = arith.index_cast %mul3A_291 : i32 to index
        %get3A_293 = tpu.vector_load %arg5[%get3A_292] {strides = array<i32>} : memref<32768xi32, #tpu.memory_space<vmem>>, vector<16xi32>,
        %add3A_294 = vector.broadcast %reduce_max3A_199 : i32 to vector<16xi32>
        %add3A_295 = arith.addi %add3A_294, %add3A_287 : vector<16xi32>
        tpu.vector_store_idx %arg7[%add3A_295], %get3A_293 masked %lt3A_289 : memref<64xi32, #tpu.memory_space<vmem>>[vector<16xi32>], vector<16xi32>, vector<16xi1>
        %while3A_296 = arith.constant 0 : i32
        scf.yield %while3A_296 : i32
      }
      %get3A = arith.constant 0 : index
      %get3A_240 = tpu.vector_load %arg7[%get3A] {strides = array<i32>} : memref<64xi32, #tpu.memory_space<vmem>>, vector<16xi32>,
      %get3A_241 = arith.constant 16 : index
      %get3A_242 = tpu.vector_load %arg7[%get3A_241] {strides = array<i32>} : memref<64xi32, #tpu.memory_space<vmem>>, vector<16xi32>,
      %get3A_243 = arith.constant 32 : index
      %get3A_244 = tpu.vector_load %arg7[%get3A_243] {strides = array<i32>} : memref<64xi32, #tpu.memory_space<vmem>>, vector<16xi32>,
      %get3A_245 = arith.constant 48 : index
      %get3A_246 = tpu.vector_load %arg7[%get3A_245] {strides = array<i32>} : memref<64xi32, #tpu.memory_space<vmem>>, vector<16xi32>,
      %gather3A = tpu.vector_load_idx %arg4[%get3A_240] masked %ge3A_7 : memref<32768xi32, #tpu.memory_space<vmem>>[vector<16xi32>], vector<16xi32>, vector<16xi1>
      %lt3A = arith.constant 0 : i32
      %lt3A_247 = vector.broadcast %lt3A : i32 to vector<16xi32>
      %lt3A_248 = arith.cmpi slt, %gather3A, %lt3A_247 : vector<16xi32>
      %xor3A_249 = arith.constant 2147483647 : i32
      %xor3A_250 = vector.broadcast %xor3A_249 : i32 to vector<16xi32>
      %xor3A_251 = arith.xori %gather3A, %xor3A_250 : vector<16xi32>
      %select_n3A_252 = arith.select %lt3A_248, %xor3A_251, %gather3A : vector<16xi1>, vector<16xi32>
      %gather3A_253 = tpu.vector_load_idx %arg4[%get3A_242] masked %ge3A_7 : memref<32768xi32, #tpu.memory_space<vmem>>[vector<16xi32>], vector<16xi32>, vector<16xi1>
      %lt3A_254 = arith.constant 0 : i32
      %lt3A_255 = vector.broadcast %lt3A_254 : i32 to vector<16xi32>
      %lt3A_256 = arith.cmpi slt, %gather3A_253, %lt3A_255 : vector<16xi32>
      %xor3A_257 = arith.constant 2147483647 : i32
      %xor3A_258 = vector.broadcast %xor3A_257 : i32 to vector<16xi32>
      %xor3A_259 = arith.xori %gather3A_253, %xor3A_258 : vector<16xi32>
      %select_n3A_260 = arith.select %lt3A_256, %xor3A_259, %gather3A_253 : vector<16xi1>, vector<16xi32>
      %gather3A_261 = tpu.vector_load_idx %arg4[%get3A_244] masked %ge3A_7 : memref<32768xi32, #tpu.memory_space<vmem>>[vector<16xi32>], vector<16xi32>, vector<16xi1>
      %lt3A_262 = arith.constant 0 : i32
      %lt3A_263 = vector.broadcast %lt3A_262 : i32 to vector<16xi32>
      %lt3A_264 = arith.cmpi slt, %gather3A_261, %lt3A_263 : vector<16xi32>
      %xor3A_265 = arith.constant 2147483647 : i32
      %xor3A_266 = vector.broadcast %xor3A_265 : i32 to vector<16xi32>
      %xor3A_267 = arith.xori %gather3A_261, %xor3A_266 : vector<16xi32>
      %select_n3A_268 = arith.select %lt3A_264, %xor3A_267, %gather3A_261 : vector<16xi1>, vector<16xi32>
      %gather3A_269 = tpu.vector_load_idx %arg4[%get3A_246] masked %ge3A_7 : memref<32768xi32, #tpu.memory_space<vmem>>[vector<16xi32>], vector<16xi32>, vector<16xi1>
      %lt3A_270 = arith.constant 0 : i32
      %lt3A_271 = vector.broadcast %lt3A_270 : i32 to vector<16xi32>
      %lt3A_272 = arith.cmpi slt, %gather3A_269, %lt3A_271 : vector<16xi32>
      %xor3A_273 = arith.constant 2147483647 : i32
      %xor3A_274 = vector.broadcast %xor3A_273 : i32 to vector<16xi32>
      %xor3A_275 = arith.xori %gather3A_269, %xor3A_274 : vector<16xi32>
      %select_n3A_276 = arith.select %lt3A_272, %xor3A_275, %gather3A_269 : vector<16xi1>, vector<16xi32>
      %broadcast_in_dim3A_277 = vector.broadcast %scan3A_25 : i32 to vector<16xi32>
      %parallel_loop3A_278 = arith.constant 0 : i32
      %parallel_loop3A_279 = arith.constant 64 : i32
      %parallel_loop3A_280 = arith.constant 1 : i32
      scf.for %parallel_loop3A_282 = %parallel_loop3A_278 to %parallel_loop3A_279 step %parallel_loop3A_280  : i32 {
        %parallel_loop3A_283 = vector.broadcast %parallel_loop3A_282 : i32 to vector<16xi32>
        %parallel_loop3A_284 = tpu.vector_load_idx %arg7[%parallel_loop3A_283] : memref<64xi32, #tpu.memory_space<vmem>>[vector<16xi32>], vector<16xi32>,
        %parallel_loop3A_285 = tpu.vector_load_idx %arg4[%parallel_loop3A_284] masked %ge3A_7 : memref<32768xi32, #tpu.memory_space<vmem>>[vector<16xi32>], vector<16xi32>, vector<16xi1>
        %parallel_loop3A_286 = arith.constant 0 : i32
        %parallel_loop3A_287 = vector.broadcast %parallel_loop3A_286 : i32 to vector<16xi32>
        %parallel_loop3A_288 = arith.cmpi slt, %parallel_loop3A_285, %parallel_loop3A_287 : vector<16xi32>
        %parallel_loop3A_289 = arith.constant 2147483647 : i32
        %parallel_loop3A_290 = vector.broadcast %parallel_loop3A_289 : i32 to vector<16xi32>
        %parallel_loop3A_291 = arith.xori %parallel_loop3A_285, %parallel_loop3A_290 : vector<16xi32>
        %parallel_loop3A_292 = arith.select %parallel_loop3A_288, %parallel_loop3A_291, %parallel_loop3A_285 : vector<16xi1>, vector<16xi32>
        %parallel_loop3A_293 = arith.cmpi sgt, %select_n3A_252, %parallel_loop3A_292 : vector<16xi32>
        %parallel_loop3A_294 = arith.cmpi eq, %select_n3A_252, %parallel_loop3A_292 : vector<16xi32>
        %parallel_loop3A_295 = arith.cmpi slt, %get3A_240, %parallel_loop3A_284 : vector<16xi32>
        %parallel_loop3A_296 = arith.andi %parallel_loop3A_294, %parallel_loop3A_295 : vector<16xi1>
        %parallel_loop3A_297 = arith.ori %parallel_loop3A_293, %parallel_loop3A_296 : vector<16xi1>
        %parallel_loop3A_298 = tpu.all_reduce %parallel_loop3A_297 {dim = 0 : i64, kind = #tpu.reduction_kind<sum>} : vector<16xi1> -> vector<16xi32>
        %parallel_loop3A_299 = arith.addi %broadcast_in_dim3A_5, %parallel_loop3A_298 : vector<16xi32>
        %parallel_loop3A_300 = arith.cmpi sgt, %select_n3A_260, %parallel_loop3A_292 : vector<16xi32>
        %parallel_loop3A_301 = arith.cmpi eq, %select_n3A_260, %parallel_loop3A_292 : vector<16xi32>
        %parallel_loop3A_302 = arith.cmpi slt, %get3A_242, %parallel_loop3A_284 : vector<16xi32>
        %parallel_loop3A_303 = arith.andi %parallel_loop3A_301, %parallel_loop3A_302 : vector<16xi1>
        %parallel_loop3A_304 = arith.ori %parallel_loop3A_300, %parallel_loop3A_303 : vector<16xi1>
        %parallel_loop3A_305 = tpu.all_reduce %parallel_loop3A_304 {dim = 0 : i64, kind = #tpu.reduction_kind<sum>} : vector<16xi1> -> vector<16xi32>
        %parallel_loop3A_306 = arith.addi %parallel_loop3A_299, %parallel_loop3A_305 : vector<16xi32>
        %parallel_loop3A_307 = arith.cmpi sgt, %select_n3A_268, %parallel_loop3A_292 : vector<16xi32>
        %parallel_loop3A_308 = arith.cmpi eq, %select_n3A_268, %parallel_loop3A_292 : vector<16xi32>
        %parallel_loop3A_309 = arith.cmpi slt, %get3A_244, %parallel_loop3A_284 : vector<16xi32>
        %parallel_loop3A_310 = arith.andi %parallel_loop3A_308, %parallel_loop3A_309 : vector<16xi1>
        %parallel_loop3A_311 = arith.ori %parallel_loop3A_307, %parallel_loop3A_310 : vector<16xi1>
        %parallel_loop3A_312 = tpu.all_reduce %parallel_loop3A_311 {dim = 0 : i64, kind = #tpu.reduction_kind<sum>} : vector<16xi1> -> vector<16xi32>
        %parallel_loop3A_313 = arith.addi %parallel_loop3A_306, %parallel_loop3A_312 : vector<16xi32>
        %parallel_loop3A_314 = arith.cmpi sgt, %select_n3A_276, %parallel_loop3A_292 : vector<16xi32>
        %parallel_loop3A_315 = arith.cmpi eq, %select_n3A_276, %parallel_loop3A_292 : vector<16xi32>
        %parallel_loop3A_316 = arith.cmpi slt, %get3A_246, %parallel_loop3A_284 : vector<16xi32>
        %parallel_loop3A_317 = arith.andi %parallel_loop3A_315, %parallel_loop3A_316 : vector<16xi1>
        %parallel_loop3A_318 = arith.ori %parallel_loop3A_314, %parallel_loop3A_317 : vector<16xi1>
        %parallel_loop3A_319 = tpu.all_reduce %parallel_loop3A_318 {dim = 0 : i64, kind = #tpu.reduction_kind<sum>} : vector<16xi1> -> vector<16xi32>
        %parallel_loop3A_320 = arith.addi %parallel_loop3A_313, %parallel_loop3A_319 : vector<16xi32>
        tpu.vector_store_idx %arg8[%broadcast_in_dim3A_277, %parallel_loop3A_320], %parallel_loop3A_284 masked %eq3A_9 : memref<4x64xi32, #tpu.memory_space<vmem>>[vector<16xi32>, vector<16xi32>], vector<16xi32>, vector<16xi1>
      } {sc.loop_unroll_factor = 2 : i64, sc.parallel_access}
      %scan3A_281 = arith.constant 0 : i32
      scf.yield %scan3A_281 : i32
    }
    %scan3A_18 = arith.constant 4 : i32
    %dma_start3A = arith.constant 0 : i32
    %dma_start3A_19 = tpu.memref_slice %arg3[%mul3A_2, %dma_start3A] : memref<128x64xi32, #tpu.memory_space<hbm>> -> memref<4x64xi32, #tpu.memory_space<hbm>>
    %dma_start3A_20 = arith.constant 0 : i32
    %dma_start3A_21 = tpu.memref_slice %arg3[%mul3A_2, %dma_start3A_20] : memref<128x64xi32, #tpu.memory_space<hbm>> -> memref<4x64xi32, #tpu.memory_space<hbm>>
    tpu.enqueue_dma source(%arg8 : memref<4x64xi32, #tpu.memory_space<vmem>>) target(%dma_start3A_21 : memref<4x64xi32, #tpu.memory_space<hbm>>) target_semaphore(%arg13 : memref<!tpu.dma_semaphore, #tpu.memory_space<semaphore_mem>>)
    %dma_wait3A = arith.constant 0 : i32
    %dma_wait3A_22 = tpu.memref_slice %arg3[%mul3A_2, %dma_wait3A] : memref<128x64xi32, #tpu.memory_space<hbm>> -> memref<4x64xi32, #tpu.memory_space<hbm>>
    %dma_wait3A_23 = arith.constant 0 : i32
    %dma_wait3A_24 = tpu.memref_slice %arg3[%mul3A_2, %dma_wait3A_23] : memref<128x64xi32, #tpu.memory_space<hbm>> -> memref<4x64xi32, #tpu.memory_space<hbm>>
    tpu.wait_dma2 semaphore(%arg13 : memref<!tpu.dma_semaphore, #tpu.memory_space<semaphore_mem>>) src(%arg8 : memref<4x64xi32, #tpu.memory_space<vmem>>) dst(%dma_wait3A_24 : memref<4x64xi32, #tpu.memory_space<hbm>>)
    return
  }
}

</mosaic_0001>

<sc_bundles>
// kernel: kernel.3.cloned.1.call-start
scs
__scs_entry_jumppad:
0x0: {  	(pc) =	sbr.rel $0x88, $3  }
0x1: {  	(tag) =	ssettag $0x0;
	lr =	simm.s32 $0x1  }
0x2: {  	[smem:$0x3FA0] =	sst lr;
	_ =	strace $0xD0000000  }
0x3: {  	_ = 	snop  }
0x4: {  	_ = 	snop  }
0x5: {  	_ = 	snop  }
0x6: {  	_ = 	snop  }
0x7: {  	_ = 	snop  }
__scs_overlays_trampoline_lowered:
0x8: {  	[smem:$0x3FAF] =	sst s0  }
0x9: {  	[smem:$0x3FB0] =	sst s1  }
0xa: {  	[smem:$0x3FB1] =	sst s2  }
0xb: {  	[smem:$0x3FB2] =	sst s3  }
0xc: {  	[smem:$0x3FB3] =	sst s4  }
0xd: {  	[smem:$0x3FB4] =	sst s5  }
0xe: {  	[smem:$0x3FB5] =	sst s6  }
0xf: {  	[smem:$0x3FB6] =	sst s7  }
0x10: {  	[smem:$0x3FB7] =	sst s8  }
0x11: {  	[smem:$0x3FB8] =	sst s9;
	s0 =	simm.s32 @!p0 $0x0  }
0x12: {  	s1 =	sld [smem:$0x3F9E];
	s0 =	simm.s32 @p0 $0x1  }
0x13: {  	[smem:$0x3FB9] =	sst s0;
	s0 =	simm.s32 @!p1 $0x0  }
0x14: {  	s2 =	sld [smem:$0x3F9D];
	s0 =	simm.s32 @p1 $0x1  }
0x15: {  	[smem:$0x3FBA] =	sst s0;
	s0 =	simm.s32 @!p2 $0x0  }
0x16: {  	s3 =	sld [smem:$0x3FDB];
	s0 =	simm.s32 @p2 $0x1  }
0x17: {  	s4 =	simm.s32 $0x1BF5;
	[smem:$0x3FBC] =	sst s0  }
0x18: {  	s0 =	sld [smem:$0x3F9F];
	_ =	swait.ge [sflag:s4], $0x0  }
0x19: {  	s7 =	sld [smem:$0x3FA0]  }
0x1a: {  	s8 =	sadd.s32 $0xFFFFE003, lr  }
0x1b: {  	s9 =	sadd.s32 $0xFFFFFEF7, lr;
	s5 =	simm.s32 $0xFFFFFFFF;
	p2 =	slt.u32 s8, $0xFFFFF086  }
0x1c: {  	p1 =	slt.u32 s9, $0xF7A;
	s5 =	simm.s32 @!p2 $0x0  }
0x1d: {  	s5 =	simm.s32 @p1 $0x1;
	p0 =	seq.s32 s7, s2  }
0x1e: {  	s7 =	smul.u32 @!p0 $0xF7A, s2;
	p2 =	seq.s32 @!p0 s5, $0x0  }
0x1f: {  	s9 =	smul.u32 $0xF7A, s1;
	s8 =	simm.s32 @!p0 $0x1BF5;
	p2 =	por !p2, p0  }
0x20: {  	[sflag:s8] =	ssyncset.s32 @!p0 $0xFFFFF086;
	s6 =	sadd.s32 @!p0 s3, s7;
	s7 =	simm.s32 @!p0 $0x108  }
0x21: {  	s3 =	sadd.s32 s3, s9;
	s6 =	sadd.s32 @!p0 $0x88, s6;
	s7 =	simm.s32 @p2 $0x1082  }
0x22: {  	[simem:s7], [sflag:s8] =	dma.local @!p0 [hbm:s6], $0xF7A  }
0x23: {  	s9 =	sor.u32 $0xD0000000, s2;
	s6 =	simm.s32 $0x108;
	_ =	swait.ge @!p0 [sflag:s8], $0x0  }
0x24: {  	s3 =	sadd.s32 $0x88, s3;
	s6 =	simm.s32 @!p1 $0x1082;
	[sflag:s4] =	ssyncset.s32 $0xFFFFF086  }
0x25: {  	[simem:s6], [sflag:s4] =	dma.local [hbm:s3], $0xF7A  }
0x26: {  	[smem:$0x3FA0] =	sst s1;
	(tag) =	ssettag s2;
	_ =	strace s9  }
0x27: {  	s1 =	sld [smem:$0x3FB0]  }
0x28: {  	s2 =	sld [smem:$0x3FB1]  }
0x29: {  	s4 =	sld [smem:$0x3FB3]  }
0x2a: {  	p0 =	seq.s32 s5, $0x0;
	s5 =	sld [smem:$0x3FB4]  }
0x2b: {  	s6 =	sld [smem:$0x3FB5]  }
0x2c: {  	s7 =	sld [smem:$0x3FB6]  }
0x2d: {  	s3 =	simm.s32 $0x108;
	s8 =	sld [smem:$0x3FB7]  }
0x2e: {  	s3 =	simm.s32 @!p0 $0x1082;
	s9 =	sld [smem:$0x3FB8]  }
0x2f: {  	lr =	sadd.s32 s0, s3;
	s0 =	sld [smem:$0x3FAF]  }
0x30: {  	s3 =	sld [smem:$0x3FB2]  }
0x31: {  	[smem:$0x3FBB] =	sst s10  }
0x32: {  	s10 =	sld [smem:$0x3FB9];
	_ =	sdelay $0x3  }
0x33: {  	p0 =	seq.s32 s10, $0x1;
	s10 =	sld [smem:$0x3FBB];
	_ =	sdelay $0x3  }
0x34: {  	[smem:$0x3FBB] =	sst s10  }
0x35: {  	s10 =	sld [smem:$0x3FBA];
	_ =	sdelay $0x3  }
0x36: {  	p1 =	seq.s32 s10, $0x1;
	s10 =	sld [smem:$0x3FBB];
	_ =	sdelay $0x3  }
0x37: {  	[smem:$0x3FBB] =	sst s10  }
0x38: {  	s10 =	sld [smem:$0x3FBC]  }
0x39: {  	_ = 	snop;
	(pc) =	sbr.ind lr, $3  }
0x3a: {  	_ = 	snop  }
0x3b: {  	_ = 	snop  }
0x3c: {  	p2 =	seq.s32 s10, $0x1;
	s10 =	sld [smem:$0x3FBB]  }
0x3d: {  	_ =	shalt  }
0x3e: {  	_ =	shalt  }
0x3f: {  	_ =	shalt  }
0x40: {  	_ =	shalt  }
0x41: {  	_ =	shalt  }
0x42: {  	_ =	shalt  }
0x43: {  	_ =	shalt  }
0x44: {  	_ =	shalt  }
0x45: {  	_ =	shalt  }
0x46: {  	_ =	shalt  }
0x47: {  	_ =	shalt  }
0x48: {  	_ =	shalt  }
0x49: {  	_ =	shalt  }
0x4a: {  	_ =	shalt  }
0x4b: {  	_ =	shalt  }
0x4c: {  	_ =	shalt  }
0x4d: {  	_ =	shalt  }
0x4e: {  	_ =	shalt  }
0x4f: {  	_ =	shalt  }
0x50: {  	_ =	shalt  }
0x51: {  	_ =	shalt  }
0x52: {  	_ =	shalt  }
0x53: {  	_ =	shalt  }
0x54: {  	_ =	shalt  }
0x55: {  	_ =	shalt  }
0x56: {  	_ =	shalt  }
0x57: {  	_ =	shalt  }
0x58: {  	_ =	shalt  }
0x59: {  	_ =	shalt  }
0x5a: {  	_ =	shalt  }
0x5b: {  	_ =	shalt  }
0x5c: {  	_ =	shalt  }
0x5d: {  	_ =	shalt  }
0x5e: {  	_ =	shalt  }
0x5f: {  	_ =	shalt  }
0x60: {  	_ =	shalt  }
0x61: {  	_ =	shalt  }
0x62: {  	_ =	shalt  }
0x63: {  	_ =	shalt  }
0x64: {  	_ =	shalt  }
0x65: {  	_ =	shalt  }
0x66: {  	_ =	shalt  }
0x67: {  	_ =	shalt  }
0x68: {  	_ =	shalt  }
0x69: {  	_ =	shalt  }
0x6a: {  	_ =	shalt  }
0x6b: {  	_ =	shalt  }
0x6c: {  	_ =	shalt  }
0x6d: {  	_ =	shalt  }
0x6e: {  	_ =	shalt  }
0x6f: {  	_ =	shalt  }
0x70: {  	_ =	shalt  }
0x71: {  	_ =	shalt  }
0x72: {  	_ =	shalt  }
0x73: {  	_ =	shalt  }
0x74: {  	_ =	shalt  }
0x75: {  	_ =	shalt  }
0x76: {  	_ =	shalt  }
0x77: {  	_ =	shalt  }
0x78: {  	_ =	shalt  }
0x79: {  	_ =	shalt  }
0x7a: {  	_ =	shalt  }
0x7b: {  	_ =	shalt  }
0x7c: {  	_ =	shalt  }
0x7d: {  	_ =	shalt  }
0x7e: {  	_ =	shalt  }
0x7f: {  	_ =	shalt  }
0x80: {  	_ =	shalt  }
0x81: {  	_ =	shalt  }
0x82: {  	_ =	shalt  }
0x83: {  	_ =	shalt  }
0x84: {  	_ =	shalt  }
0x85: {  	_ =	shalt  }
0x86: {  	_ =	shalt  }
0x87: {  	_ =	shalt  }
.Lfunc_end0:
.L_simem_size_0:
called_computation_lowered:
.L_overlay_start_0:
0x88: {  	s2 =	sld [smem:$0x3FD9]  }
0x89: {  	s3 =	sld [smem:$0x3FFE];
	_ =	sdelay $0x1  }
0x8a: {  	s1 =	srdreg.scid  }
0x8b: {  	s0 =	sand.u32 $0x1, s1  }
0x8c: {  	s16 =	sshll.u32 s0, $0xA;
	s2 =	sadd.s32 s3, s2  }
0x8d: {  	s2 =	sadd.s32 s2, s16  }
0x8e: {  	[smem:$0x3FC7] =	sst s2  }
0x8f: {  	_ = 	snop  }
0x90: {  	(tm) =	ssettm $0x1  }
0x91: {  	s17 =	sld [smem:$0x3FFB];
	_ =	sdelay $0x3  }
0x92: {  	_ =	strace s17  }
0x93: {  	s2 =	sld [smem:$0x3FFC];
	_ =	sdelay $0x3  }
0x94: {  	_ =	strace s2  }
0x95: {  	s2 =	sld [smem:$0x3FFD];
	_ =	sdelay $0x3  }
0x96: {  	_ =	strace s2  }
0x97: {  	_ =	strace $0x8FFFFFFF  }
0x98: {  	s18 =	sld [smem:$0x3FDB];
	_ =	sdelay $0x1  }
0x99: {  	s19 =	simm.s32 $_scs_section_size  }
0x9a: {  	s4 =	simm.s32 $_size__tile_overlayer_lowered;
	s5 =	simm.s32 $_tile_overlayer_lowered  }
0x9b: {  	s22 =	simm.s32 $0x1BFF;
	s21 =	sshll.u32 s5, $0x1;
	s2 =	sadd.s32 s19, s18  }
0x9c: {  	s6 =	simm.s32 $0x0;
	s20 =	sshll.u32 s4, $0x1;
	s4 =	sadd.s32 s21, s2  }
0x9d: {  	[timem:s6], [sflag:s22] =	dma.local [hbm:s4], s20  }
0x9e: {  	_ =	swait.ge [sflag:s22], s20  }
0x9f: {  	s3 =	ssub.s32 $0x0, s20;
	[sflag:s22] =	ssyncset.done $0x0  }
0xa0: {  	[sflag:s22] =	ssyncadd.s32 s3;
	_ =	sdelay $0x1  }
0xa1: {  	s23 =	simm.s32 $0x1B8B  }
0xa2: {  	_ =	swait.ge [sflag:s23], $0x1  }
0xa3: {  	[sflag:s23] =	ssyncset.done $0x0  }
0xa4: {  	s25 =	simm.s32 $0x1B8E;
	s24 =	sld [smem:$0x3FFE];
	[sflag:s23] =	ssyncadd.s32 $0xFFFFFFFF  }
0xa5: {  	s26 =	simm.s32 $execute0_lowered;
	[smem:$0x3FD2] =	sst s25  }
0xa6: {  	s4 =	sshll.u32 s26, $0x1;
	_ =	strace $0x80000046;
	[dreg:$0x1] =	wrdreg $0xFFFFFFFF  }
0xa7: {  	s28 =	simm.s32 $_size_execute0_lowered;
	s2 =	sadd.s32 s2, s4;
	[dreg:$0x0] =	wrdreg $0x0  }
0xa8: {  	s4 =	sshll.u32 s28, $0x1;
	[dreg:$0x2] =	wrdreg s2  }
0xa9: {  	[dreg:$0x3] =	wrdreg s4  }
0xaa: {  	[dreg:$0x4] =	wrdreg $0xC0  }
0xab: {  	_ =	task [dreg:s6], $0x5FFFF  }
0xac: {  	[dreg:$0x1] =	wrdreg $0xFFFFFFFF  }
0xad: {  	[dreg:$0x0] =	wrdreg $0x60  }
0xae: {  	[dreg:$0x2] =	wrdreg s24  }
0xaf: {  	[dreg:$0x3] =	wrdreg $0x9  }
0xb0: {  	_ =	task.clear_ibuf [dreg:s6], $0x4FFFF;
	_ =	strace $0x90000046  }
0xb1: {  	s29 =	simm.s32 $0x9;
	_ =	strace $0x80000048  }
0xb2: {  	_ =	swait.ge [sflag:s29], $0x1  }
0xb3: {  	[sflag:s29] =	ssyncadd.s32 $0xFFFFFFFF  }
0xb4: {  	_ =	strace $0x90000048  }
0xb5: {  	_ =	sfence  }
0xb6: {  	s30 =	sld [smem:$0x0];
	_ =	sdelay $0x2  }
0xb7: {  	s31 =	sshll.u32 s1, $0xD;
	s1 =	sshrl.u32 s1, $0x2  }
0xb8: {  	s3 =	sand.u32 $0x4000, s31;
	s1 =	sadd.s32 s1, s30  }
0xb9: {  	s0 =	sor.u32 s3, s0;
	s1 =	sshll.u32 s1, $0x11  }
0xba: {  	s0 =	sor.u32 s1, s0  }
0xbb: {  	s0 =	sadd.s32 $0x8F2B, s0  }
0xbc: {  	[sflag:s0] =	ssyncadd.remote.s32 $0x1  }
0xbd: {  	_ =	sfence.sel $0xFFFF  }
0xbe: {  	[dreg:$0x0] =	wrdreg $0xFFFFFFFF;
	(pc) =	sbr.abs _section_cstart, $3  }
0xbf: {  	[dreg:$0x1] =	wrdreg $0xFFFFFFFF  }
0xc0: {  	_ =	task.clear_ibuf [dreg:s6], $0x2FFFF;
	_ =	strace $0x9FFFFFFF  }
0xc1: {  	(tm) =	ssettm $0x7FFFFFFF  }
tec
execute0_lowered:
.L_overlay_start_1:
0x0: {  	(tag) =	ssettag $0x1  }
0x1: {  	s0 =	rddreg [dreg:$0x0];
	s1 =	simm.s32 $0x0  }
0x2: {  	s2 =	srdreg.scid;
	s6 =	stileid.u32;
	s10 =	simm.s32 $0x80  }
0x3: {  	s11 =	simm.s32 $0x400;
	s15 =	simm.s32 $0x1;
	s16 =	simm.s32 $0x10000  }
0x4: {  	s17 =	simm.s32 $0x2;
	s18 =	simm.s32 $0x3;
	s19 =	simm.s32 $0x4  }
0x5: {  	s20 =	simm.s32 $0x8000;
	s21 =	simm.s32 $0xFFFFFF;
	[smem:$0x7FF] =	sst s1  }
0x6: {  	s2 =	sand.u32 $0x1, s2;
	s3 =	sadd.s32 $0x400, s0;
	s28 =	sshll.u32 s6, $0xF  }
0x7: {  	s5 =	sadd.s32 $0x2400, s0;
	s29 =	sshll.u32 s6, $0x7;
	s6 =	sadd.s32 $0x4400, s0  }
0x8: {  	s7 =	sadd.s32 $0x6400, s0;
	s26 =	ssub.s32 $0x2, s2;
	s2 =	sshll.u32 s2, $0x6  }
0x9: {  	_ =	strace $0x80000047;
	[dreg:$0x2] =	wrdreg s3;
	s8 =	sadd.s32 s2, s0  }
0xa: {  	v0 =	vlaneseq.u32;
	s4 =	sshrl.u32 s26, $0x1;
	s2 =	sor.u32 s28, s2;
	s30 =	sadd.s32 s29, s8  }
0xb: {  	v1 =	vmul.u32 $0x101, v0;
	s3 =	ssub.s32 s26, s4;
	[dreg:$0x3] =	wrdreg s2;
	s0 =	sadd.s32 $0x80400, s30  }
0xc: {  	v2 =	vimm.s32 $0x0;
	v3 =	vimm.s32 $0x1;
	s22 =	simm.s32 $0x14080;
	s31 =	smax.u32 s3, $0x1;
	[dreg:$0x4] =	wrdreg s0  }
0xd: {  	s23 =	simm.s32 $0x14100;
	v4 =	vadd.s32 $0x1010, v1;
	v5 =	vadd.s32 $0x2020, v1;
	v6 =	vadd.s32 $0x3030, v1;
	s3 =	simm.s32 $0x0;
	[dreg:$0x5] =	wrdreg s31  }
.LBB2_1:
0xe: {  	[dreg:$0x6] =	wrdreg s3;
	s26 =	simm.s32 $0x0  }
.LBB2_2:
0xf: {  	s0 =	sshll.u32 s26, $0x4;
	s2 =	rddreg [dreg:$0x3]  }
0x10: {  	s25 =	rddreg [dreg:$0x2];
	s0 =	sadd.s32 s2, s0  }
0x11: {  	s2 =	sadd.s32 s25, s0  }
0x12: {  	[tilespmem:s1], [sflag:$0x1] =	stream.strided.gather [hbm4b:s2+s10], $0x2000, s11, s10, $0x38;
	[tilespmem:$0x14300] =	vst v63  }
0x13: {  	s3 =	simm.s32 $0x2000;
	s28 =	sadd.s32 s0, s5  }
0x14: {  	[tilespmem:s3], [sflag:$0x2] =	stream.strided.gather [hbm4b:s28+s10], $0x2000, s11, s10, $0x38;
	[tilespmem:$0x14300] =	vst v63  }
0x15: {  	s30 =	simm.s32 $0x4000;
	s29 =	sadd.s32 s0, s6  }
0x16: {  	[tilespmem:s30], [sflag:$0x3] =	stream.strided.gather [hbm4b:s29+s10], $0x2000, s11, s10, $0x38;
	[tilespmem:$0x14300] =	vst v63  }
0x17: {  	s31 =	simm.s32 $0x6000;
	s0 =	sadd.s32 s0, s7  }
0x18: {  	[tilespmem:s31], [sflag:$0x4] =	stream.strided.gather [hbm4b:s0+s10], $0x2000, s11, s10, $0x38;
	[tilespmem:$0x14300] =	vst v63  }
0x19: {  	s0 =	simm.s32 $0x10020  }
0x1a: {  	[tilespmem:s0+$0xFFFFFFE0] =	vst v2  }
0x1b: {  	[tilespmem:s0+$0x10] =	vst v2  }
0x1c: {  	s2 =	simm.s32 $0x0;
	[tilespmem:s0+$0x0] =	vst v2  }
.LBB2_3:
0x1d: {  	s2 =	sadd.s32 $0x4, s2  }
0x1e: {  	[tilespmem:s0+$0xFFFFFFF0] =	vst v2;
	s0 =	sadd.s32 $0x40, s0;
	p0 =	slt.u32 s2, $0x400  }
.Ltmp0:
0x1f: {  	[tilespmem:s0+$0xFFFFFFE0] =	vst v2;
	(pc) =	sbr.rel @p0 .LBB2_3-.Ltmp0, $3  }
0x20: {  	_ =	sdelay $0x1  }
0x21: {  	[tilespmem:s0+$0x10] =	vst v2  }
0x22: {  	[tilespmem:s0+$0x0] =	vst v2  }
0x23: {  	[tilespmem:s0+$0xFFFFFFF0] =	vst v2  }
0x24: {  	_ =	swait.ge [sflag:s15], $0x2000  }
0x25: {  	[sflag:s15] =	ssyncset.done $0x0  }
0x26: {  	s4 =	simm.s32 $0x60;
	[sflag:s15] =	ssyncadd.s32 $0xFFFFE000  }
0x27: {  	v7 =	vld [tilespmem:s4+$0x60];
	_ =	sdelay $0x4  }
0x28: {  	v10 =	vld [tilespmem:s4+$0x20];
	v8 =	vshra.s32 v7, $0x18  }
0x29: {  	v9 =	vld [tilespmem:s4+$0xFFFFFFE0];
	vm0 =	vlt.s32 v7, $0x0;
	v7 =	vxor.u32 $0x7F, v8  }
0x2a: {  	v7 =	vsel vm0, v7, v8;
	v8 =	vld [tilespmem:s4+$0xFFFFFFA0]  }
0x2b: {  	v7 =	vand.u32 $0xFF, v7  }
0x2c: {  	v7 =	vxor.u32 $0x80, v7  }
0x2d: {  	v14 =	vshra.s32 v10, $0x18;
	v7 =	vadd.s32 v1, v7  }
0x2e: {  	v11 =	vshra.s32 v9, $0x18;
	vm8 =	vlt.s32 v10, $0x0;
	v15 =	vxor.u32 $0x7F, v14  }
0x2f: {  	vm1 =	vlt.s32 v9, $0x0;
	v10 =	vsel vm8, v15, v14;
	v13 =	vshra.s32 v8, $0x18  }
0x30: {  	v10 =	vand.u32 $0xFF, v10;
	vm7 =	vlt.s32 v8, $0x0;
	v8 =	vxor.u32 $0x7F, v13  }
0x31: {  	s2 =	simm.s32 $0xC0;
	v12 =	vxor.u32 $0x7F, v11;
	v10 =	vxor.u32 $0x80, v10;
	v8 =	vsel vm7, v8, v13  }
0x32: {  	s3 =	sor.u32 $0x50, s2;
	v10 =	vadd.s32 v1, v10;
	[tilespmem:v7+s16+$0x0] =	vst.idx.add.s32.msk $0xffff, v3;
	v7 =	vsel vm1, v12, v11;
	v8 =	vand.u32 $0xFF, v8  }
0x33: {  	v9 =	vld [tilespmem:s3+$0x0];
	v7 =	vand.u32 $0xFF, v7;
	v8 =	vxor.u32 $0x80, v8  }
0x34: {  	v7 =	vxor.u32 $0x80, v7;
	v8 =	vadd.s32 v1, v8  }
0x35: {  	v7 =	vadd.s32 v1, v7;
	_ =	sdelay $0x1  }
0x36: {  	[tilespmem:v10+s16+$0x0] =	vst.idx.add.s32.msk $0xffff, v3  }
0x37: {  	v10 =	vld [tilespmem:s4+$0x30];
	v11 =	vshra.s32 v9, $0x18  }
0x38: {  	vm9 =	vlt.s32 v9, $0x0;
	v9 =	vxor.u32 $0x7F, v11;
	[tilespmem:v8+s16+$0x0] =	vst.idx.add.s32.msk $0xffff, v3  }
0x39: {  	v8 =	vsel vm9, v9, v11;
	[tilespmem:v7+s16+$0x0] =	vst.idx.add.s32.msk $0xffff, v3  }
0x3a: {  	v7 =	vand.u32 $0xFF, v8;
	v8 =	vld [tilespmem:s4+$0xFFFFFFB0]  }
0x3b: {  	v9 =	vld [tilespmem:s4+$0xFFFFFFF0];
	v7 =	vxor.u32 $0x80, v7  }
0x3c: {  	v7 =	vadd.s32 v4, v7;
	_ =	sdelay $0x2  }
0x3d: {  	vm2 =	vlt.s32 v10, $0x0;
	vm10 =	vlt.s32 v8, $0x0  }
0x3e: {  	v8 =	vshra.s32 v8, $0x18;
	vm11 =	vlt.s32 v9, $0x0;
	v9 =	vshra.s32 v9, $0x18  }
0x3f: {  	s8 =	sor.u32 $0x60, s2;
	v10 =	vshra.s32 v10, $0x18;
	v12 =	vxor.u32 $0x7F, v9;
	[tilespmem:v7+s16+$0x0] =	vst.idx.add.s32.msk $0xffff, v3;
	v7 =	vxor.u32 $0x7F, v8  }
0x40: {  	s30 =	simm.s32 $0x160;
	v11 =	vld [tilespmem:s8+$0x0];
	v7 =	vsel vm10, v7, v8;
	v8 =	vsel vm11, v12, v9;
	v9 =	vxor.u32 $0x7F, v10  }
0x41: {  	v9 =	vsel vm2, v9, v10;
	v10 =	vld [tilespmem:s30+$0x60]  }
0x42: {  	v8 =	vand.u32 $0xFF, v8  }
0x43: {  	v7 =	vand.u32 $0xFF, v7;
	v8 =	vxor.u32 $0x80, v8;
	v9 =	vand.u32 $0xFF, v9  }
0x44: {  	v7 =	vxor.u32 $0x80, v7;
	v8 =	vadd.s32 v4, v8;
	v9 =	vxor.u32 $0x80, v9  }
0x45: {  	v7 =	vadd.s32 v4, v7;
	v9 =	vadd.s32 v4, v9;
	v12 =	vshra.s32 v11, $0x18  }
0x46: {  	v13 =	vld [tilespmem:s30+$0xFFFFFFE0];
	vm12 =	vlt.s32 v11, $0x0;
	v11 =	vxor.u32 $0x7F, v12;
	v14 =	vshra.s32 v10, $0x18  }
0x47: {  	v15 =	vld [tilespmem:s30+$0xFFFFFFA0];
	vm13 =	vlt.s32 v10, $0x0;
	v11 =	vsel vm12, v11, v12;
	v10 =	vxor.u32 $0x7F, v14  }
0x48: {  	v12 =	vld [tilespmem:s30+$0x20];
	v11 =	vand.u32 $0xFF, v11;
	v10 =	vsel vm13, v10, v14  }
0x49: {  	[tilespmem:v8+s16+$0x0] =	vst.idx.add.s32.msk $0xffff, v3;
	v11 =	vxor.u32 $0x80, v11;
	v8 =	vand.u32 $0xFF, v10  }
0x4a: {  	[tilespmem:v7+s16+$0x0] =	vst.idx.add.s32.msk $0xffff, v3;
	v7 =	vadd.s32 v5, v11;
	v8 =	vxor.u32 $0x80, v8  }
0x4b: {  	[tilespmem:v9+s16+$0x0] =	vst.idx.add.s32.msk $0xffff, v3;
	v10 =	vshra.s32 v13, $0x18;
	v8 =	vadd.s32 v1, v8  }
0x4c: {  	vm15 =	vlt.s32 v13, $0x0;
	v9 =	vld [tilespmem:s4+$0xFFFFFFC0];
	v14 =	vxor.u32 $0x7F, v10  }
0x4d: {  	v11 =	vld [tilespmem:s4+$0x0];
	v10 =	vsel vm15, v14, v10  }
0x4e: {  	v17 =	vshra.s32 v15, $0x18;
	vm14 =	vlt.s32 v15, $0x0;
	v13 =	vld [tilespmem:s4+$0x40];
	v10 =	vand.u32 $0xFF, v10  }
0x4f: {  	s9 =	simm.s32 $0x1C0;
	v15 =	vxor.u32 $0x7F, v17;
	v16 =	vshra.s32 v12, $0x18;
	v10 =	vxor.u32 $0x80, v10;
	[tilespmem:v7+s16+$0x0] =	vst.idx.add.s32.msk $0xffff, v3  }
0x50: {  	s12 =	sor.u32 $0x50, s9;
	vm4 =	vlt.s32 v12, $0x0;
	v12 =	vsel vm14, v15, v17;
	v10 =	vadd.s32 v1, v10;
	[tilespmem:v8+s16+$0x0] =	vst.idx.add.s32.msk $0xffff, v3  }
0x51: {  	v14 =	vshra.s32 v9, $0x18;
	v7 =	vxor.u32 $0x7F, v16;
	v8 =	vand.u32 $0xFF, v12;
	v12 =	vld [tilespmem:s12+$0x0]  }
0x52: {  	s2 =	sor.u32 $0x70, s2;
	vm5 =	vlt.s32 v9, $0x0;
	v7 =	vsel vm4, v7, v16;
	v8 =	vxor.u32 $0x80, v8  }
0x53: {  	v15 =	vshra.s32 v11, $0x18;
	v18 =	vld [tilespmem:s2+$0x0];
	v7 =	vand.u32 $0xFF, v7;
	v8 =	vadd.s32 v1, v8  }
0x54: {  	v17 =	vshra.s32 v13, $0x18;
	v19 =	vxor.u32 $0x7F, v14;
	v7 =	vxor.u32 $0x80, v7  }
0x55: {  	s28 =	simm.s32 $0x260;
	vm8 =	vlt.s32 v13, $0x0;
	v9 =	vxor.u32 $0x7F, v17;
	v7 =	vadd.s32 v1, v7  }
0x56: {  	vm7 =	vlt.s32 v11, $0x0;
	v9 =	vsel vm8, v9, v17;
	v17 =	vld [tilespmem:s28+$0xFFFFFFE0];
	v21 =	vshra.s32 v12, $0x18  }
0x57: {  	v14 =	vsel vm5, v19, v14;
	[tilespmem:v10+s16+$0x0] =	vst.idx.add.s32.msk $0xffff, v3;
	vm6 =	vlt.s32 v12, $0x0;
	v12 =	vxor.u32 $0x7F, v21  }
0x58: {  	v16 =	vshra.s32 v18, $0x18;
	[tilespmem:v8+s16+$0x0] =	vst.idx.add.s32.msk $0xffff, v3;
	v8 =	vand.u32 $0xFF, v14;
	v11 =	vsel vm6, v12, v21  }
0x59: {  	vm9 =	vlt.s32 v18, $0x0;
	v18 =	vld [tilespmem:s28+$0xFFFFFFA0];
	v8 =	vxor.u32 $0x80, v8;
	v10 =	vand.u32 $0xFF, v11  }
0x5a: {  	v20 =	vxor.u32 $0x7F, v15;
	[tilespmem:v7+s16+$0x0] =	vst.idx.add.s32.msk $0xffff, v3;
	v8 =	vadd.s32 v5, v8;
	v10 =	vxor.u32 $0x80, v10  }
0x5b: {  	v9 =	vand.u32 $0xFF, v9;
	v7 =	vsel vm7, v20, v15;
	v12 =	vld [tilespmem:s30+$0xFFFFFFF0];
	v10 =	vadd.s32 v4, v10  }
0x5c: {  	v9 =	vxor.u32 $0x80, v9;
	v11 =	vld [tilespmem:s30+$0xFFFFFFB0];
	v7 =	vand.u32 $0xFF, v7  }
0x5d: {  	v9 =	vadd.s32 v5, v9;
	v13 =	vxor.u32 $0x7F, v16;
	v14 =	vld [tilespmem:s30+$0x30];
	v7 =	vxor.u32 $0x80, v7  }
0x5e: {  	vm3 =	vlt.s32 v17, $0x0;
	v13 =	vsel vm9, v13, v16;
	v7 =	vadd.s32 v5, v7  }
0x5f: {  	v13 =	vand.u32 $0xFF, v13;
	v24 =	vshra.s32 v18, $0x18;
	vm15 =	vlt.s32 v18, $0x0;
	[tilespmem:v8+s16+$0x0] =	vst.idx.add.s32.msk $0xffff, v3  }
0x60: {  	s13 =	sor.u32 $0x60, s9;
	vm11 =	vlt.s32 v12, $0x0;
	v12 =	vshra.s32 v12, $0x18;
	v8 =	vxor.u32 $0x80, v13;
	[tilespmem:v10+s16+$0x0] =	vst.idx.add.s32.msk $0xffff, v3  }
0x61: {  	vm10 =	vlt.s32 v11, $0x0;
	v11 =	vshra.s32 v11, $0x18;
	v15 =	vxor.u32 $0x7F, v12;
	v13 =	vld [tilespmem:s13+$0x0]  }
0x62: {  	v16 =	vld [tilespmem:s28+$0x60];
	vm12 =	vlt.s32 v14, $0x0;
	v14 =	vshra.s32 v14, $0x18;
	v10 =	vxor.u32 $0x7F, v11  }
0x63: {  	[tilespmem:v7+s16+$0x0] =	vst.idx.add.s32.msk $0xffff, v3;
	v7 =	vsel vm10, v10, v11;
	v10 =	vsel vm11, v15, v12;
	v11 =	vxor.u32 $0x7F, v14  }
0x64: {  	[tilespmem:v9+s16+$0x0] =	vst.idx.add.s32.msk $0xffff, v3;
	v7 =	vand.u32 $0xFF, v7;
	v9 =	vand.u32 $0xFF, v10;
	v10 =	vsel vm12, v11, v14  }
0x65: {  	v7 =	vxor.u32 $0x80, v7;
	v9 =	vxor.u32 $0x80, v9;
	v10 =	vand.u32 $0xFF, v10  }
0x66: {  	v12 =	vld [tilespmem:s4+$0x10];
	v7 =	vadd.s32 v4, v7;
	v9 =	vadd.s32 v4, v9;
	v14 =	vshra.s32 v13, $0x18  }
0x67: {  	v15 =	vld [tilespmem:s4+$0x50];
	v10 =	vxor.u32 $0x80, v10;
	vm13 =	vlt.s32 v13, $0x0;
	v13 =	vxor.u32 $0x7F, v14  }
0x68: {  	v22 =	vshra.s32 v16, $0x18;
	v11 =	vld [tilespmem:s4+$0xFFFFFFD0];
	v10 =	vadd.s32 v4, v10;
	v13 =	vsel vm13, v13, v14  }
0x69: {  	vm14 =	vlt.s32 v16, $0x0;
	v16 =	vxor.u32 $0x7F, v22;
	v13 =	vand.u32 $0xFF, v13  }
0x6a: {  	v18 =	vxor.u32 $0x7F, v24;
	v16 =	vsel vm14, v16, v22;
	v14 =	vld [tilespmem:s28+$0x20];
	v13 =	vxor.u32 $0x80, v13  }
0x6b: {  	v8 =	vadd.s32 v6, v8;
	v16 =	vand.u32 $0xFF, v16;
	[tilespmem:v7+s16+$0x0] =	vst.idx.add.s32.msk $0xffff, v3;
	v7 =	vadd.s32 v5, v13  }
0x6c: {  	v16 =	vxor.u32 $0x80, v16;
	v55 =	vshra.s32 v12, $0x18;
	v56 =	vshra.s32 v15, $0x18;
	[tilespmem:v9+s16+$0x0] =	vst.idx.add.s32.msk $0xffff, v3  }
0x6d: {  	vm0 =	vlt.s32 v12, $0x0;
	vm1 =	vlt.s32 v11, $0x0;
	v11 =	vshra.s32 v11, $0x18;
	[tilespmem:v10+s16+$0x0] =	vst.idx.add.s32.msk $0xffff, v3  }
0x6e: {  	v12 =	vshra.s32 v17, $0x18;
	vm11 =	vlt.s32 v15, $0x0;
	v19 =	vxor.u32 $0x7F, v11;
	v57 =	vld [tilespmem:s30+$0xFFFFFFC0]  }
0x6f: {  	v9 =	vxor.u32 $0x7F, v56;
	v11 =	vsel vm1, v19, v11;
	v10 =	vxor.u32 $0x7F, v12;
	v26 =	vld [tilespmem:s30+$0x0]  }
0x70: {  	v10 =	vsel vm3, v10, v12;
	v23 =	vshra.s32 v14, $0x18;
	[tilespmem:v7+s16+$0x0] =	vst.idx.add.s32.msk $0xffff, v3;
	v7 =	vadd.s32 v1, v16  }
0x71: {  	v17 =	vld [tilespmem:s30+$0x40];
	v10 =	vand.u32 $0xFF, v10;
	vm4 =	vlt.s32 v14, $0x0;
	v25 =	vxor.u32 $0x7F, v23  }
0x72: {  	s14 =	sor.u32 $0x70, s9;
	v13 =	vxor.u32 $0x7F, v55;
	v10 =	vxor.u32 $0x80, v10;
	v12 =	vsel vm4, v25, v23  }
0x73: {  	v10 =	vadd.s32 v1, v10;
	v16 =	vsel vm15, v18, v24;
	v12 =	vand.u32 $0xFF, v12;
	v14 =	vld [tilespmem:s14+$0x0]  }
0x74: {  	s29 =	simm.s32 $0x2C0;
	vm8 =	vlt.s32 v57, $0x0;
	v16 =	vand.u32 $0xFF, v16;
	v12 =	vxor.u32 $0x80, v12  }
0x75: {  	s24 =	sor.u32 $0x50, s29;
	vm9 =	vlt.s32 v26, $0x0;
	v16 =	vxor.u32 $0x80, v16;
	v12 =	vadd.s32 v1, v12;
	[tilespmem:v7+s16+$0x0] =	vst.idx.add.s32.msk $0xffff, v3  }
0x76: {  	v18 =	vshra.s32 v26, $0x18;
	v60 =	vshra.s32 v17, $0x18;
	v16 =	vadd.s32 v1, v16;
	v59 =	vld [tilespmem:s24+$0x0]  }
0x77: {  	vm10 =	vlt.s32 v17, $0x0;
	v61 =	vxor.u32 $0x7F, v18;
	v62 =	vxor.u32 $0x7F, v60  }
0x78: {  	v15 =	vsel vm10, v62, v60;
	v7 =	vshra.s32 v57, $0x18;
	v58 =	vshra.s32 v14, $0x18  }
0x79: {  	[tilespmem:v10+s16+$0x0] =	vst.idx.add.s32.msk $0xffff, v3;
	vm7 =	vlt.s32 v14, $0x0;
	v27 =	vxor.u32 $0x7F, v7;
	v14 =	vxor.u32 $0x7F, v58  }
0x7a: {  	v15 =	vand.u32 $0xFF, v15;
	v7 =	vsel vm8, v27, v7;
	[tilespmem:v12+s16+$0x0] =	vst.idx.add.s32.msk $0xffff, v3;
	v14 =	vsel vm7, v14, v58  }
0x7b: {  	[tilespmem:v16+s16+$0x0] =	vst.idx.add.s32.msk $0xffff, v3;
	v7 =	vand.u32 $0xFF, v7;
	v14 =	vand.u32 $0xFF, v14;
	v12 =	vshra.s32 v59, $0x18  }
0x7c: {  	v16 =	vld [tilespmem:s28+$0xFFFFFFB0];
	v14 =	vxor.u32 $0x80, v14;
	vm12 =	vlt.s32 v59, $0x0;
	v17 =	vxor.u32 $0x7F, v12  }
0x7d: {  	v10 =	vadd.s32 v6, v14;
	v14 =	vsel vm9, v61, v18;
	v18 =	vld [tilespmem:s28+$0xFFFFFFF0];
	v12 =	vsel vm12, v17, v12  }
0x7e: {  	v15 =	vxor.u32 $0x80, v15;
	v7 =	vxor.u32 $0x80, v7;
	v17 =	vld [tilespmem:s28+$0x30];
	v12 =	vand.u32 $0xFF, v12  }
0x7f: {  	v7 =	vadd.s32 v5, v7;
	v14 =	vand.u32 $0xFF, v14;
	v12 =	vxor.u32 $0x80, v12  }
0x80: {  	v63 =	vadd.s32 v5, v15;
	v14 =	vxor.u32 $0x80, v14;
	v12 =	vadd.s32 v4, v12  }
0x81: {  	v14 =	vadd.s32 v5, v14;
	vm13 =	vlt.s32 v16, $0x0;
	v15 =	vshra.s32 v16, $0x18  }
0x82: {  	[tilespmem:v8+s16+$0x0] =	vst.idx.add.s32.msk $0xffff, v3;
	v8 =	vxor.u32 $0x7F, v15;
	vm14 =	vlt.s32 v18, $0x0;
	v16 =	vshra.s32 v18, $0x18  }
0x83: {  	[tilespmem:v10+s16+$0x0] =	vst.idx.add.s32.msk $0xffff, v3;
	v10 =	vxor.u32 $0x7F, v16;
	vm15 =	vlt.s32 v17, $0x0;
	v17 =	vshra.s32 v17, $0x18  }
0x84: {  	[tilespmem:v7+s16+$0x0] =	vst.idx.add.s32.msk $0xffff, v3;
	v8 =	vsel vm13, v8, v15;
	v10 =	vsel vm14, v10, v16;
	v15 =	vxor.u32 $0x7F, v17  }
0x85: {  	s25 =	sor.u32 $0x60, s29;
	v7 =	vand.u32 $0xFF, v8;
	v8 =	vand.u32 $0xFF, v10;
	v10 =	vsel vm15, v15, v17;
	[tilespmem:v12+s16+$0x0] =	vst.idx.add.s32.msk $0xffff, v3  }
0x86: {  	v7 =	vxor.u32 $0x80, v7;
	v8 =	vxor.u32 $0x80, v8;
	v10 =	vand.u32 $0xFF, v10;
	v17 =	vld [tilespmem:s25+$0x0]  }
0x87: {  	[tilespmem:v63+s16+$0x0] =	vst.idx.add.s32.msk $0xffff, v3;
	v16 =	vadd.s32 v4, v7;
	v15 =	vadd.s32 v4, v8;
	v7 =	vxor.u32 $0x80, v10  }
0x88: {  	[tilespmem:v14+s16+$0x0] =	vst.idx.add.s32.msk $0xffff, v3;
	v8 =	vsel vm0, v13, v55;
	v14 =	vadd.s32 v4, v7;
	v7 =	vand.u32 $0xFF, v11  }
0x89: {  	v9 =	vsel vm11, v9, v56;
	v10 =	vld [tilespmem:s30+$0xFFFFFFD0];
	v11 =	vand.u32 $0xFF, v8;
	v7 =	vxor.u32 $0x80, v7  }
0x8a: {  	v18 =	vand.u32 $0xFF, v9;
	v13 =	vld [tilespmem:s30+$0x10];
	v11 =	vxor.u32 $0x80, v11;
	v8 =	vadd.s32 v6, v7  }
0x8b: {  	s31 =	simm.s32 $0x8;
	s0 =	simm.s32 $0x360;
	v7 =	vld [tilespmem:s30+$0x50];
	v9 =	vadd.s32 v6, v11;
	v11 =	vxor.u32 $0x80, v18;
	v12 =	vshra.s32 v17, $0x18  }
.LBB2_5:
0x8c: {  	v18 =	vld [tilespmem:s0+$0x60];
	s31 =	sadd.s32 $0x4, s31;
	vm0 =	vlt.s32 v17, $0x0;
	v17 =	vxor.u32 $0x7F, v12;
	v19 =	vadd.s32 v6, v11  }
0x8d: {  	v20 =	vld [tilespmem:s0+$0xFFFFFFE0];
	p0 =	slt.u32 s31, $0x7C;
	v11 =	vsel vm0, v17, v12  }
0x8e: {  	v17 =	vld [tilespmem:s0+$0x20];
	v11 =	vand.u32 $0xFF, v11;
	vm1 =	vlt.s32 v10, $0x0;
	v21 =	vshra.s32 v10, $0x18  }
0x8f: {  	v22 =	vld [tilespmem:s0+$0xFFFFFFA0];
	v11 =	vxor.u32 $0x80, v11;
	v23 =	vxor.u32 $0x7F, v21;
	v10 =	vshra.s32 v13, $0x18  }
0x90: {  	[tilespmem:v16+s16+$0x0] =	vst.idx.add.s32.msk $0xffff, v3;
	v16 =	vadd.s32 v5, v11;
	v12 =	vxor.u32 $0x7F, v10;
	v11 =	vshra.s32 v7, $0x18  }
0x91: {  	vm0 =	vlt.s32 v13, $0x0;
	v24 =	vshra.s32 v18, $0x18;
	[tilespmem:v15+s16+$0x0] =	vst.idx.add.s32.msk $0xffff, v3;
	v13 =	vxor.u32 $0x7F, v11  }
0x92: {  	vm2 =	vlt.s32 v18, $0x0;
	v15 =	vshra.s32 v20, $0x18;
	v18 =	vxor.u32 $0x7F, v24;
	[tilespmem:v14+s16+$0x0] =	vst.idx.add.s32.msk $0xffff, v3  }
0x93: {  	v14 =	vxor.u32 $0x7F, v15;
	v25 =	vshra.s32 v17, $0x18;
	v18 =	vsel vm2, v18, v24;
	v24 =	vld [tilespmem:s28+$0xFFFFFFC0]  }
0x94: {  	v26 =	vshra.s32 v22, $0x18;
	v27 =	vxor.u32 $0x7F, v25;
	v18 =	vand.u32 $0xFF, v18;
	v28 =	vld [tilespmem:s28+$0x0]  }
0x95: {  	s2 =	sor.u32 $0x70, s29;
	vm2 =	vlt.s32 v22, $0x0;
	v22 =	vxor.u32 $0x7F, v26;
	v18 =	vxor.u32 $0x80, v18;
	[tilespmem:v16+s16+$0x0] =	vst.idx.add.s32.msk $0xffff, v3  }
0x96: {  	vm3 =	vlt.s32 v20, $0x0;
	vm4 =	vlt.s32 v17, $0x0;
	v16 =	vadd.s32 v1, v18;
	v17 =	vld [tilespmem:s2+$0x0]  }
0x97: {  	v14 =	vsel vm3, v14, v15;
	v15 =	vsel vm4, v27, v25;
	v18 =	vsel vm2, v22, v26;
	v20 =	vld [tilespmem:s28+$0x40]  }
0x98: {  	v14 =	vand.u32 $0xFF, v14;
	v15 =	vand.u32 $0xFF, v15;
	v18 =	vand.u32 $0xFF, v18;
	[tilespmem:v8+s16+$0x0] =	vst.idx.add.s32.msk $0xffff, v3  }
0x99: {  	v14 =	vxor.u32 $0x80, v14;
	v15 =	vxor.u32 $0x80, v15;
	v8 =	vxor.u32 $0x80, v18;
	[tilespmem:v9+s16+$0x0] =	vst.idx.add.s32.msk $0xffff, v3  }
0x9a: {  	s29 =	sadd.s32 $0x100, s29;
	v8 =	vadd.s32 v1, v8;
	v9 =	vadd.s32 v1, v14;
	v14 =	vadd.s32 v1, v15  }
0x9b: {  	s2 =	sor.u32 $0x50, s29;
	v15 =	vshra.s32 v24, $0x18;
	[tilespmem:v16+s16+$0x0] =	vst.idx.add.s32.msk $0xffff, v3;
	v16 =	vshra.s32 v28, $0x18;
	v18 =	vshra.s32 v17, $0x18  }
0x9c: {  	vm2 =	vlt.s32 v17, $0x0;
	v22 =	vld [tilespmem:s2+$0x0];
	v25 =	vshra.s32 v20, $0x18;
	v17 =	vxor.u32 $0x7F, v18  }
0x9d: {  	v26 =	vxor.u32 $0x7F, v15;
	v27 =	vxor.u32 $0x7F, v16;
	v17 =	vsel vm2, v17, v18;
	[tilespmem:v19+s16+$0x0] =	vst.idx.add.s32.msk $0xffff, v3  }
0x9e: {  	vm2 =	vlt.s32 v24, $0x0;
	v18 =	vxor.u32 $0x7F, v25;
	v17 =	vand.u32 $0xFF, v17  }
0x9f: {  	vm3 =	vlt.s32 v28, $0x0;
	vm4 =	vlt.s32 v20, $0x0;
	[tilespmem:v8+s16+$0x0] =	vst.idx.add.s32.msk $0xffff, v3;
	v8 =	vxor.u32 $0x80, v17  }
0xa0: {  	[tilespmem:v9+s16+$0x0] =	vst.idx.add.s32.msk $0xffff, v3;
	v9 =	vsel vm2, v26, v15;
	v8 =	vadd.s32 v6, v8;
	vm2 =	vlt.s32 v7, $0x0  }
0xa1: {  	v15 =	vsel vm4, v18, v25;
	[tilespmem:v14+s16+$0x0] =	vst.idx.add.s32.msk $0xffff, v3;
	v7 =	vshra.s32 v22, $0x18;
	v14 =	vsel vm3, v27, v16  }
0xa2: {  	vm3 =	vlt.s32 v22, $0x0;
	v9 =	vand.u32 $0xFF, v9;
	v16 =	vld [tilespmem:s0+$0xFFFFFFB0];
	v17 =	vxor.u32 $0x7F, v7  }
0xa3: {  	v15 =	vand.u32 $0xFF, v15;
	v14 =	vand.u32 $0xFF, v14;
	v18 =	vld [tilespmem:s0+$0xFFFFFFF0];
	v7 =	vsel vm3, v17, v7  }
0xa4: {  	v9 =	vxor.u32 $0x80, v9;
	v14 =	vxor.u32 $0x80, v14;
	v17 =	vld [tilespmem:s0+$0x30];
	v7 =	vand.u32 $0xFF, v7  }
0xa5: {  	v15 =	vxor.u32 $0x80, v15;
	v9 =	vadd.s32 v5, v9;
	v7 =	vxor.u32 $0x80, v7;
	[tilespmem:v8+s16+$0x0] =	vst.idx.add.s32.msk $0xffff, v3  }
0xa6: {  	v19 =	vadd.s32 v5, v15;
	v8 =	vadd.s32 v5, v14;
	v7 =	vadd.s32 v4, v7  }
0xa7: {  	v20 =	vsel vm1, v23, v21;
	vm3 =	vlt.s32 v16, $0x0;
	v14 =	vshra.s32 v16, $0x18  }
0xa8: {  	v15 =	vxor.u32 $0x7F, v14;
	vm1 =	vlt.s32 v18, $0x0;
	v16 =	vshra.s32 v18, $0x18  }
0xa9: {  	v18 =	vxor.u32 $0x7F, v16;
	vm4 =	vlt.s32 v17, $0x0;
	v17 =	vshra.s32 v17, $0x18  }
0xaa: {  	v14 =	vsel vm3, v15, v14;
	v15 =	vsel vm1, v18, v16;
	v16 =	vxor.u32 $0x7F, v17;
	[tilespmem:v9+s16+$0x0] =	vst.idx.add.s32.msk $0xffff, v3  }
0xab: {  	s2 =	sor.u32 $0x60, s29;
	v9 =	vand.u32 $0xFF, v14;
	v14 =	vand.u32 $0xFF, v15;
	v15 =	vsel vm4, v16, v17;
	[tilespmem:v7+s16+$0x0] =	vst.idx.add.s32.msk $0xffff, v3  }
0xac: {  	v7 =	vxor.u32 $0x80, v9;
	v9 =	vxor.u32 $0x80, v14;
	v14 =	vand.u32 $0xFF, v15;
	v17 =	vld [tilespmem:s2+$0x0]  }
.Ltmp1:
0xad: {  	v16 =	vadd.s32 v4, v7;
	v15 =	vadd.s32 v4, v9;
	v7 =	vxor.u32 $0x80, v14;
	[tilespmem:v8+s16+$0x0] =	vst.idx.add.s32.msk $0xffff, v3;
	(pc) =	sbr.rel @p0 .LBB2_5-.Ltmp1, $4  }
0xae: {  	v8 =	vsel vm0, v12, v10;
	v14 =	vadd.s32 v4, v7;
	[tilespmem:v19+s16+$0x0] =	vst.idx.add.s32.msk $0xffff, v3;
	v7 =	vand.u32 $0xFF, v20  }
0xaf: {  	v11 =	vsel vm2, v13, v11;
	v9 =	vand.u32 $0xFF, v8;
	v10 =	vld [tilespmem:s28+$0xFFFFFFD0];
	v7 =	vxor.u32 $0x80, v7  }
0xb0: {  	v11 =	vand.u32 $0xFF, v11;
	v9 =	vxor.u32 $0x80, v9;
	v13 =	vld [tilespmem:s28+$0x10];
	v8 =	vadd.s32 v6, v7  }
0xb1: {  	v11 =	vxor.u32 $0x80, v11;
	v9 =	vadd.s32 v6, v9;
	v12 =	vshra.s32 v17, $0x18;
	v7 =	vld [tilespmem:s28+$0x50];
	s28 =	smov.u32 s0;
	s0 =	sadd.s32 $0x100, s0  }
0xb2: {  	_ =	sdelay $0x3  }
0xb3: {  	[tilespmem:v16+s16+$0x0] =	vst.idx.add.s32.msk $0xffff, v3  }
0xb4: {  	[tilespmem:v15+s16+$0x0] =	vst.idx.add.s32.msk $0xffff, v3  }
0xb5: {  	[tilespmem:v14+s16+$0x0] =	vst.idx.add.s32.msk $0xffff, v3  }
0xb6: {  	v14 =	vld [tilespmem:s28+$0xFFFFFFC0]  }
0xb7: {  	vm0 =	vlt.s32 v17, $0x0;
	v15 =	vxor.u32 $0x7F, v12;
	v16 =	vld [tilespmem:s28+$0x0]  }
0xb8: {  	v12 =	vsel vm0, v15, v12;
	v15 =	vld [tilespmem:s28+$0x40];
	_ =	sdelay $0x1  }
0xb9: {  	v12 =	vand.u32 $0xFF, v12  }
0xba: {  	v12 =	vxor.u32 $0x80, v12  }
0xbb: {  	v12 =	vadd.s32 v5, v12  }
0xbc: {  	v17 =	vshra.s32 v14, $0x18;
	v18 =	vshra.s32 v16, $0x18;
	v19 =	vshra.s32 v15, $0x18  }
0xbd: {  	vm8 =	vlt.s32 v14, $0x0;
	vm1 =	vlt.s32 v16, $0x0;
	v20 =	vxor.u32 $0x7F, v17  }
0xbe: {  	vm9 =	vlt.s32 v15, $0x0;
	v14 =	vxor.u32 $0x7F, v19;
	v16 =	vsel vm8, v20, v17  }
0xbf: {  	v21 =	vxor.u32 $0x7F, v18;
	v14 =	vsel vm9, v14, v19;
	v15 =	vand.u32 $0xFF, v16  }
0xc0: {  	s0 =	sor.u32 $0x70, s29;
	[tilespmem:v12+s16+$0x0] =	vst.idx.add.s32.msk $0xffff, v3;
	v12 =	vsel vm1, v21, v18;
	v14 =	vand.u32 $0xFF, v14;
	v15 =	vxor.u32 $0x80, v15  }
0xc1: {  	v16 =	vld [tilespmem:s0+$0x0];
	v12 =	vand.u32 $0xFF, v12;
	v14 =	vxor.u32 $0x80, v14;
	v15 =	vadd.s32 v5, v15  }
0xc2: {  	v12 =	vxor.u32 $0x80, v12;
	v14 =	vadd.s32 v5, v14  }
0xc3: {  	v12 =	vadd.s32 v5, v12;
	_ =	sdelay $0x1  }
0xc4: {  	v11 =	vadd.s32 v6, v11;
	vm10 =	vlt.s32 v10, $0x0  }
0xc5: {  	v10 =	vshra.s32 v10, $0x18;
	vm12 =	vlt.s32 v13, $0x0;
	v17 =	vshra.s32 v16, $0x18;
	[tilespmem:v15+s16+$0x0] =	vst.idx.add.s32.msk $0xffff, v3  }
0xc6: {  	vm2 =	vlt.s32 v7, $0x0;
	vm11 =	vlt.s32 v16, $0x0;
	v16 =	vxor.u32 $0x7F, v17;
	[tilespmem:v14+s16+$0x0] =	vst.idx.add.s32.msk $0xffff, v3  }
0xc7: {  	v15 =	vshra.s32 v13, $0x18;
	v14 =	vshra.s32 v7, $0x18;
	v16 =	vsel vm11, v16, v17;
	[tilespmem:v12+s16+$0x0] =	vst.idx.add.s32.msk $0xffff, v3  }
0xc8: {  	v12 =	vxor.u32 $0x7F, v10;
	v17 =	vxor.u32 $0x7F, v15;
	v18 =	vxor.u32 $0x7F, v14;
	v7 =	vld [tilespmem:s28+$0x10]  }
0xc9: {  	v16 =	vand.u32 $0xFF, v16;
	v10 =	vsel vm10, v12, v10;
	v12 =	vsel vm12, v17, v15;
	v15 =	vld [tilespmem:s28+$0x50]  }
0xca: {  	v14 =	vsel vm2, v18, v14;
	v13 =	vxor.u32 $0x80, v16;
	v16 =	vld [tilespmem:s28+$0xFFFFFFD0];
	v10 =	vand.u32 $0xFF, v10  }
0xcb: {  	v12 =	vand.u32 $0xFF, v12;
	v14 =	vand.u32 $0xFF, v14;
	v13 =	vadd.s32 v6, v13  }
0xcc: {  	v10 =	vxor.u32 $0x80, v10;
	v12 =	vxor.u32 $0x80, v12;
	v14 =	vxor.u32 $0x80, v14  }
0xcd: {  	v10 =	vadd.s32 v6, v10;
	v12 =	vadd.s32 v6, v12;
	v14 =	vadd.s32 v6, v14  }
0xce: {  	v17 =	vshra.s32 v7, $0x18;
	v52 =	vshra.s32 v15, $0x18;
	vm14 =	vlt.s32 v7, $0x0  }
0xcf: {  	vm15 =	vlt.s32 v15, $0x0;
	vm13 =	vlt.s32 v16, $0x0;
	v19 =	vxor.u32 $0x7F, v17  }
0xd0: {  	v16 =	vshra.s32 v16, $0x18;
	v7 =	vxor.u32 $0x7F, v52;
	v15 =	vsel vm14, v19, v17  }
0xd1: {  	[tilespmem:v9+s16+$0x0] =	vst.idx.add.s32.msk $0xffff, v3;
	v18 =	vxor.u32 $0x7F, v16;
	v7 =	vsel vm15, v7, v52;
	v9 =	vand.u32 $0xFF, v15  }
0xd2: {  	[tilespmem:v8+s16+$0x0] =	vst.idx.add.s32.msk $0xffff, v3;
	v16 =	vsel vm13, v18, v16;
	v7 =	vand.u32 $0xFF, v7;
	v9 =	vxor.u32 $0x80, v9  }
0xd3: {  	[tilespmem:v11+s16+$0x0] =	vst.idx.add.s32.msk $0xffff, v3;
	v8 =	vand.u32 $0xFF, v16;
	v7 =	vxor.u32 $0x80, v7;
	v9 =	vadd.s32 v6, v9  }
0xd4: {  	[tilespmem:v13+s16+$0x0] =	vst.idx.add.s32.msk $0xffff, v3;
	v8 =	vxor.u32 $0x80, v8;
	v7 =	vadd.s32 v6, v7  }
0xd5: {  	[tilespmem:v10+s16+$0x0] =	vst.idx.add.s32.msk $0xffff, v3;
	v8 =	vadd.s32 v6, v8  }
0xd6: {  	[tilespmem:v12+s16+$0x0] =	vst.idx.add.s32.msk $0xffff, v3  }
0xd7: {  	[tilespmem:v14+s16+$0x0] =	vst.idx.add.s32.msk $0xffff, v3  }
0xd8: {  	[tilespmem:v9+s16+$0x0] =	vst.idx.add.s32.msk $0xffff, v3  }
0xd9: {  	[tilespmem:v7+s16+$0x0] =	vst.idx.add.s32.msk $0xffff, v3  }
0xda: {  	[tilespmem:v8+s16+$0x0] =	vst.idx.add.s32.msk $0xffff, v3  }
0xdb: {  	_ =	swait.ge [sflag:s17], $0x2000  }
0xdc: {  	[sflag:s17] =	ssyncset.done $0x0  }
0xdd: {  	s25 =	simm.s32 $0x20F0;
	[sflag:s17] =	ssyncadd.s32 $0xFFFFE000  }
0xde: {  	v7 =	vld [tilespmem:s25+$0xFFFFFFD0];
	_ =	sdelay $0x4  }
0xdf: {  	v10 =	vld [tilespmem:s25+$0xFFFFFF90];
	v8 =	vshra.s32 v7, $0x18  }
0xe0: {  	v9 =	vld [tilespmem:s25+$0xFFFFFF50];
	vm4 =	vlt.s32 v7, $0x0;
	v7 =	vxor.u32 $0x7F, v8  }
0xe1: {  	v7 =	vsel vm4, v7, v8;
	v8 =	vld [tilespmem:s25+$0xFFFFFF10]  }
0xe2: {  	v7 =	vand.u32 $0xFF, v7  }
0xe3: {  	v7 =	vxor.u32 $0x80, v7  }
0xe4: {  	v14 =	vshra.s32 v10, $0x18;
	v7 =	vadd.s32 v1, v7  }
0xe5: {  	v11 =	vshra.s32 v9, $0x18;
	vm7 =	vlt.s32 v10, $0x0;
	v15 =	vxor.u32 $0x7F, v14  }
0xe6: {  	vm6 =	vlt.s32 v9, $0x0;
	v10 =	vsel vm7, v15, v14;
	v13 =	vshra.s32 v8, $0x18  }
0xe7: {  	v10 =	vand.u32 $0xFF, v10;
	vm5 =	vlt.s32 v8, $0x0;
	v8 =	vxor.u32 $0x7F, v13  }
0xe8: {  	v12 =	vxor.u32 $0x7F, v11;
	v10 =	vxor.u32 $0x80, v10;
	v8 =	vsel vm5, v8, v13  }
0xe9: {  	v10 =	vadd.s32 v1, v10;
	[tilespmem:v7+s16+$0x0] =	vst.idx.add.s32.msk $0xffff, v3;
	v7 =	vsel vm6, v12, v11;
	v8 =	vand.u32 $0xFF, v8  }
0xea: {  	v9 =	vld [tilespmem:s25+$0xFFFFFFE0];
	v7 =	vand.u32 $0xFF, v7;
	v8 =	vxor.u32 $0x80, v8  }
0xeb: {  	v7 =	vxor.u32 $0x80, v7;
	v8 =	vadd.s32 v1, v8  }
0xec: {  	v7 =	vadd.s32 v1, v7;
	_ =	sdelay $0x1  }
0xed: {  	[tilespmem:v10+s16+$0x0] =	vst.idx.add.s32.msk $0xffff, v3  }
0xee: {  	v10 =	vld [tilespmem:s25+$0xFFFFFFA0];
	v11 =	vshra.s32 v9, $0x18  }
0xef: {  	vm8 =	vlt.s32 v9, $0x0;
	v9 =	vxor.u32 $0x7F, v11;
	[tilespmem:v8+s16+$0x0] =	vst.idx.add.s32.msk $0xffff, v3  }
0xf0: {  	v8 =	vsel vm8, v9, v11;
	[tilespmem:v7+s16+$0x0] =	vst.idx.add.s32.msk $0xffff, v3  }
0xf1: {  	v7 =	vand.u32 $0xFF, v8;
	v8 =	vld [tilespmem:s25+$0xFFFFFF20]  }
0xf2: {  	v9 =	vld [tilespmem:s25+$0xFFFFFF60];
	v7 =	vxor.u32 $0x80, v7  }
0xf3: {  	v7 =	vadd.s32 v4, v7;
	_ =	sdelay $0x2  }
0xf4: {  	vm11 =	vlt.s32 v10, $0x0;
	vm9 =	vlt.s32 v8, $0x0  }
0xf5: {  	v8 =	vshra.s32 v8, $0x18;
	vm10 =	vlt.s32 v9, $0x0;
	v9 =	vshra.s32 v9, $0x18  }
0xf6: {  	v10 =	vshra.s32 v10, $0x18;
	v12 =	vxor.u32 $0x7F, v9;
	[tilespmem:v7+s16+$0x0] =	vst.idx.add.s32.msk $0xffff, v3;
	v7 =	vxor.u32 $0x7F, v8  }
0xf7: {  	s31 =	simm.s32 $0x21F0;
	v11 =	vld [tilespmem:s25+$0xFFFFFFF0];
	v7 =	vsel vm9, v7, v8;
	v8 =	vsel vm10, v12, v9;
	v9 =	vxor.u32 $0x7F, v10  }
0xf8: {  	v9 =	vsel vm11, v9, v10;
	v10 =	vld [tilespmem:s31+$0xFFFFFFD0]  }
0xf9: {  	v8 =	vand.u32 $0xFF, v8  }
0xfa: {  	v7 =	vand.u32 $0xFF, v7;
	v8 =	vxor.u32 $0x80, v8;
	v9 =	vand.u32 $0xFF, v9  }
0xfb: {  	v7 =	vxor.u32 $0x80, v7;
	v8 =	vadd.s32 v4, v8;
	v9 =	vxor.u32 $0x80, v9  }
0xfc: {  	v7 =	vadd.s32 v4, v7;
	v9 =	vadd.s32 v4, v9;
	v12 =	vshra.s32 v11, $0x18  }
0xfd: {  	v13 =	vld [tilespmem:s31+$0xFFFFFF50];
	vm12 =	vlt.s32 v11, $0x0;
	v11 =	vxor.u32 $0x7F, v12;
	v14 =	vshra.s32 v10, $0x18  }
0xfe: {  	v15 =	vld [tilespmem:s31+$0xFFFFFF10];
	vm13 =	vlt.s32 v10, $0x0;
	v11 =	vsel vm12, v11, v12;
	v10 =	vxor.u32 $0x7F, v14  }
0xff: {  	v12 =	vld [tilespmem:s31+$0xFFFFFF90];
	v11 =	vand.u32 $0xFF, v11;
	v10 =	vsel vm13, v10, v14  }
0x100: {  	[tilespmem:v8+s16+$0x0] =	vst.idx.add.s32.msk $0xffff, v3;
	v11 =	vxor.u32 $0x80, v11;
	v8 =	vand.u32 $0xFF, v10  }
0x101: {  	[tilespmem:v7+s16+$0x0] =	vst.idx.add.s32.msk $0xffff, v3;
	v7 =	vadd.s32 v5, v11;
	v8 =	vxor.u32 $0x80, v8  }
0x102: {  	[tilespmem:v9+s16+$0x0] =	vst.idx.add.s32.msk $0xffff, v3;
	v10 =	vshra.s32 v13, $0x18;
	v8 =	vadd.s32 v1, v8  }
0x103: {  	vm15 =	vlt.s32 v13, $0x0;
	v9 =	vld [tilespmem:s25+$0xFFFFFF30];
	v14 =	vxor.u32 $0x7F, v10  }
0x104: {  	v11 =	vld [tilespmem:s25+$0xFFFFFF70];
	v10 =	vsel vm15, v14, v10  }
0x105: {  	v17 =	vshra.s32 v15, $0x18;
	vm14 =	vlt.s32 v15, $0x0;
	v13 =	vld [tilespmem:s25+$0xFFFFFFB0];
	v10 =	vand.u32 $0xFF, v10  }
0x106: {  	v15 =	vxor.u32 $0x7F, v17;
	v16 =	vshra.s32 v12, $0x18;
	v10 =	vxor.u32 $0x80, v10;
	[tilespmem:v7+s16+$0x0] =	vst.idx.add.s32.msk $0xffff, v3  }
0x107: {  	vm4 =	vlt.s32 v12, $0x0;
	v12 =	vsel vm14, v15, v17;
	v10 =	vadd.s32 v1, v10;
	[tilespmem:v8+s16+$0x0] =	vst.idx.add.s32.msk $0xffff, v3  }
0x108: {  	v14 =	vshra.s32 v9, $0x18;
	v7 =	vxor.u32 $0x7F, v16;
	v8 =	vand.u32 $0xFF, v12;
	v12 =	vld [tilespmem:s31+$0xFFFFFFE0]  }
0x109: {  	vm5 =	vlt.s32 v9, $0x0;
	v7 =	vsel vm4, v7, v16;
	v8 =	vxor.u32 $0x80, v8  }
0x10a: {  	v15 =	vshra.s32 v11, $0x18;
	v18 =	vld [tilespmem:s25+$0x0];
	v7 =	vand.u32 $0xFF, v7;
	v8 =	vadd.s32 v1, v8  }
0x10b: {  	v17 =	vshra.s32 v13, $0x18;
	v19 =	vxor.u32 $0x7F, v14;
	v7 =	vxor.u32 $0x80, v7  }
0x10c: {  	s28 =	simm.s32 $0x22F0;
	vm8 =	vlt.s32 v13, $0x0;
	v9 =	vxor.u32 $0x7F, v17;
	v7 =	vadd.s32 v1, v7  }
0x10d: {  	vm7 =	vlt.s32 v11, $0x0;
	v9 =	vsel vm8, v9, v17;
	v17 =	vld [tilespmem:s28+$0xFFFFFF50];
	v54 =	vshra.s32 v12, $0x18  }
0x10e: {  	v14 =	vsel vm5, v19, v14;
	[tilespmem:v10+s16+$0x0] =	vst.idx.add.s32.msk $0xffff, v3;
	vm6 =	vlt.s32 v12, $0x0;
	v12 =	vxor.u32 $0x7F, v54  }
0x10f: {  	v16 =	vshra.s32 v18, $0x18;
	[tilespmem:v8+s16+$0x0] =	vst.idx.add.s32.msk $0xffff, v3;
	v8 =	vand.u32 $0xFF, v14;
	v11 =	vsel vm6, v12, v54  }
0x110: {  	vm9 =	vlt.s32 v18, $0x0;
	v18 =	vld [tilespmem:s28+$0xFFFFFF10];
	v8 =	vxor.u32 $0x80, v8;
	v10 =	vand.u32 $0xFF, v11  }
0x111: {  	v53 =	vxor.u32 $0x7F, v15;
	[tilespmem:v7+s16+$0x0] =	vst.idx.add.s32.msk $0xffff, v3;
	v8 =	vadd.s32 v5, v8;
	v10 =	vxor.u32 $0x80, v10  }
0x112: {  	v9 =	vand.u32 $0xFF, v9;
	v7 =	vsel vm7, v53, v15;
	v12 =	vld [tilespmem:s31+$0xFFFFFF60];
	v10 =	vadd.s32 v4, v10  }
0x113: {  	v9 =	vxor.u32 $0x80, v9;
	v11 =	vld [tilespmem:s31+$0xFFFFFF20];
	v7 =	vand.u32 $0xFF, v7  }
0x114: {  	v9 =	vadd.s32 v5, v9;
	v13 =	vxor.u32 $0x7F, v16;
	v14 =	vld [tilespmem:s31+$0xFFFFFFA0];
	v7 =	vxor.u32 $0x80, v7  }
0x115: {  	vm3 =	vlt.s32 v17, $0x0;
	v13 =	vsel vm9, v13, v16;
	v7 =	vadd.s32 v5, v7  }
0x116: {  	v13 =	vand.u32 $0xFF, v13;
	v24 =	vshra.s32 v18, $0x18;
	vm15 =	vlt.s32 v18, $0x0;
	[tilespmem:v8+s16+$0x0] =	vst.idx.add.s32.msk $0xffff, v3  }
0x117: {  	vm11 =	vlt.s32 v12, $0x0;
	v12 =	vshra.s32 v12, $0x18;
	v8 =	vxor.u32 $0x80, v13;
	[tilespmem:v10+s16+$0x0] =	vst.idx.add.s32.msk $0xffff, v3  }
0x118: {  	vm10 =	vlt.s32 v11, $0x0;
	v11 =	vshra.s32 v11, $0x18;
	v15 =	vxor.u32 $0x7F, v12;
	v13 =	vld [tilespmem:s31+$0xFFFFFFF0]  }
0x119: {  	v16 =	vld [tilespmem:s28+$0xFFFFFFD0];
	vm12 =	vlt.s32 v14, $0x0;
	v14 =	vshra.s32 v14, $0x18;
	v10 =	vxor.u32 $0x7F, v11  }
0x11a: {  	[tilespmem:v7+s16+$0x0] =	vst.idx.add.s32.msk $0xffff, v3;
	v7 =	vsel vm10, v10, v11;
	v10 =	vsel vm11, v15, v12;
	v11 =	vxor.u32 $0x7F, v14  }
0x11b: {  	[tilespmem:v9+s16+$0x0] =	vst.idx.add.s32.msk $0xffff, v3;
	v7 =	vand.u32 $0xFF, v7;
	v9 =	vand.u32 $0xFF, v10;
	v10 =	vsel vm12, v11, v14  }
0x11c: {  	v7 =	vxor.u32 $0x80, v7;
	v9 =	vxor.u32 $0x80, v9;
	v10 =	vand.u32 $0xFF, v10  }
0x11d: {  	v12 =	vld [tilespmem:s25+$0xFFFFFF80];
	v7 =	vadd.s32 v4, v7;
	v9 =	vadd.s32 v4, v9;
	v14 =	vshra.s32 v13, $0x18  }
0x11e: {  	v15 =	vld [tilespmem:s25+$0xFFFFFFC0];
	v10 =	vxor.u32 $0x80, v10;
	vm13 =	vlt.s32 v13, $0x0;
	v13 =	vxor.u32 $0x7F, v14  }
0x11f: {  	v22 =	vshra.s32 v16, $0x18;
	v11 =	vld [tilespmem:s25+$0xFFFFFF40];
	v10 =	vadd.s32 v4, v10;
	v13 =	vsel vm13, v13, v14  }
0x120: {  	vm14 =	vlt.s32 v16, $0x0;
	v16 =	vxor.u32 $0x7F, v22;
	v13 =	vand.u32 $0xFF, v13  }
0x121: {  	v18 =	vxor.u32 $0x7F, v24;
	v16 =	vsel vm14, v16, v22;
	v14 =	vld [tilespmem:s28+$0xFFFFFF90];
	v13 =	vxor.u32 $0x80, v13  }
0x122: {  	v8 =	vadd.s32 v6, v8;
	v16 =	vand.u32 $0xFF, v16;
	[tilespmem:v7+s16+$0x0] =	vst.idx.add.s32.msk $0xffff, v3;
	v7 =	vadd.s32 v5, v13  }
0x123: {  	v16 =	vxor.u32 $0x80, v16;
	v55 =	vshra.s32 v12, $0x18;
	v56 =	vshra.s32 v15, $0x18;
	[tilespmem:v9+s16+$0x0] =	vst.idx.add.s32.msk $0xffff, v3  }
0x124: {  	vm0 =	vlt.s32 v12, $0x0;
	vm1 =	vlt.s32 v11, $0x0;
	v11 =	vshra.s32 v11, $0x18;
	[tilespmem:v10+s16+$0x0] =	vst.idx.add.s32.msk $0xffff, v3  }
0x125: {  	v12 =	vshra.s32 v17, $0x18;
	vm11 =	vlt.s32 v15, $0x0;
	v19 =	vxor.u32 $0x7F, v11;
	v57 =	vld [tilespmem:s31+$0xFFFFFF30]  }
0x126: {  	v9 =	vxor.u32 $0x7F, v56;
	v11 =	vsel vm1, v19, v11;
	v10 =	vxor.u32 $0x7F, v12;
	v26 =	vld [tilespmem:s31+$0xFFFFFF70]  }
0x127: {  	v10 =	vsel vm3, v10, v12;
	v23 =	vshra.s32 v14, $0x18;
	[tilespmem:v7+s16+$0x0] =	vst.idx.add.s32.msk $0xffff, v3;
	v7 =	vadd.s32 v1, v16  }
0x128: {  	v17 =	vld [tilespmem:s31+$0xFFFFFFB0];
	v10 =	vand.u32 $0xFF, v10;
	vm4 =	vlt.s32 v14, $0x0;
	v25 =	vxor.u32 $0x7F, v23  }
0x129: {  	v13 =	vxor.u32 $0x7F, v55;
	v10 =	vxor.u32 $0x80, v10;
	v12 =	vsel vm4, v25, v23  }
0x12a: {  	v10 =	vadd.s32 v1, v10;
	v16 =	vsel vm15, v18, v24;
	v12 =	vand.u32 $0xFF, v12;
	v14 =	vld [tilespmem:s31+$0x0]  }
0x12b: {  	vm8 =	vlt.s32 v57, $0x0;
	v16 =	vand.u32 $0xFF, v16;
	v12 =	vxor.u32 $0x80, v12  }
0x12c: {  	vm9 =	vlt.s32 v26, $0x0;
	v16 =	vxor.u32 $0x80, v16;
	v12 =	vadd.s32 v1, v12;
	[tilespmem:v7+s16+$0x0] =	vst.idx.add.s32.msk $0xffff, v3  }
0x12d: {  	v18 =	vshra.s32 v26, $0x18;
	v60 =	vshra.s32 v17, $0x18;
	v16 =	vadd.s32 v1, v16;
	v59 =	vld [tilespmem:s28+$0xFFFFFFE0]  }
0x12e: {  	vm10 =	vlt.s32 v17, $0x0;
	v61 =	vxor.u32 $0x7F, v18;
	v62 =	vxor.u32 $0x7F, v60  }
0x12f: {  	v15 =	vsel vm10, v62, v60;
	v7 =	vshra.s32 v57, $0x18;
	v58 =	vshra.s32 v14, $0x18  }
0x130: {  	[tilespmem:v10+s16+$0x0] =	vst.idx.add.s32.msk $0xffff, v3;
	vm7 =	vlt.s32 v14, $0x0;
	v27 =	vxor.u32 $0x7F, v7;
	v14 =	vxor.u32 $0x7F, v58  }
0x131: {  	v15 =	vand.u32 $0xFF, v15;
	v7 =	vsel vm8, v27, v7;
	[tilespmem:v12+s16+$0x0] =	vst.idx.add.s32.msk $0xffff, v3;
	v14 =	vsel vm7, v14, v58  }
0x132: {  	[tilespmem:v16+s16+$0x0] =	vst.idx.add.s32.msk $0xffff, v3;
	v7 =	vand.u32 $0xFF, v7;
	v14 =	vand.u32 $0xFF, v14;
	v12 =	vshra.s32 v59, $0x18  }
0x133: {  	v16 =	vld [tilespmem:s28+$0xFFFFFF20];
	v14 =	vxor.u32 $0x80, v14;
	vm12 =	vlt.s32 v59, $0x0;
	v17 =	vxor.u32 $0x7F, v12  }
0x134: {  	v10 =	vadd.s32 v6, v14;
	v14 =	vsel vm9, v61, v18;
	v18 =	vld [tilespmem:s28+$0xFFFFFF60];
	v12 =	vsel vm12, v17, v12  }
0x135: {  	v15 =	vxor.u32 $0x80, v15;
	v7 =	vxor.u32 $0x80, v7;
	v17 =	vld [tilespmem:s28+$0xFFFFFFA0];
	v12 =	vand.u32 $0xFF, v12  }
0x136: {  	v7 =	vadd.s32 v5, v7;
	v14 =	vand.u32 $0xFF, v14;
	v12 =	vxor.u32 $0x80, v12  }
0x137: {  	v63 =	vadd.s32 v5, v15;
	v14 =	vxor.u32 $0x80, v14;
	v12 =	vadd.s32 v4, v12  }
0x138: {  	v14 =	vadd.s32 v5, v14;
	vm13 =	vlt.s32 v16, $0x0;
	v15 =	vshra.s32 v16, $0x18  }
0x139: {  	[tilespmem:v8+s16+$0x0] =	vst.idx.add.s32.msk $0xffff, v3;
	v8 =	vxor.u32 $0x7F, v15;
	vm14 =	vlt.s32 v18, $0x0;
	v16 =	vshra.s32 v18, $0x18  }
0x13a: {  	[tilespmem:v10+s16+$0x0] =	vst.idx.add.s32.msk $0xffff, v3;
	v10 =	vxor.u32 $0x7F, v16;
	vm15 =	vlt.s32 v17, $0x0;
	v17 =	vshra.s32 v17, $0x18  }
0x13b: {  	[tilespmem:v7+s16+$0x0] =	vst.idx.add.s32.msk $0xffff, v3;
	v8 =	vsel vm13, v8, v15;
	v10 =	vsel vm14, v10, v16;
	v15 =	vxor.u32 $0x7F, v17  }
0x13c: {  	v7 =	vand.u32 $0xFF, v8;
	v8 =	vand.u32 $0xFF, v10;
	v10 =	vsel vm15, v15, v17;
	[tilespmem:v12+s16+$0x0] =	vst.idx.add.s32.msk $0xffff, v3  }
0x13d: {  	v7 =	vxor.u32 $0x80, v7;
	v8 =	vxor.u32 $0x80, v8;
	v10 =	vand.u32 $0xFF, v10;
	v17 =	vld [tilespmem:s28+$0xFFFFFFF0]  }
0x13e: {  	[tilespmem:v63+s16+$0x0] =	vst.idx.add.s32.msk $0xffff, v3;
	v16 =	vadd.s32 v4, v7;
	v15 =	vadd.s32 v4, v8;
	v7 =	vxor.u32 $0x80, v10  }
0x13f: {  	[tilespmem:v14+s16+$0x0] =	vst.idx.add.s32.msk $0xffff, v3;
	v8 =	vsel vm0, v13, v55;
	v14 =	vadd.s32 v4, v7;
	v7 =	vand.u32 $0xFF, v11  }
0x140: {  	v9 =	vsel vm11, v9, v56;
	v10 =	vld [tilespmem:s31+$0xFFFFFF40];
	v11 =	vand.u32 $0xFF, v8;
	v7 =	vxor.u32 $0x80, v7  }
0x141: {  	v18 =	vand.u32 $0xFF, v9;
	v13 =	vld [tilespmem:s31+$0xFFFFFF80];
	v11 =	vxor.u32 $0x80, v11;
	v8 =	vadd.s32 v6, v7  }
0x142: {  	s30 =	simm.s32 $0x23F0;
	s0 =	simm.s32 $0x8;
	v7 =	vld [tilespmem:s31+$0xFFFFFFC0];
	v9 =	vadd.s32 v6, v11;
	v11 =	vxor.u32 $0x80, v18;
	v12 =	vshra.s32 v17, $0x18  }
.LBB2_7:
0x143: {  	v18 =	vld [tilespmem:s30+$0xFFFFFFD0];
	s0 =	sadd.s32 $0x4, s0;
	vm0 =	vlt.s32 v17, $0x0;
	v17 =	vxor.u32 $0x7F, v12;
	v19 =	vadd.s32 v6, v11  }
0x144: {  	v20 =	vld [tilespmem:s30+$0xFFFFFF50];
	p0 =	slt.u32 s0, $0x7C;
	v11 =	vsel vm0, v17, v12  }
0x145: {  	v17 =	vld [tilespmem:s30+$0xFFFFFF90];
	v11 =	vand.u32 $0xFF, v11;
	vm1 =	vlt.s32 v10, $0x0;
	v21 =	vshra.s32 v10, $0x18  }
0x146: {  	v22 =	vld [tilespmem:s30+$0xFFFFFF10];
	v11 =	vxor.u32 $0x80, v11;
	v23 =	vxor.u32 $0x7F, v21;
	v10 =	vshra.s32 v13, $0x18  }
0x147: {  	[tilespmem:v16+s16+$0x0] =	vst.idx.add.s32.msk $0xffff, v3;
	v16 =	vadd.s32 v5, v11;
	v12 =	vxor.u32 $0x7F, v10;
	v11 =	vshra.s32 v7, $0x18  }
0x148: {  	vm0 =	vlt.s32 v13, $0x0;
	v24 =	vshra.s32 v18, $0x18;
	[tilespmem:v15+s16+$0x0] =	vst.idx.add.s32.msk $0xffff, v3;
	v13 =	vxor.u32 $0x7F, v11  }
0x149: {  	vm2 =	vlt.s32 v18, $0x0;
	v15 =	vshra.s32 v20, $0x18;
	v18 =	vxor.u32 $0x7F, v24;
	[tilespmem:v14+s16+$0x0] =	vst.idx.add.s32.msk $0xffff, v3  }
0x14a: {  	v14 =	vxor.u32 $0x7F, v15;
	v25 =	vshra.s32 v17, $0x18;
	v18 =	vsel vm2, v18, v24;
	v24 =	vld [tilespmem:s28+$0xFFFFFF30]  }
0x14b: {  	v26 =	vshra.s32 v22, $0x18;
	v27 =	vxor.u32 $0x7F, v25;
	v18 =	vand.u32 $0xFF, v18;
	v28 =	vld [tilespmem:s28+$0xFFFFFF70]  }
0x14c: {  	vm2 =	vlt.s32 v22, $0x0;
	v22 =	vxor.u32 $0x7F, v26;
	v18 =	vxor.u32 $0x80, v18;
	[tilespmem:v16+s16+$0x0] =	vst.idx.add.s32.msk $0xffff, v3  }
0x14d: {  	vm3 =	vlt.s32 v20, $0x0;
	vm4 =	vlt.s32 v17, $0x0;
	v16 =	vadd.s32 v1, v18;
	v17 =	vld [tilespmem:s28+$0x0]  }
0x14e: {  	v14 =	vsel vm3, v14, v15;
	v15 =	vsel vm4, v27, v25;
	v18 =	vsel vm2, v22, v26;
	v20 =	vld [tilespmem:s28+$0xFFFFFFB0]  }
0x14f: {  	v14 =	vand.u32 $0xFF, v14;
	v15 =	vand.u32 $0xFF, v15;
	v18 =	vand.u32 $0xFF, v18;
	[tilespmem:v8+s16+$0x0] =	vst.idx.add.s32.msk $0xffff, v3  }
0x150: {  	v14 =	vxor.u32 $0x80, v14;
	v15 =	vxor.u32 $0x80, v15;
	v8 =	vxor.u32 $0x80, v18;
	[tilespmem:v9+s16+$0x0] =	vst.idx.add.s32.msk $0xffff, v3  }
0x151: {  	v8 =	vadd.s32 v1, v8;
	v9 =	vadd.s32 v1, v14;
	v14 =	vadd.s32 v1, v15  }
0x152: {  	v15 =	vshra.s32 v24, $0x18;
	[tilespmem:v16+s16+$0x0] =	vst.idx.add.s32.msk $0xffff, v3;
	v16 =	vshra.s32 v28, $0x18;
	v18 =	vshra.s32 v17, $0x18  }
0x153: {  	vm2 =	vlt.s32 v17, $0x0;
	v22 =	vld [tilespmem:s30+$0xFFFFFFE0];
	v25 =	vshra.s32 v20, $0x18;
	v17 =	vxor.u32 $0x7F, v18  }
0x154: {  	v26 =	vxor.u32 $0x7F, v15;
	v27 =	vxor.u32 $0x7F, v16;
	v17 =	vsel vm2, v17, v18;
	[tilespmem:v19+s16+$0x0] =	vst.idx.add.s32.msk $0xffff, v3  }
0x155: {  	vm2 =	vlt.s32 v24, $0x0;
	v18 =	vxor.u32 $0x7F, v25;
	v17 =	vand.u32 $0xFF, v17  }
0x156: {  	vm3 =	vlt.s32 v28, $0x0;
	vm4 =	vlt.s32 v20, $0x0;
	[tilespmem:v8+s16+$0x0] =	vst.idx.add.s32.msk $0xffff, v3;
	v8 =	vxor.u32 $0x80, v17  }
0x157: {  	[tilespmem:v9+s16+$0x0] =	vst.idx.add.s32.msk $0xffff, v3;
	v9 =	vsel vm2, v26, v15;
	v8 =	vadd.s32 v6, v8;
	vm2 =	vlt.s32 v7, $0x0  }
0x158: {  	v15 =	vsel vm4, v18, v25;
	[tilespmem:v14+s16+$0x0] =	vst.idx.add.s32.msk $0xffff, v3;
	v7 =	vshra.s32 v22, $0x18;
	v14 =	vsel vm3, v27, v16  }
0x159: {  	vm3 =	vlt.s32 v22, $0x0;
	v9 =	vand.u32 $0xFF, v9;
	v16 =	vld [tilespmem:s30+$0xFFFFFF20];
	v17 =	vxor.u32 $0x7F, v7  }
0x15a: {  	v15 =	vand.u32 $0xFF, v15;
	v14 =	vand.u32 $0xFF, v14;
	v18 =	vld [tilespmem:s30+$0xFFFFFF60];
	v7 =	vsel vm3, v17, v7  }
0x15b: {  	v9 =	vxor.u32 $0x80, v9;
	v14 =	vxor.u32 $0x80, v14;
	v17 =	vld [tilespmem:s30+$0xFFFFFFA0];
	v7 =	vand.u32 $0xFF, v7  }
0x15c: {  	v15 =	vxor.u32 $0x80, v15;
	v9 =	vadd.s32 v5, v9;
	v7 =	vxor.u32 $0x80, v7;
	[tilespmem:v8+s16+$0x0] =	vst.idx.add.s32.msk $0xffff, v3  }
0x15d: {  	v19 =	vadd.s32 v5, v15;
	v8 =	vadd.s32 v5, v14;
	v7 =	vadd.s32 v4, v7  }
0x15e: {  	v20 =	vsel vm1, v23, v21;
	vm3 =	vlt.s32 v16, $0x0;
	v14 =	vshra.s32 v16, $0x18  }
0x15f: {  	v15 =	vxor.u32 $0x7F, v14;
	vm1 =	vlt.s32 v18, $0x0;
	v16 =	vshra.s32 v18, $0x18  }
0x160: {  	v18 =	vxor.u32 $0x7F, v16;
	vm4 =	vlt.s32 v17, $0x0;
	v17 =	vshra.s32 v17, $0x18  }
0x161: {  	v14 =	vsel vm3, v15, v14;
	v15 =	vsel vm1, v18, v16;
	v16 =	vxor.u32 $0x7F, v17;
	[tilespmem:v9+s16+$0x0] =	vst.idx.add.s32.msk $0xffff, v3  }
0x162: {  	v9 =	vand.u32 $0xFF, v14;
	v14 =	vand.u32 $0xFF, v15;
	v15 =	vsel vm4, v16, v17;
	[tilespmem:v7+s16+$0x0] =	vst.idx.add.s32.msk $0xffff, v3  }
0x163: {  	v7 =	vxor.u32 $0x80, v9;
	v9 =	vxor.u32 $0x80, v14;
	v14 =	vand.u32 $0xFF, v15;
	v17 =	vld [tilespmem:s30+$0xFFFFFFF0]  }
.Ltmp2:
0x164: {  	v16 =	vadd.s32 v4, v7;
	v15 =	vadd.s32 v4, v9;
	v7 =	vxor.u32 $0x80, v14;
	[tilespmem:v8+s16+$0x0] =	vst.idx.add.s32.msk $0xffff, v3;
	(pc) =	sbr.rel @p0 .LBB2_7-.Ltmp2, $4  }
0x165: {  	v8 =	vsel vm0, v12, v10;
	v14 =	vadd.s32 v4, v7;
	[tilespmem:v19+s16+$0x0] =	vst.idx.add.s32.msk $0xffff, v3;
	v7 =	vand.u32 $0xFF, v20  }
0x166: {  	v11 =	vsel vm2, v13, v11;
	v9 =	vand.u32 $0xFF, v8;
	v10 =	vld [tilespmem:s28+$0xFFFFFF40];
	v7 =	vxor.u32 $0x80, v7  }
0x167: {  	v11 =	vand.u32 $0xFF, v11;
	v9 =	vxor.u32 $0x80, v9;
	v13 =	vld [tilespmem:s28+$0xFFFFFF80];
	v8 =	vadd.s32 v6, v7  }
0x168: {  	v11 =	vxor.u32 $0x80, v11;
	v9 =	vadd.s32 v6, v9;
	v12 =	vshra.s32 v17, $0x18;
	v7 =	vld [tilespmem:s28+$0xFFFFFFC0];
	s28 =	smov.u32 s30;
	s30 =	sadd.s32 $0x100, s30  }
0x169: {  	_ =	sdelay $0x3  }
0x16a: {  	[tilespmem:v16+s16+$0x0] =	vst.idx.add.s32.msk $0xffff, v3  }
0x16b: {  	[tilespmem:v15+s16+$0x0] =	vst.idx.add.s32.msk $0xffff, v3  }
0x16c: {  	[tilespmem:v14+s16+$0x0] =	vst.idx.add.s32.msk $0xffff, v3  }
0x16d: {  	v14 =	vld [tilespmem:s28+$0xFFFFFF30]  }
0x16e: {  	vm0 =	vlt.s32 v17, $0x0;
	v15 =	vxor.u32 $0x7F, v12;
	v16 =	vld [tilespmem:s28+$0xFFFFFF70]  }
0x16f: {  	v12 =	vsel vm0, v15, v12;
	v15 =	vld [tilespmem:s28+$0xFFFFFFB0];
	_ =	sdelay $0x1  }
0x170: {  	v12 =	vand.u32 $0xFF, v12  }
0x171: {  	v12 =	vxor.u32 $0x80, v12  }
0x172: {  	v12 =	vadd.s32 v5, v12  }
0x173: {  	v17 =	vshra.s32 v14, $0x18;
	v18 =	vshra.s32 v16, $0x18;
	v19 =	vshra.s32 v15, $0x18  }
0x174: {  	vm8 =	vlt.s32 v14, $0x0;
	vm1 =	vlt.s32 v16, $0x0;
	v20 =	vxor.u32 $0x7F, v17  }
0x175: {  	vm9 =	vlt.s32 v15, $0x0;
	v14 =	vxor.u32 $0x7F, v19;
	v16 =	vsel vm8, v20, v17  }
0x176: {  	v21 =	vxor.u32 $0x7F, v18;
	v14 =	vsel vm9, v14, v19;
	v15 =	vand.u32 $0xFF, v16  }
0x177: {  	[tilespmem:v12+s16+$0x0] =	vst.idx.add.s32.msk $0xffff, v3;
	v12 =	vsel vm1, v21, v18;
	v14 =	vand.u32 $0xFF, v14;
	v15 =	vxor.u32 $0x80, v15  }
0x178: {  	v16 =	vld [tilespmem:s28+$0x0];
	v12 =	vand.u32 $0xFF, v12;
	v14 =	vxor.u32 $0x80, v14;
	v15 =	vadd.s32 v5, v15  }
0x179: {  	v12 =	vxor.u32 $0x80, v12;
	v14 =	vadd.s32 v5, v14  }
0x17a: {  	v12 =	vadd.s32 v5, v12;
	_ =	sdelay $0x1  }
0x17b: {  	v11 =	vadd.s32 v6, v11;
	vm10 =	vlt.s32 v10, $0x0  }
0x17c: {  	v10 =	vshra.s32 v10, $0x18;
	vm12 =	vlt.s32 v13, $0x0;
	v17 =	vshra.s32 v16, $0x18;
	[tilespmem:v15+s16+$0x0] =	vst.idx.add.s32.msk $0xffff, v3  }
0x17d: {  	vm2 =	vlt.s32 v7, $0x0;
	vm11 =	vlt.s32 v16, $0x0;
	v16 =	vxor.u32 $0x7F, v17;
	[tilespmem:v14+s16+$0x0] =	vst.idx.add.s32.msk $0xffff, v3  }
0x17e: {  	v15 =	vshra.s32 v13, $0x18;
	v14 =	vshra.s32 v7, $0x18;
	v16 =	vsel vm11, v16, v17;
	[tilespmem:v12+s16+$0x0] =	vst.idx.add.s32.msk $0xffff, v3  }
0x17f: {  	v12 =	vxor.u32 $0x7F, v10;
	v17 =	vxor.u32 $0x7F, v15;
	v18 =	vxor.u32 $0x7F, v14;
	v7 =	vld [tilespmem:s28+$0xFFFFFF80]  }
0x180: {  	v16 =	vand.u32 $0xFF, v16;
	v10 =	vsel vm10, v12, v10;
	v12 =	vsel vm12, v17, v15;
	v15 =	vld [tilespmem:s28+$0xFFFFFFC0]  }
0x181: {  	v14 =	vsel vm2, v18, v14;
	v13 =	vxor.u32 $0x80, v16;
	v16 =	vld [tilespmem:s28+$0xFFFFFF40];
	v10 =	vand.u32 $0xFF, v10  }
0x182: {  	v12 =	vand.u32 $0xFF, v12;
	v14 =	vand.u32 $0xFF, v14;
	v13 =	vadd.s32 v6, v13  }
0x183: {  	v10 =	vxor.u32 $0x80, v10;
	v12 =	vxor.u32 $0x80, v12;
	v14 =	vxor.u32 $0x80, v14  }
0x184: {  	v10 =	vadd.s32 v6, v10;
	v12 =	vadd.s32 v6, v12;
	v14 =	vadd.s32 v6, v14  }
0x185: {  	v17 =	vshra.s32 v7, $0x18;
	v52 =	vshra.s32 v15, $0x18;
	vm14 =	vlt.s32 v7, $0x0  }
0x186: {  	vm15 =	vlt.s32 v15, $0x0;
	vm13 =	vlt.s32 v16, $0x0;
	v19 =	vxor.u32 $0x7F, v17  }
0x187: {  	v16 =	vshra.s32 v16, $0x18;
	v7 =	vxor.u32 $0x7F, v52;
	v15 =	vsel vm14, v19, v17  }
0x188: {  	[tilespmem:v9+s16+$0x0] =	vst.idx.add.s32.msk $0xffff, v3;
	v18 =	vxor.u32 $0x7F, v16;
	v7 =	vsel vm15, v7, v52;
	v9 =	vand.u32 $0xFF, v15  }
0x189: {  	[tilespmem:v8+s16+$0x0] =	vst.idx.add.s32.msk $0xffff, v3;
	v16 =	vsel vm13, v18, v16;
	v7 =	vand.u32 $0xFF, v7;
	v9 =	vxor.u32 $0x80, v9  }
0x18a: {  	[tilespmem:v11+s16+$0x0] =	vst.idx.add.s32.msk $0xffff, v3;
	v8 =	vand.u32 $0xFF, v16;
	v7 =	vxor.u32 $0x80, v7;
	v9 =	vadd.s32 v6, v9  }
0x18b: {  	[tilespmem:v13+s16+$0x0] =	vst.idx.add.s32.msk $0xffff, v3;
	v8 =	vxor.u32 $0x80, v8;
	v7 =	vadd.s32 v6, v7  }
0x18c: {  	[tilespmem:v10+s16+$0x0] =	vst.idx.add.s32.msk $0xffff, v3;
	v8 =	vadd.s32 v6, v8  }
0x18d: {  	[tilespmem:v12+s16+$0x0] =	vst.idx.add.s32.msk $0xffff, v3  }
0x18e: {  	[tilespmem:v14+s16+$0x0] =	vst.idx.add.s32.msk $0xffff, v3  }
0x18f: {  	[tilespmem:v9+s16+$0x0] =	vst.idx.add.s32.msk $0xffff, v3  }
0x190: {  	[tilespmem:v7+s16+$0x0] =	vst.idx.add.s32.msk $0xffff, v3  }
0x191: {  	[tilespmem:v8+s16+$0x0] =	vst.idx.add.s32.msk $0xffff, v3  }
0x192: {  	_ =	swait.ge [sflag:s18], $0x2000  }
0x193: {  	[sflag:s18] =	ssyncset.done $0x0  }
0x194: {  	s0 =	simm.s32 $0x40F0;
	[sflag:s18] =	ssyncadd.s32 $0xFFFFE000  }
0x195: {  	v7 =	vld [tilespmem:s0+$0xFFFFFFD0];
	_ =	sdelay $0x4  }
0x196: {  	v10 =	vld [tilespmem:s0+$0xFFFFFF90];
	v8 =	vshra.s32 v7, $0x18  }
0x197: {  	v9 =	vld [tilespmem:s0+$0xFFFFFF50];
	vm4 =	vlt.s32 v7, $0x0;
	v7 =	vxor.u32 $0x7F, v8  }
0x198: {  	v7 =	vsel vm4, v7, v8;
	v8 =	vld [tilespmem:s0+$0xFFFFFF10]  }
0x199: {  	v7 =	vand.u32 $0xFF, v7  }
0x19a: {  	v7 =	vxor.u32 $0x80, v7  }
0x19b: {  	v14 =	vshra.s32 v10, $0x18;
	v7 =	vadd.s32 v1, v7  }
0x19c: {  	v11 =	vshra.s32 v9, $0x18;
	vm7 =	vlt.s32 v10, $0x0;
	v15 =	vxor.u32 $0x7F, v14  }
0x19d: {  	vm6 =	vlt.s32 v9, $0x0;
	v10 =	vsel vm7, v15, v14;
	v13 =	vshra.s32 v8, $0x18  }
0x19e: {  	v10 =	vand.u32 $0xFF, v10;
	vm5 =	vlt.s32 v8, $0x0;
	v8 =	vxor.u32 $0x7F, v13  }
0x19f: {  	v12 =	vxor.u32 $0x7F, v11;
	v10 =	vxor.u32 $0x80, v10;
	v8 =	vsel vm5, v8, v13  }
0x1a0: {  	v10 =	vadd.s32 v1, v10;
	[tilespmem:v7+s16+$0x0] =	vst.idx.add.s32.msk $0xffff, v3;
	v7 =	vsel vm6, v12, v11;
	v8 =	vand.u32 $0xFF, v8  }
0x1a1: {  	v9 =	vld [tilespmem:s0+$0xFFFFFFE0];
	v7 =	vand.u32 $0xFF, v7;
	v8 =	vxor.u32 $0x80, v8  }
0x1a2: {  	v7 =	vxor.u32 $0x80, v7;
	v8 =	vadd.s32 v1, v8  }
0x1a3: {  	v7 =	vadd.s32 v1, v7;
	_ =	sdelay $0x1  }
0x1a4: {  	[tilespmem:v10+s16+$0x0] =	vst.idx.add.s32.msk $0xffff, v3  }
0x1a5: {  	v10 =	vld [tilespmem:s0+$0xFFFFFFA0];
	v11 =	vshra.s32 v9, $0x18  }
0x1a6: {  	vm8 =	vlt.s32 v9, $0x0;
	v9 =	vxor.u32 $0x7F, v11;
	[tilespmem:v8+s16+$0x0] =	vst.idx.add.s32.msk $0xffff, v3  }
0x1a7: {  	v8 =	vsel vm8, v9, v11;
	[tilespmem:v7+s16+$0x0] =	vst.idx.add.s32.msk $0xffff, v3  }
0x1a8: {  	v7 =	vand.u32 $0xFF, v8;
	v8 =	vld [tilespmem:s0+$0xFFFFFF20]  }
0x1a9: {  	v9 =	vld [tilespmem:s0+$0xFFFFFF60];
	v7 =	vxor.u32 $0x80, v7  }
0x1aa: {  	v7 =	vadd.s32 v4, v7;
	_ =	sdelay $0x2  }
0x1ab: {  	vm11 =	vlt.s32 v10, $0x0;
	vm9 =	vlt.s32 v8, $0x0  }
0x1ac: {  	v8 =	vshra.s32 v8, $0x18;
	vm10 =	vlt.s32 v9, $0x0;
	v9 =	vshra.s32 v9, $0x18  }
0x1ad: {  	v10 =	vshra.s32 v10, $0x18;
	v12 =	vxor.u32 $0x7F, v9;
	[tilespmem:v7+s16+$0x0] =	vst.idx.add.s32.msk $0xffff, v3;
	v7 =	vxor.u32 $0x7F, v8  }
0x1ae: {  	s29 =	simm.s32 $0x41F0;
	v11 =	vld [tilespmem:s0+$0xFFFFFFF0];
	v7 =	vsel vm9, v7, v8;
	v8 =	vsel vm10, v12, v9;
	v9 =	vxor.u32 $0x7F, v10  }
0x1af: {  	v9 =	vsel vm11, v9, v10;
	v10 =	vld [tilespmem:s29+$0xFFFFFFD0]  }
0x1b0: {  	v8 =	vand.u32 $0xFF, v8  }
0x1b1: {  	v7 =	vand.u32 $0xFF, v7;
	v8 =	vxor.u32 $0x80, v8;
	v9 =	vand.u32 $0xFF, v9  }
0x1b2: {  	v7 =	vxor.u32 $0x80, v7;
	v8 =	vadd.s32 v4, v8;
	v9 =	vxor.u32 $0x80, v9  }
0x1b3: {  	v7 =	vadd.s32 v4, v7;
	v9 =	vadd.s32 v4, v9;
	v12 =	vshra.s32 v11, $0x18  }
0x1b4: {  	v13 =	vld [tilespmem:s29+$0xFFFFFF50];
	vm12 =	vlt.s32 v11, $0x0;
	v11 =	vxor.u32 $0x7F, v12;
	v14 =	vshra.s32 v10, $0x18  }
0x1b5: {  	v15 =	vld [tilespmem:s29+$0xFFFFFF10];
	vm13 =	vlt.s32 v10, $0x0;
	v11 =	vsel vm12, v11, v12;
	v10 =	vxor.u32 $0x7F, v14  }
0x1b6: {  	v12 =	vld [tilespmem:s29+$0xFFFFFF90];
	v11 =	vand.u32 $0xFF, v11;
	v10 =	vsel vm13, v10, v14  }
0x1b7: {  	[tilespmem:v8+s16+$0x0] =	vst.idx.add.s32.msk $0xffff, v3;
	v11 =	vxor.u32 $0x80, v11;
	v8 =	vand.u32 $0xFF, v10  }
0x1b8: {  	[tilespmem:v7+s16+$0x0] =	vst.idx.add.s32.msk $0xffff, v3;
	v7 =	vadd.s32 v5, v11;
	v8 =	vxor.u32 $0x80, v8  }
0x1b9: {  	[tilespmem:v9+s16+$0x0] =	vst.idx.add.s32.msk $0xffff, v3;
	v10 =	vshra.s32 v13, $0x18;
	v8 =	vadd.s32 v1, v8  }
0x1ba: {  	vm15 =	vlt.s32 v13, $0x0;
	v9 =	vld [tilespmem:s0+$0xFFFFFF30];
	v14 =	vxor.u32 $0x7F, v10  }
0x1bb: {  	v11 =	vld [tilespmem:s0+$0xFFFFFF70];
	v10 =	vsel vm15, v14, v10  }
0x1bc: {  	v17 =	vshra.s32 v15, $0x18;
	vm14 =	vlt.s32 v15, $0x0;
	v13 =	vld [tilespmem:s0+$0xFFFFFFB0];
	v10 =	vand.u32 $0xFF, v10  }
0x1bd: {  	v15 =	vxor.u32 $0x7F, v17;
	v16 =	vshra.s32 v12, $0x18;
	v10 =	vxor.u32 $0x80, v10;
	[tilespmem:v7+s16+$0x0] =	vst.idx.add.s32.msk $0xffff, v3  }
0x1be: {  	vm4 =	vlt.s32 v12, $0x0;
	v12 =	vsel vm14, v15, v17;
	v10 =	vadd.s32 v1, v10;
	[tilespmem:v8+s16+$0x0] =	vst.idx.add.s32.msk $0xffff, v3  }
0x1bf: {  	v14 =	vshra.s32 v9, $0x18;
	v7 =	vxor.u32 $0x7F, v16;
	v8 =	vand.u32 $0xFF, v12;
	v12 =	vld [tilespmem:s29+$0xFFFFFFE0]  }
0x1c0: {  	vm5 =	vlt.s32 v9, $0x0;
	v7 =	vsel vm4, v7, v16;
	v8 =	vxor.u32 $0x80, v8  }
0x1c1: {  	v15 =	vshra.s32 v11, $0x18;
	v18 =	vld [tilespmem:s0+$0x0];
	v7 =	vand.u32 $0xFF, v7;
	v8 =	vadd.s32 v1, v8  }
0x1c2: {  	v17 =	vshra.s32 v13, $0x18;
	v19 =	vxor.u32 $0x7F, v14;
	v7 =	vxor.u32 $0x80, v7  }
0x1c3: {  	s28 =	simm.s32 $0x42F0;
	vm8 =	vlt.s32 v13, $0x0;
	v9 =	vxor.u32 $0x7F, v17;
	v7 =	vadd.s32 v1, v7  }
0x1c4: {  	vm7 =	vlt.s32 v11, $0x0;
	v9 =	vsel vm8, v9, v17;
	v17 =	vld [tilespmem:s28+$0xFFFFFF50];
	v54 =	vshra.s32 v12, $0x18  }
0x1c5: {  	v14 =	vsel vm5, v19, v14;
	[tilespmem:v10+s16+$0x0] =	vst.idx.add.s32.msk $0xffff, v3;
	vm6 =	vlt.s32 v12, $0x0;
	v12 =	vxor.u32 $0x7F, v54  }
0x1c6: {  	v16 =	vshra.s32 v18, $0x18;
	[tilespmem:v8+s16+$0x0] =	vst.idx.add.s32.msk $0xffff, v3;
	v8 =	vand.u32 $0xFF, v14;
	v11 =	vsel vm6, v12, v54  }
0x1c7: {  	vm9 =	vlt.s32 v18, $0x0;
	v18 =	vld [tilespmem:s28+$0xFFFFFF10];
	v8 =	vxor.u32 $0x80, v8;
	v10 =	vand.u32 $0xFF, v11  }
0x1c8: {  	v53 =	vxor.u32 $0x7F, v15;
	[tilespmem:v7+s16+$0x0] =	vst.idx.add.s32.msk $0xffff, v3;
	v8 =	vadd.s32 v5, v8;
	v10 =	vxor.u32 $0x80, v10  }
0x1c9: {  	v9 =	vand.u32 $0xFF, v9;
	v7 =	vsel vm7, v53, v15;
	v12 =	vld [tilespmem:s29+$0xFFFFFF60];
	v10 =	vadd.s32 v4, v10  }
0x1ca: {  	v9 =	vxor.u32 $0x80, v9;
	v11 =	vld [tilespmem:s29+$0xFFFFFF20];
	v7 =	vand.u32 $0xFF, v7  }
0x1cb: {  	v9 =	vadd.s32 v5, v9;
	v13 =	vxor.u32 $0x7F, v16;
	v14 =	vld [tilespmem:s29+$0xFFFFFFA0];
	v7 =	vxor.u32 $0x80, v7  }
0x1cc: {  	vm3 =	vlt.s32 v17, $0x0;
	v13 =	vsel vm9, v13, v16;
	v7 =	vadd.s32 v5, v7  }
0x1cd: {  	v13 =	vand.u32 $0xFF, v13;
	v24 =	vshra.s32 v18, $0x18;
	vm15 =	vlt.s32 v18, $0x0;
	[tilespmem:v8+s16+$0x0] =	vst.idx.add.s32.msk $0xffff, v3  }
0x1ce: {  	vm11 =	vlt.s32 v12, $0x0;
	v12 =	vshra.s32 v12, $0x18;
	v8 =	vxor.u32 $0x80, v13;
	[tilespmem:v10+s16+$0x0] =	vst.idx.add.s32.msk $0xffff, v3  }
0x1cf: {  	vm10 =	vlt.s32 v11, $0x0;
	v11 =	vshra.s32 v11, $0x18;
	v15 =	vxor.u32 $0x7F, v12;
	v13 =	vld [tilespmem:s29+$0xFFFFFFF0]  }
0x1d0: {  	v16 =	vld [tilespmem:s28+$0xFFFFFFD0];
	vm12 =	vlt.s32 v14, $0x0;
	v14 =	vshra.s32 v14, $0x18;
	v10 =	vxor.u32 $0x7F, v11  }
0x1d1: {  	[tilespmem:v7+s16+$0x0] =	vst.idx.add.s32.msk $0xffff, v3;
	v7 =	vsel vm10, v10, v11;
	v10 =	vsel vm11, v15, v12;
	v11 =	vxor.u32 $0x7F, v14  }
0x1d2: {  	[tilespmem:v9+s16+$0x0] =	vst.idx.add.s32.msk $0xffff, v3;
	v7 =	vand.u32 $0xFF, v7;
	v9 =	vand.u32 $0xFF, v10;
	v10 =	vsel vm12, v11, v14  }
0x1d3: {  	v7 =	vxor.u32 $0x80, v7;
	v9 =	vxor.u32 $0x80, v9;
	v10 =	vand.u32 $0xFF, v10  }
0x1d4: {  	v12 =	vld [tilespmem:s0+$0xFFFFFF80];
	v7 =	vadd.s32 v4, v7;
	v9 =	vadd.s32 v4, v9;
	v14 =	vshra.s32 v13, $0x18  }
0x1d5: {  	v15 =	vld [tilespmem:s0+$0xFFFFFFC0];
	v10 =	vxor.u32 $0x80, v10;
	vm13 =	vlt.s32 v13, $0x0;
	v13 =	vxor.u32 $0x7F, v14  }
0x1d6: {  	v22 =	vshra.s32 v16, $0x18;
	v11 =	vld [tilespmem:s0+$0xFFFFFF40];
	v10 =	vadd.s32 v4, v10;
	v13 =	vsel vm13, v13, v14  }
0x1d7: {  	vm14 =	vlt.s32 v16, $0x0;
	v16 =	vxor.u32 $0x7F, v22;
	v13 =	vand.u32 $0xFF, v13  }
0x1d8: {  	v18 =	vxor.u32 $0x7F, v24;
	v16 =	vsel vm14, v16, v22;
	v14 =	vld [tilespmem:s28+$0xFFFFFF90];
	v13 =	vxor.u32 $0x80, v13  }
0x1d9: {  	v8 =	vadd.s32 v6, v8;
	v16 =	vand.u32 $0xFF, v16;
	[tilespmem:v7+s16+$0x0] =	vst.idx.add.s32.msk $0xffff, v3;
	v7 =	vadd.s32 v5, v13  }
0x1da: {  	v16 =	vxor.u32 $0x80, v16;
	v55 =	vshra.s32 v12, $0x18;
	v56 =	vshra.s32 v15, $0x18;
	[tilespmem:v9+s16+$0x0] =	vst.idx.add.s32.msk $0xffff, v3  }
0x1db: {  	vm0 =	vlt.s32 v12, $0x0;
	vm1 =	vlt.s32 v11, $0x0;
	v11 =	vshra.s32 v11, $0x18;
	[tilespmem:v10+s16+$0x0] =	vst.idx.add.s32.msk $0xffff, v3  }
0x1dc: {  	v12 =	vshra.s32 v17, $0x18;
	vm11 =	vlt.s32 v15, $0x0;
	v19 =	vxor.u32 $0x7F, v11;
	v57 =	vld [tilespmem:s29+$0xFFFFFF30]  }
0x1dd: {  	v9 =	vxor.u32 $0x7F, v56;
	v11 =	vsel vm1, v19, v11;
	v10 =	vxor.u32 $0x7F, v12;
	v26 =	vld [tilespmem:s29+$0xFFFFFF70]  }
0x1de: {  	v10 =	vsel vm3, v10, v12;
	v23 =	vshra.s32 v14, $0x18;
	[tilespmem:v7+s16+$0x0] =	vst.idx.add.s32.msk $0xffff, v3;
	v7 =	vadd.s32 v1, v16  }
0x1df: {  	v17 =	vld [tilespmem:s29+$0xFFFFFFB0];
	v10 =	vand.u32 $0xFF, v10;
	vm4 =	vlt.s32 v14, $0x0;
	v25 =	vxor.u32 $0x7F, v23  }
0x1e0: {  	v13 =	vxor.u32 $0x7F, v55;
	v10 =	vxor.u32 $0x80, v10;
	v12 =	vsel vm4, v25, v23  }
0x1e1: {  	v10 =	vadd.s32 v1, v10;
	v16 =	vsel vm15, v18, v24;
	v12 =	vand.u32 $0xFF, v12;
	v14 =	vld [tilespmem:s29+$0x0]  }
0x1e2: {  	vm8 =	vlt.s32 v57, $0x0;
	v16 =	vand.u32 $0xFF, v16;
	v12 =	vxor.u32 $0x80, v12  }
0x1e3: {  	vm9 =	vlt.s32 v26, $0x0;
	v16 =	vxor.u32 $0x80, v16;
	v12 =	vadd.s32 v1, v12;
	[tilespmem:v7+s16+$0x0] =	vst.idx.add.s32.msk $0xffff, v3  }
0x1e4: {  	v18 =	vshra.s32 v26, $0x18;
	v60 =	vshra.s32 v17, $0x18;
	v16 =	vadd.s32 v1, v16;
	v59 =	vld [tilespmem:s28+$0xFFFFFFE0]  }
0x1e5: {  	vm10 =	vlt.s32 v17, $0x0;
	v61 =	vxor.u32 $0x7F, v18;
	v62 =	vxor.u32 $0x7F, v60  }
0x1e6: {  	v15 =	vsel vm10, v62, v60;
	v7 =	vshra.s32 v57, $0x18;
	v58 =	vshra.s32 v14, $0x18  }
0x1e7: {  	[tilespmem:v10+s16+$0x0] =	vst.idx.add.s32.msk $0xffff, v3;
	vm7 =	vlt.s32 v14, $0x0;
	v27 =	vxor.u32 $0x7F, v7;
	v14 =	vxor.u32 $0x7F, v58  }
0x1e8: {  	v15 =	vand.u32 $0xFF, v15;
	v7 =	vsel vm8, v27, v7;
	[tilespmem:v12+s16+$0x0] =	vst.idx.add.s32.msk $0xffff, v3;
	v14 =	vsel vm7, v14, v58  }
0x1e9: {  	[tilespmem:v16+s16+$0x0] =	vst.idx.add.s32.msk $0xffff, v3;
	v7 =	vand.u32 $0xFF, v7;
	v14 =	vand.u32 $0xFF, v14;
	v12 =	vshra.s32 v59, $0x18  }
0x1ea: {  	v16 =	vld [tilespmem:s28+$0xFFFFFF20];
	v14 =	vxor.u32 $0x80, v14;
	vm12 =	vlt.s32 v59, $0x0;
	v17 =	vxor.u32 $0x7F, v12  }
0x1eb: {  	v10 =	vadd.s32 v6, v14;
	v14 =	vsel vm9, v61, v18;
	v18 =	vld [tilespmem:s28+$0xFFFFFF60];
	v12 =	vsel vm12, v17, v12  }
0x1ec: {  	v15 =	vxor.u32 $0x80, v15;
	v7 =	vxor.u32 $0x80, v7;
	v17 =	vld [tilespmem:s28+$0xFFFFFFA0];
	v12 =	vand.u32 $0xFF, v12  }
0x1ed: {  	v7 =	vadd.s32 v5, v7;
	v14 =	vand.u32 $0xFF, v14;
	v12 =	vxor.u32 $0x80, v12  }
0x1ee: {  	v63 =	vadd.s32 v5, v15;
	v14 =	vxor.u32 $0x80, v14;
	v12 =	vadd.s32 v4, v12  }
0x1ef: {  	v14 =	vadd.s32 v5, v14;
	vm13 =	vlt.s32 v16, $0x0;
	v15 =	vshra.s32 v16, $0x18  }
0x1f0: {  	[tilespmem:v8+s16+$0x0] =	vst.idx.add.s32.msk $0xffff, v3;
	v8 =	vxor.u32 $0x7F, v15;
	vm14 =	vlt.s32 v18, $0x0;
	v16 =	vshra.s32 v18, $0x18  }
0x1f1: {  	[tilespmem:v10+s16+$0x0] =	vst.idx.add.s32.msk $0xffff, v3;
	v10 =	vxor.u32 $0x7F, v16;
	vm15 =	vlt.s32 v17, $0x0;
	v17 =	vshra.s32 v17, $0x18  }
0x1f2: {  	[tilespmem:v7+s16+$0x0] =	vst.idx.add.s32.msk $0xffff, v3;
	v8 =	vsel vm13, v8, v15;
	v10 =	vsel vm14, v10, v16;
	v15 =	vxor.u32 $0x7F, v17  }
0x1f3: {  	v7 =	vand.u32 $0xFF, v8;
	v8 =	vand.u32 $0xFF, v10;
	v10 =	vsel vm15, v15, v17;
	[tilespmem:v12+s16+$0x0] =	vst.idx.add.s32.msk $0xffff, v3  }
0x1f4: {  	v7 =	vxor.u32 $0x80, v7;
	v8 =	vxor.u32 $0x80, v8;
	v10 =	vand.u32 $0xFF, v10;
	v17 =	vld [tilespmem:s28+$0xFFFFFFF0]  }
0x1f5: {  	[tilespmem:v63+s16+$0x0] =	vst.idx.add.s32.msk $0xffff, v3;
	v16 =	vadd.s32 v4, v7;
	v15 =	vadd.s32 v4, v8;
	v7 =	vxor.u32 $0x80, v10  }
0x1f6: {  	[tilespmem:v14+s16+$0x0] =	vst.idx.add.s32.msk $0xffff, v3;
	v8 =	vsel vm0, v13, v55;
	v14 =	vadd.s32 v4, v7;
	v7 =	vand.u32 $0xFF, v11  }
0x1f7: {  	v9 =	vsel vm11, v9, v56;
	v10 =	vld [tilespmem:s29+$0xFFFFFF40];
	v11 =	vand.u32 $0xFF, v8;
	v7 =	vxor.u32 $0x80, v7  }
0x1f8: {  	v18 =	vand.u32 $0xFF, v9;
	v13 =	vld [tilespmem:s29+$0xFFFFFF80];
	v11 =	vxor.u32 $0x80, v11;
	v8 =	vadd.s32 v6, v7  }
0x1f9: {  	s30 =	simm.s32 $0x43F0;
	s0 =	simm.s32 $0x8;
	v7 =	vld [tilespmem:s29+$0xFFFFFFC0];
	v9 =	vadd.s32 v6, v11;
	v11 =	vxor.u32 $0x80, v18;
	v12 =	vshra.s32 v17, $0x18  }
.LBB2_9:
0x1fa: {  	v18 =	vld [tilespmem:s30+$0xFFFFFFD0];
	s0 =	sadd.s32 $0x4, s0;
	vm0 =	vlt.s32 v17, $0x0;
	v17 =	vxor.u32 $0x7F, v12;
	v19 =	vadd.s32 v6, v11  }
0x1fb: {  	v20 =	vld [tilespmem:s30+$0xFFFFFF50];
	p0 =	slt.u32 s0, $0x7C;
	v11 =	vsel vm0, v17, v12  }
0x1fc: {  	v17 =	vld [tilespmem:s30+$0xFFFFFF90];
	v11 =	vand.u32 $0xFF, v11;
	vm1 =	vlt.s32 v10, $0x0;
	v21 =	vshra.s32 v10, $0x18  }
0x1fd: {  	v22 =	vld [tilespmem:s30+$0xFFFFFF10];
	v11 =	vxor.u32 $0x80, v11;
	v23 =	vxor.u32 $0x7F, v21;
	v10 =	vshra.s32 v13, $0x18  }
0x1fe: {  	[tilespmem:v16+s16+$0x0] =	vst.idx.add.s32.msk $0xffff, v3;
	v16 =	vadd.s32 v5, v11;
	v12 =	vxor.u32 $0x7F, v10;
	v11 =	vshra.s32 v7, $0x18  }
0x1ff: {  	vm0 =	vlt.s32 v13, $0x0;
	v24 =	vshra.s32 v18, $0x18;
	[tilespmem:v15+s16+$0x0] =	vst.idx.add.s32.msk $0xffff, v3;
	v13 =	vxor.u32 $0x7F, v11  }
0x200: {  	vm2 =	vlt.s32 v18, $0x0;
	v15 =	vshra.s32 v20, $0x18;
	v18 =	vxor.u32 $0x7F, v24;
	[tilespmem:v14+s16+$0x0] =	vst.idx.add.s32.msk $0xffff, v3  }
0x201: {  	v14 =	vxor.u32 $0x7F, v15;
	v25 =	vshra.s32 v17, $0x18;
	v18 =	vsel vm2, v18, v24;
	v24 =	vld [tilespmem:s28+$0xFFFFFF30]  }
0x202: {  	v26 =	vshra.s32 v22, $0x18;
	v27 =	vxor.u32 $0x7F, v25;
	v18 =	vand.u32 $0xFF, v18;
	v28 =	vld [tilespmem:s28+$0xFFFFFF70]  }
0x203: {  	vm2 =	vlt.s32 v22, $0x0;
	v22 =	vxor.u32 $0x7F, v26;
	v18 =	vxor.u32 $0x80, v18;
	[tilespmem:v16+s16+$0x0] =	vst.idx.add.s32.msk $0xffff, v3  }
0x204: {  	vm3 =	vlt.s32 v20, $0x0;
	vm4 =	vlt.s32 v17, $0x0;
	v16 =	vadd.s32 v1, v18;
	v17 =	vld [tilespmem:s28+$0x0]  }
0x205: {  	v14 =	vsel vm3, v14, v15;
	v15 =	vsel vm4, v27, v25;
	v18 =	vsel vm2, v22, v26;
	v20 =	vld [tilespmem:s28+$0xFFFFFFB0]  }
0x206: {  	v14 =	vand.u32 $0xFF, v14;
	v15 =	vand.u32 $0xFF, v15;
	v18 =	vand.u32 $0xFF, v18;
	[tilespmem:v8+s16+$0x0] =	vst.idx.add.s32.msk $0xffff, v3  }
0x207: {  	v14 =	vxor.u32 $0x80, v14;
	v15 =	vxor.u32 $0x80, v15;
	v8 =	vxor.u32 $0x80, v18;
	[tilespmem:v9+s16+$0x0] =	vst.idx.add.s32.msk $0xffff, v3  }
0x208: {  	v8 =	vadd.s32 v1, v8;
	v9 =	vadd.s32 v1, v14;
	v14 =	vadd.s32 v1, v15  }
0x209: {  	v15 =	vshra.s32 v24, $0x18;
	[tilespmem:v16+s16+$0x0] =	vst.idx.add.s32.msk $0xffff, v3;
	v16 =	vshra.s32 v28, $0x18;
	v18 =	vshra.s32 v17, $0x18  }
0x20a: {  	vm2 =	vlt.s32 v17, $0x0;
	v22 =	vld [tilespmem:s30+$0xFFFFFFE0];
	v25 =	vshra.s32 v20, $0x18;
	v17 =	vxor.u32 $0x7F, v18  }
0x20b: {  	v26 =	vxor.u32 $0x7F, v15;
	v27 =	vxor.u32 $0x7F, v16;
	v17 =	vsel vm2, v17, v18;
	[tilespmem:v19+s16+$0x0] =	vst.idx.add.s32.msk $0xffff, v3  }
0x20c: {  	vm2 =	vlt.s32 v24, $0x0;
	v18 =	vxor.u32 $0x7F, v25;
	v17 =	vand.u32 $0xFF, v17  }
0x20d: {  	vm3 =	vlt.s32 v28, $0x0;
	vm4 =	vlt.s32 v20, $0x0;
	[tilespmem:v8+s16+$0x0] =	vst.idx.add.s32.msk $0xffff, v3;
	v8 =	vxor.u32 $0x80, v17  }
0x20e: {  	[tilespmem:v9+s16+$0x0] =	vst.idx.add.s32.msk $0xffff, v3;
	v9 =	vsel vm2, v26, v15;
	v8 =	vadd.s32 v6, v8;
	vm2 =	vlt.s32 v7, $0x0  }
0x20f: {  	v15 =	vsel vm4, v18, v25;
	[tilespmem:v14+s16+$0x0] =	vst.idx.add.s32.msk $0xffff, v3;
	v7 =	vshra.s32 v22, $0x18;
	v14 =	vsel vm3, v27, v16  }
0x210: {  	vm3 =	vlt.s32 v22, $0x0;
	v9 =	vand.u32 $0xFF, v9;
	v16 =	vld [tilespmem:s30+$0xFFFFFF20];
	v17 =	vxor.u32 $0x7F, v7  }
0x211: {  	v15 =	vand.u32 $0xFF, v15;
	v14 =	vand.u32 $0xFF, v14;
	v18 =	vld [tilespmem:s30+$0xFFFFFF60];
	v7 =	vsel vm3, v17, v7  }
0x212: {  	v9 =	vxor.u32 $0x80, v9;
	v14 =	vxor.u32 $0x80, v14;
	v17 =	vld [tilespmem:s30+$0xFFFFFFA0];
	v7 =	vand.u32 $0xFF, v7  }
0x213: {  	v15 =	vxor.u32 $0x80, v15;
	v9 =	vadd.s32 v5, v9;
	v7 =	vxor.u32 $0x80, v7;
	[tilespmem:v8+s16+$0x0] =	vst.idx.add.s32.msk $0xffff, v3  }
0x214: {  	v19 =	vadd.s32 v5, v15;
	v8 =	vadd.s32 v5, v14;
	v7 =	vadd.s32 v4, v7  }
0x215: {  	v20 =	vsel vm1, v23, v21;
	vm3 =	vlt.s32 v16, $0x0;
	v14 =	vshra.s32 v16, $0x18  }
0x216: {  	v15 =	vxor.u32 $0x7F, v14;
	vm1 =	vlt.s32 v18, $0x0;
	v16 =	vshra.s32 v18, $0x18  }
0x217: {  	v18 =	vxor.u32 $0x7F, v16;
	vm4 =	vlt.s32 v17, $0x0;
	v17 =	vshra.s32 v17, $0x18  }
0x218: {  	v14 =	vsel vm3, v15, v14;
	v15 =	vsel vm1, v18, v16;
	v16 =	vxor.u32 $0x7F, v17;
	[tilespmem:v9+s16+$0x0] =	vst.idx.add.s32.msk $0xffff, v3  }
0x219: {  	v9 =	vand.u32 $0xFF, v14;
	v14 =	vand.u32 $0xFF, v15;
	v15 =	vsel vm4, v16, v17;
	[tilespmem:v7+s16+$0x0] =	vst.idx.add.s32.msk $0xffff, v3  }
0x21a: {  	v7 =	vxor.u32 $0x80, v9;
	v9 =	vxor.u32 $0x80, v14;
	v14 =	vand.u32 $0xFF, v15;
	v17 =	vld [tilespmem:s30+$0xFFFFFFF0]  }
.Ltmp3:
0x21b: {  	v16 =	vadd.s32 v4, v7;
	v15 =	vadd.s32 v4, v9;
	v7 =	vxor.u32 $0x80, v14;
	[tilespmem:v8+s16+$0x0] =	vst.idx.add.s32.msk $0xffff, v3;
	(pc) =	sbr.rel @p0 .LBB2_9-.Ltmp3, $4  }
0x21c: {  	v8 =	vsel vm0, v12, v10;
	v14 =	vadd.s32 v4, v7;
	[tilespmem:v19+s16+$0x0] =	vst.idx.add.s32.msk $0xffff, v3;
	v7 =	vand.u32 $0xFF, v20  }
0x21d: {  	v11 =	vsel vm2, v13, v11;
	v9 =	vand.u32 $0xFF, v8;
	v10 =	vld [tilespmem:s28+$0xFFFFFF40];
	v7 =	vxor.u32 $0x80, v7  }
0x21e: {  	v11 =	vand.u32 $0xFF, v11;
	v9 =	vxor.u32 $0x80, v9;
	v13 =	vld [tilespmem:s28+$0xFFFFFF80];
	v8 =	vadd.s32 v6, v7  }
0x21f: {  	v11 =	vxor.u32 $0x80, v11;
	v9 =	vadd.s32 v6, v9;
	v12 =	vshra.s32 v17, $0x18;
	v7 =	vld [tilespmem:s28+$0xFFFFFFC0];
	s28 =	smov.u32 s30;
	s30 =	sadd.s32 $0x100, s30  }
0x220: {  	_ =	sdelay $0x3  }
0x221: {  	[tilespmem:v16+s16+$0x0] =	vst.idx.add.s32.msk $0xffff, v3  }
0x222: {  	[tilespmem:v15+s16+$0x0] =	vst.idx.add.s32.msk $0xffff, v3  }
0x223: {  	[tilespmem:v14+s16+$0x0] =	vst.idx.add.s32.msk $0xffff, v3  }
0x224: {  	v14 =	vld [tilespmem:s28+$0xFFFFFF30]  }
0x225: {  	vm0 =	vlt.s32 v17, $0x0;
	v15 =	vxor.u32 $0x7F, v12;
	v16 =	vld [tilespmem:s28+$0xFFFFFF70]  }
0x226: {  	v12 =	vsel vm0, v15, v12;
	v15 =	vld [tilespmem:s28+$0xFFFFFFB0];
	_ =	sdelay $0x1  }
0x227: {  	v12 =	vand.u32 $0xFF, v12  }
0x228: {  	v12 =	vxor.u32 $0x80, v12  }
0x229: {  	v12 =	vadd.s32 v5, v12  }
0x22a: {  	v17 =	vshra.s32 v14, $0x18;
	v18 =	vshra.s32 v16, $0x18;
	v19 =	vshra.s32 v15, $0x18  }
0x22b: {  	vm8 =	vlt.s32 v14, $0x0;
	vm1 =	vlt.s32 v16, $0x0;
	v20 =	vxor.u32 $0x7F, v17  }
0x22c: {  	vm9 =	vlt.s32 v15, $0x0;
	v14 =	vxor.u32 $0x7F, v19;
	v16 =	vsel vm8, v20, v17  }
0x22d: {  	v21 =	vxor.u32 $0x7F, v18;
	v14 =	vsel vm9, v14, v19;
	v15 =	vand.u32 $0xFF, v16  }
0x22e: {  	[tilespmem:v12+s16+$0x0] =	vst.idx.add.s32.msk $0xffff, v3;
	v12 =	vsel vm1, v21, v18;
	v14 =	vand.u32 $0xFF, v14;
	v15 =	vxor.u32 $0x80, v15  }
0x22f: {  	v16 =	vld [tilespmem:s28+$0x0];
	v12 =	vand.u32 $0xFF, v12;
	v14 =	vxor.u32 $0x80, v14;
	v15 =	vadd.s32 v5, v15  }
0x230: {  	v12 =	vxor.u32 $0x80, v12;
	v14 =	vadd.s32 v5, v14  }
0x231: {  	v12 =	vadd.s32 v5, v12;
	_ =	sdelay $0x1  }
0x232: {  	v11 =	vadd.s32 v6, v11;
	vm10 =	vlt.s32 v10, $0x0  }
0x233: {  	v10 =	vshra.s32 v10, $0x18;
	vm12 =	vlt.s32 v13, $0x0;
	v17 =	vshra.s32 v16, $0x18;
	[tilespmem:v15+s16+$0x0] =	vst.idx.add.s32.msk $0xffff, v3  }
0x234: {  	vm2 =	vlt.s32 v7, $0x0;
	vm11 =	vlt.s32 v16, $0x0;
	v16 =	vxor.u32 $0x7F, v17;
	[tilespmem:v14+s16+$0x0] =	vst.idx.add.s32.msk $0xffff, v3  }
0x235: {  	v15 =	vshra.s32 v13, $0x18;
	v14 =	vshra.s32 v7, $0x18;
	v16 =	vsel vm11, v16, v17;
	[tilespmem:v12+s16+$0x0] =	vst.idx.add.s32.msk $0xffff, v3  }
0x236: {  	v12 =	vxor.u32 $0x7F, v10;
	v17 =	vxor.u32 $0x7F, v15;
	v18 =	vxor.u32 $0x7F, v14;
	v7 =	vld [tilespmem:s28+$0xFFFFFF80]  }
0x237: {  	v16 =	vand.u32 $0xFF, v16;
	v10 =	vsel vm10, v12, v10;
	v12 =	vsel vm12, v17, v15;
	v15 =	vld [tilespmem:s28+$0xFFFFFFC0]  }
0x238: {  	v14 =	vsel vm2, v18, v14;
	v13 =	vxor.u32 $0x80, v16;
	v16 =	vld [tilespmem:s28+$0xFFFFFF40];
	v10 =	vand.u32 $0xFF, v10  }
0x239: {  	v12 =	vand.u32 $0xFF, v12;
	v14 =	vand.u32 $0xFF, v14;
	v13 =	vadd.s32 v6, v13  }
0x23a: {  	v10 =	vxor.u32 $0x80, v10;
	v12 =	vxor.u32 $0x80, v12;
	v14 =	vxor.u32 $0x80, v14  }
0x23b: {  	v10 =	vadd.s32 v6, v10;
	v12 =	vadd.s32 v6, v12;
	v14 =	vadd.s32 v6, v14  }
0x23c: {  	v17 =	vshra.s32 v7, $0x18;
	v52 =	vshra.s32 v15, $0x18;
	vm14 =	vlt.s32 v7, $0x0  }
0x23d: {  	vm15 =	vlt.s32 v15, $0x0;
	vm13 =	vlt.s32 v16, $0x0;
	v19 =	vxor.u32 $0x7F, v17  }
0x23e: {  	v16 =	vshra.s32 v16, $0x18;
	v7 =	vxor.u32 $0x7F, v52;
	v15 =	vsel vm14, v19, v17  }
0x23f: {  	[tilespmem:v9+s16+$0x0] =	vst.idx.add.s32.msk $0xffff, v3;
	v18 =	vxor.u32 $0x7F, v16;
	v7 =	vsel vm15, v7, v52;
	v9 =	vand.u32 $0xFF, v15  }
0x240: {  	[tilespmem:v8+s16+$0x0] =	vst.idx.add.s32.msk $0xffff, v3;
	v16 =	vsel vm13, v18, v16;
	v7 =	vand.u32 $0xFF, v7;
	v9 =	vxor.u32 $0x80, v9  }
0x241: {  	[tilespmem:v11+s16+$0x0] =	vst.idx.add.s32.msk $0xffff, v3;
	v8 =	vand.u32 $0xFF, v16;
	v7 =	vxor.u32 $0x80, v7;
	v9 =	vadd.s32 v6, v9  }
0x242: {  	[tilespmem:v13+s16+$0x0] =	vst.idx.add.s32.msk $0xffff, v3;
	v8 =	vxor.u32 $0x80, v8;
	v7 =	vadd.s32 v6, v7  }
0x243: {  	[tilespmem:v10+s16+$0x0] =	vst.idx.add.s32.msk $0xffff, v3;
	v8 =	vadd.s32 v6, v8  }
0x244: {  	[tilespmem:v12+s16+$0x0] =	vst.idx.add.s32.msk $0xffff, v3  }
0x245: {  	[tilespmem:v14+s16+$0x0] =	vst.idx.add.s32.msk $0xffff, v3  }
0x246: {  	[tilespmem:v9+s16+$0x0] =	vst.idx.add.s32.msk $0xffff, v3  }
0x247: {  	[tilespmem:v7+s16+$0x0] =	vst.idx.add.s32.msk $0xffff, v3  }
0x248: {  	[tilespmem:v8+s16+$0x0] =	vst.idx.add.s32.msk $0xffff, v3  }
0x249: {  	_ =	swait.ge [sflag:s19], $0x2000  }
0x24a: {  	[sflag:s19] =	ssyncset.done $0x0  }
0x24b: {  	s0 =	simm.s32 $0x60F0;
	[sflag:s19] =	ssyncadd.s32 $0xFFFFE000  }
0x24c: {  	v7 =	vld [tilespmem:s0+$0xFFFFFFD0];
	_ =	sdelay $0x4  }
0x24d: {  	v10 =	vld [tilespmem:s0+$0xFFFFFF90];
	v8 =	vshra.s32 v7, $0x18  }
0x24e: {  	v9 =	vld [tilespmem:s0+$0xFFFFFF50];
	vm4 =	vlt.s32 v7, $0x0;
	v7 =	vxor.u32 $0x7F, v8  }
0x24f: {  	v7 =	vsel vm4, v7, v8;
	v8 =	vld [tilespmem:s0+$0xFFFFFF10]  }
0x250: {  	v7 =	vand.u32 $0xFF, v7  }
0x251: {  	v7 =	vxor.u32 $0x80, v7  }
0x252: {  	v14 =	vshra.s32 v10, $0x18;
	v7 =	vadd.s32 v1, v7  }
0x253: {  	v11 =	vshra.s32 v9, $0x18;
	vm7 =	vlt.s32 v10, $0x0;
	v15 =	vxor.u32 $0x7F, v14  }
0x254: {  	vm6 =	vlt.s32 v9, $0x0;
	v10 =	vsel vm7, v15, v14;
	v13 =	vshra.s32 v8, $0x18  }
0x255: {  	v10 =	vand.u32 $0xFF, v10;
	vm5 =	vlt.s32 v8, $0x0;
	v8 =	vxor.u32 $0x7F, v13  }
0x256: {  	v12 =	vxor.u32 $0x7F, v11;
	v10 =	vxor.u32 $0x80, v10;
	v8 =	vsel vm5, v8, v13  }
0x257: {  	v10 =	vadd.s32 v1, v10;
	[tilespmem:v7+s16+$0x0] =	vst.idx.add.s32.msk $0xffff, v3;
	v7 =	vsel vm6, v12, v11;
	v8 =	vand.u32 $0xFF, v8  }
0x258: {  	v9 =	vld [tilespmem:s0+$0xFFFFFFE0];
	v7 =	vand.u32 $0xFF, v7;
	v8 =	vxor.u32 $0x80, v8  }
0x259: {  	v7 =	vxor.u32 $0x80, v7;
	v8 =	vadd.s32 v1, v8  }
0x25a: {  	v7 =	vadd.s32 v1, v7;
	_ =	sdelay $0x1  }
0x25b: {  	[tilespmem:v10+s16+$0x0] =	vst.idx.add.s32.msk $0xffff, v3  }
0x25c: {  	v10 =	vld [tilespmem:s0+$0xFFFFFFA0];
	v11 =	vshra.s32 v9, $0x18  }
0x25d: {  	vm8 =	vlt.s32 v9, $0x0;
	v9 =	vxor.u32 $0x7F, v11;
	[tilespmem:v8+s16+$0x0] =	vst.idx.add.s32.msk $0xffff, v3  }
0x25e: {  	v8 =	vsel vm8, v9, v11;
	[tilespmem:v7+s16+$0x0] =	vst.idx.add.s32.msk $0xffff, v3  }
0x25f: {  	v7 =	vand.u32 $0xFF, v8;
	v8 =	vld [tilespmem:s0+$0xFFFFFF20]  }
0x260: {  	v9 =	vld [tilespmem:s0+$0xFFFFFF60];
	v7 =	vxor.u32 $0x80, v7  }
0x261: {  	v7 =	vadd.s32 v4, v7;
	_ =	sdelay $0x2  }
0x262: {  	vm11 =	vlt.s32 v10, $0x0;
	vm9 =	vlt.s32 v8, $0x0  }
0x263: {  	v8 =	vshra.s32 v8, $0x18;
	vm10 =	vlt.s32 v9, $0x0;
	v9 =	vshra.s32 v9, $0x18  }
0x264: {  	v10 =	vshra.s32 v10, $0x18;
	v12 =	vxor.u32 $0x7F, v9;
	[tilespmem:v7+s16+$0x0] =	vst.idx.add.s32.msk $0xffff, v3;
	v7 =	vxor.u32 $0x7F, v8  }
0x265: {  	s29 =	simm.s32 $0x61F0;
	v11 =	vld [tilespmem:s0+$0xFFFFFFF0];
	v7 =	vsel vm9, v7, v8;
	v8 =	vsel vm10, v12, v9;
	v9 =	vxor.u32 $0x7F, v10  }
0x266: {  	v9 =	vsel vm11, v9, v10;
	v10 =	vld [tilespmem:s29+$0xFFFFFFD0]  }
0x267: {  	v8 =	vand.u32 $0xFF, v8  }
0x268: {  	v7 =	vand.u32 $0xFF, v7;
	v8 =	vxor.u32 $0x80, v8;
	v9 =	vand.u32 $0xFF, v9  }
0x269: {  	v7 =	vxor.u32 $0x80, v7;
	v8 =	vadd.s32 v4, v8;
	v9 =	vxor.u32 $0x80, v9  }
0x26a: {  	v7 =	vadd.s32 v4, v7;
	v9 =	vadd.s32 v4, v9;
	v12 =	vshra.s32 v11, $0x18  }
0x26b: {  	v13 =	vld [tilespmem:s29+$0xFFFFFF50];
	vm12 =	vlt.s32 v11, $0x0;
	v11 =	vxor.u32 $0x7F, v12;
	v14 =	vshra.s32 v10, $0x18  }
0x26c: {  	v15 =	vld [tilespmem:s29+$0xFFFFFF10];
	vm13 =	vlt.s32 v10, $0x0;
	v11 =	vsel vm12, v11, v12;
	v10 =	vxor.u32 $0x7F, v14  }
0x26d: {  	v12 =	vld [tilespmem:s29+$0xFFFFFF90];
	v11 =	vand.u32 $0xFF, v11;
	v10 =	vsel vm13, v10, v14  }
0x26e: {  	[tilespmem:v8+s16+$0x0] =	vst.idx.add.s32.msk $0xffff, v3;
	v11 =	vxor.u32 $0x80, v11;
	v8 =	vand.u32 $0xFF, v10  }
0x26f: {  	[tilespmem:v7+s16+$0x0] =	vst.idx.add.s32.msk $0xffff, v3;
	v7 =	vadd.s32 v5, v11;
	v8 =	vxor.u32 $0x80, v8  }
0x270: {  	[tilespmem:v9+s16+$0x0] =	vst.idx.add.s32.msk $0xffff, v3;
	v10 =	vshra.s32 v13, $0x18;
	v8 =	vadd.s32 v1, v8  }
0x271: {  	vm15 =	vlt.s32 v13, $0x0;
	v9 =	vld [tilespmem:s0+$0xFFFFFF30];
	v14 =	vxor.u32 $0x7F, v10  }
0x272: {  	v11 =	vld [tilespmem:s0+$0xFFFFFF70];
	v10 =	vsel vm15, v14, v10  }
0x273: {  	v17 =	vshra.s32 v15, $0x18;
	vm14 =	vlt.s32 v15, $0x0;
	v13 =	vld [tilespmem:s0+$0xFFFFFFB0];
	v10 =	vand.u32 $0xFF, v10  }
0x274: {  	v15 =	vxor.u32 $0x7F, v17;
	v16 =	vshra.s32 v12, $0x18;
	v10 =	vxor.u32 $0x80, v10;
	[tilespmem:v7+s16+$0x0] =	vst.idx.add.s32.msk $0xffff, v3  }
0x275: {  	vm4 =	vlt.s32 v12, $0x0;
	v12 =	vsel vm14, v15, v17;
	v10 =	vadd.s32 v1, v10;
	[tilespmem:v8+s16+$0x0] =	vst.idx.add.s32.msk $0xffff, v3  }
0x276: {  	v14 =	vshra.s32 v9, $0x18;
	v7 =	vxor.u32 $0x7F, v16;
	v8 =	vand.u32 $0xFF, v12;
	v12 =	vld [tilespmem:s29+$0xFFFFFFE0]  }
0x277: {  	vm5 =	vlt.s32 v9, $0x0;
	v7 =	vsel vm4, v7, v16;
	v8 =	vxor.u32 $0x80, v8  }
0x278: {  	v15 =	vshra.s32 v11, $0x18;
	v18 =	vld [tilespmem:s0+$0x0];
	v7 =	vand.u32 $0xFF, v7;
	v8 =	vadd.s32 v1, v8  }
0x279: {  	v17 =	vshra.s32 v13, $0x18;
	v19 =	vxor.u32 $0x7F, v14;
	v7 =	vxor.u32 $0x80, v7  }
0x27a: {  	s28 =	simm.s32 $0x62F0;
	vm8 =	vlt.s32 v13, $0x0;
	v9 =	vxor.u32 $0x7F, v17;
	v7 =	vadd.s32 v1, v7  }
0x27b: {  	vm7 =	vlt.s32 v11, $0x0;
	v9 =	vsel vm8, v9, v17;
	v17 =	vld [tilespmem:s28+$0xFFFFFF50];
	v54 =	vshra.s32 v12, $0x18  }
0x27c: {  	v14 =	vsel vm5, v19, v14;
	[tilespmem:v10+s16+$0x0] =	vst.idx.add.s32.msk $0xffff, v3;
	vm6 =	vlt.s32 v12, $0x0;
	v12 =	vxor.u32 $0x7F, v54  }
0x27d: {  	v16 =	vshra.s32 v18, $0x18;
	[tilespmem:v8+s16+$0x0] =	vst.idx.add.s32.msk $0xffff, v3;
	v8 =	vand.u32 $0xFF, v14;
	v11 =	vsel vm6, v12, v54  }
0x27e: {  	vm9 =	vlt.s32 v18, $0x0;
	v18 =	vld [tilespmem:s28+$0xFFFFFF10];
	v8 =	vxor.u32 $0x80, v8;
	v10 =	vand.u32 $0xFF, v11  }
0x27f: {  	v53 =	vxor.u32 $0x7F, v15;
	[tilespmem:v7+s16+$0x0] =	vst.idx.add.s32.msk $0xffff, v3;
	v8 =	vadd.s32 v5, v8;
	v10 =	vxor.u32 $0x80, v10  }
0x280: {  	v9 =	vand.u32 $0xFF, v9;
	v7 =	vsel vm7, v53, v15;
	v12 =	vld [tilespmem:s29+$0xFFFFFF60];
	v10 =	vadd.s32 v4, v10  }
0x281: {  	v9 =	vxor.u32 $0x80, v9;
	v11 =	vld [tilespmem:s29+$0xFFFFFF20];
	v7 =	vand.u32 $0xFF, v7  }
0x282: {  	v9 =	vadd.s32 v5, v9;
	v13 =	vxor.u32 $0x7F, v16;
	v14 =	vld [tilespmem:s29+$0xFFFFFFA0];
	v7 =	vxor.u32 $0x80, v7  }
0x283: {  	vm3 =	vlt.s32 v17, $0x0;
	v13 =	vsel vm9, v13, v16;
	v7 =	vadd.s32 v5, v7  }
0x284: {  	v13 =	vand.u32 $0xFF, v13;
	v24 =	vshra.s32 v18, $0x18;
	vm15 =	vlt.s32 v18, $0x0;
	[tilespmem:v8+s16+$0x0] =	vst.idx.add.s32.msk $0xffff, v3  }
0x285: {  	vm11 =	vlt.s32 v12, $0x0;
	v12 =	vshra.s32 v12, $0x18;
	v8 =	vxor.u32 $0x80, v13;
	[tilespmem:v10+s16+$0x0] =	vst.idx.add.s32.msk $0xffff, v3  }
0x286: {  	vm10 =	vlt.s32 v11, $0x0;
	v11 =	vshra.s32 v11, $0x18;
	v15 =	vxor.u32 $0x7F, v12;
	v13 =	vld [tilespmem:s29+$0xFFFFFFF0]  }
0x287: {  	v16 =	vld [tilespmem:s28+$0xFFFFFFD0];
	vm12 =	vlt.s32 v14, $0x0;
	v14 =	vshra.s32 v14, $0x18;
	v10 =	vxor.u32 $0x7F, v11  }
0x288: {  	[tilespmem:v7+s16+$0x0] =	vst.idx.add.s32.msk $0xffff, v3;
	v7 =	vsel vm10, v10, v11;
	v10 =	vsel vm11, v15, v12;
	v11 =	vxor.u32 $0x7F, v14  }
0x289: {  	[tilespmem:v9+s16+$0x0] =	vst.idx.add.s32.msk $0xffff, v3;
	v7 =	vand.u32 $0xFF, v7;
	v9 =	vand.u32 $0xFF, v10;
	v10 =	vsel vm12, v11, v14  }
0x28a: {  	v7 =	vxor.u32 $0x80, v7;
	v9 =	vxor.u32 $0x80, v9;
	v10 =	vand.u32 $0xFF, v10  }
0x28b: {  	v12 =	vld [tilespmem:s0+$0xFFFFFF80];
	v7 =	vadd.s32 v4, v7;
	v9 =	vadd.s32 v4, v9;
	v14 =	vshra.s32 v13, $0x18  }
0x28c: {  	v15 =	vld [tilespmem:s0+$0xFFFFFFC0];
	v10 =	vxor.u32 $0x80, v10;
	vm13 =	vlt.s32 v13, $0x0;
	v13 =	vxor.u32 $0x7F, v14  }
0x28d: {  	v22 =	vshra.s32 v16, $0x18;
	v11 =	vld [tilespmem:s0+$0xFFFFFF40];
	v10 =	vadd.s32 v4, v10;
	v13 =	vsel vm13, v13, v14  }
0x28e: {  	vm14 =	vlt.s32 v16, $0x0;
	v16 =	vxor.u32 $0x7F, v22;
	v13 =	vand.u32 $0xFF, v13  }
0x28f: {  	v18 =	vxor.u32 $0x7F, v24;
	v16 =	vsel vm14, v16, v22;
	v14 =	vld [tilespmem:s28+$0xFFFFFF90];
	v13 =	vxor.u32 $0x80, v13  }
0x290: {  	v8 =	vadd.s32 v6, v8;
	v16 =	vand.u32 $0xFF, v16;
	[tilespmem:v7+s16+$0x0] =	vst.idx.add.s32.msk $0xffff, v3;
	v7 =	vadd.s32 v5, v13  }
0x291: {  	v16 =	vxor.u32 $0x80, v16;
	v55 =	vshra.s32 v12, $0x18;
	v56 =	vshra.s32 v15, $0x18;
	[tilespmem:v9+s16+$0x0] =	vst.idx.add.s32.msk $0xffff, v3  }
0x292: {  	vm0 =	vlt.s32 v12, $0x0;
	vm1 =	vlt.s32 v11, $0x0;
	v11 =	vshra.s32 v11, $0x18;
	[tilespmem:v10+s16+$0x0] =	vst.idx.add.s32.msk $0xffff, v3  }
0x293: {  	v12 =	vshra.s32 v17, $0x18;
	vm11 =	vlt.s32 v15, $0x0;
	v19 =	vxor.u32 $0x7F, v11;
	v57 =	vld [tilespmem:s29+$0xFFFFFF30]  }
0x294: {  	v9 =	vxor.u32 $0x7F, v56;
	v11 =	vsel vm1, v19, v11;
	v10 =	vxor.u32 $0x7F, v12;
	v26 =	vld [tilespmem:s29+$0xFFFFFF70]  }
0x295: {  	v10 =	vsel vm3, v10, v12;
	v23 =	vshra.s32 v14, $0x18;
	[tilespmem:v7+s16+$0x0] =	vst.idx.add.s32.msk $0xffff, v3;
	v7 =	vadd.s32 v1, v16  }
0x296: {  	v17 =	vld [tilespmem:s29+$0xFFFFFFB0];
	v10 =	vand.u32 $0xFF, v10;
	vm4 =	vlt.s32 v14, $0x0;
	v25 =	vxor.u32 $0x7F, v23  }
0x297: {  	v13 =	vxor.u32 $0x7F, v55;
	v10 =	vxor.u32 $0x80, v10;
	v12 =	vsel vm4, v25, v23  }
0x298: {  	v10 =	vadd.s32 v1, v10;
	v16 =	vsel vm15, v18, v24;
	v12 =	vand.u32 $0xFF, v12;
	v14 =	vld [tilespmem:s29+$0x0]  }
0x299: {  	vm8 =	vlt.s32 v57, $0x0;
	v16 =	vand.u32 $0xFF, v16;
	v12 =	vxor.u32 $0x80, v12  }
0x29a: {  	vm9 =	vlt.s32 v26, $0x0;
	v16 =	vxor.u32 $0x80, v16;
	v12 =	vadd.s32 v1, v12;
	[tilespmem:v7+s16+$0x0] =	vst.idx.add.s32.msk $0xffff, v3  }
0x29b: {  	v18 =	vshra.s32 v26, $0x18;
	v60 =	vshra.s32 v17, $0x18;
	v16 =	vadd.s32 v1, v16;
	v59 =	vld [tilespmem:s28+$0xFFFFFFE0]  }
0x29c: {  	vm10 =	vlt.s32 v17, $0x0;
	v61 =	vxor.u32 $0x7F, v18;
	v62 =	vxor.u32 $0x7F, v60  }
0x29d: {  	v15 =	vsel vm10, v62, v60;
	v7 =	vshra.s32 v57, $0x18;
	v58 =	vshra.s32 v14, $0x18  }
0x29e: {  	[tilespmem:v10+s16+$0x0] =	vst.idx.add.s32.msk $0xffff, v3;
	vm7 =	vlt.s32 v14, $0x0;
	v27 =	vxor.u32 $0x7F, v7;
	v14 =	vxor.u32 $0x7F, v58  }
0x29f: {  	v15 =	vand.u32 $0xFF, v15;
	v7 =	vsel vm8, v27, v7;
	[tilespmem:v12+s16+$0x0] =	vst.idx.add.s32.msk $0xffff, v3;
	v14 =	vsel vm7, v14, v58  }
0x2a0: {  	[tilespmem:v16+s16+$0x0] =	vst.idx.add.s32.msk $0xffff, v3;
	v7 =	vand.u32 $0xFF, v7;
	v14 =	vand.u32 $0xFF, v14;
	v12 =	vshra.s32 v59, $0x18  }
0x2a1: {  	v16 =	vld [tilespmem:s28+$0xFFFFFF20];
	v14 =	vxor.u32 $0x80, v14;
	vm12 =	vlt.s32 v59, $0x0;
	v17 =	vxor.u32 $0x7F, v12  }
0x2a2: {  	v10 =	vadd.s32 v6, v14;
	v14 =	vsel vm9, v61, v18;
	v18 =	vld [tilespmem:s28+$0xFFFFFF60];
	v12 =	vsel vm12, v17, v12  }
0x2a3: {  	v15 =	vxor.u32 $0x80, v15;
	v7 =	vxor.u32 $0x80, v7;
	v17 =	vld [tilespmem:s28+$0xFFFFFFA0];
	v12 =	vand.u32 $0xFF, v12  }
0x2a4: {  	v7 =	vadd.s32 v5, v7;
	v14 =	vand.u32 $0xFF, v14;
	v12 =	vxor.u32 $0x80, v12  }
0x2a5: {  	v63 =	vadd.s32 v5, v15;
	v14 =	vxor.u32 $0x80, v14;
	v12 =	vadd.s32 v4, v12  }
0x2a6: {  	v14 =	vadd.s32 v5, v14;
	vm13 =	vlt.s32 v16, $0x0;
	v15 =	vshra.s32 v16, $0x18  }
0x2a7: {  	[tilespmem:v8+s16+$0x0] =	vst.idx.add.s32.msk $0xffff, v3;
	v8 =	vxor.u32 $0x7F, v15;
	vm14 =	vlt.s32 v18, $0x0;
	v16 =	vshra.s32 v18, $0x18  }
0x2a8: {  	[tilespmem:v10+s16+$0x0] =	vst.idx.add.s32.msk $0xffff, v3;
	v10 =	vxor.u32 $0x7F, v16;
	vm15 =	vlt.s32 v17, $0x0;
	v17 =	vshra.s32 v17, $0x18  }
0x2a9: {  	[tilespmem:v7+s16+$0x0] =	vst.idx.add.s32.msk $0xffff, v3;
	v8 =	vsel vm13, v8, v15;
	v10 =	vsel vm14, v10, v16;
	v15 =	vxor.u32 $0x7F, v17  }
0x2aa: {  	v7 =	vand.u32 $0xFF, v8;
	v8 =	vand.u32 $0xFF, v10;
	v10 =	vsel vm15, v15, v17;
	[tilespmem:v12+s16+$0x0] =	vst.idx.add.s32.msk $0xffff, v3  }
0x2ab: {  	v7 =	vxor.u32 $0x80, v7;
	v8 =	vxor.u32 $0x80, v8;
	v10 =	vand.u32 $0xFF, v10;
	v17 =	vld [tilespmem:s28+$0xFFFFFFF0]  }
0x2ac: {  	[tilespmem:v63+s16+$0x0] =	vst.idx.add.s32.msk $0xffff, v3;
	v16 =	vadd.s32 v4, v7;
	v15 =	vadd.s32 v4, v8;
	v7 =	vxor.u32 $0x80, v10  }
0x2ad: {  	[tilespmem:v14+s16+$0x0] =	vst.idx.add.s32.msk $0xffff, v3;
	v8 =	vsel vm0, v13, v55;
	v14 =	vadd.s32 v4, v7;
	v7 =	vand.u32 $0xFF, v11  }
0x2ae: {  	v9 =	vsel vm11, v9, v56;
	v10 =	vld [tilespmem:s29+$0xFFFFFF40];
	v11 =	vand.u32 $0xFF, v8;
	v7 =	vxor.u32 $0x80, v7  }
0x2af: {  	v18 =	vand.u32 $0xFF, v9;
	v13 =	vld [tilespmem:s29+$0xFFFFFF80];
	v11 =	vxor.u32 $0x80, v11;
	v8 =	vadd.s32 v6, v7  }
0x2b0: {  	s30 =	simm.s32 $0x63F0;
	s0 =	simm.s32 $0x8;
	v7 =	vld [tilespmem:s29+$0xFFFFFFC0];
	v9 =	vadd.s32 v6, v11;
	v11 =	vxor.u32 $0x80, v18;
	v12 =	vshra.s32 v17, $0x18  }
.LBB2_11:
0x2b1: {  	v18 =	vld [tilespmem:s30+$0xFFFFFFD0];
	s0 =	sadd.s32 $0x4, s0;
	vm0 =	vlt.s32 v17, $0x0;
	v17 =	vxor.u32 $0x7F, v12;
	v19 =	vadd.s32 v6, v11  }
0x2b2: {  	v20 =	vld [tilespmem:s30+$0xFFFFFF50];
	p0 =	slt.u32 s0, $0x7C;
	v11 =	vsel vm0, v17, v12  }
0x2b3: {  	v17 =	vld [tilespmem:s30+$0xFFFFFF90];
	v11 =	vand.u32 $0xFF, v11;
	vm1 =	vlt.s32 v10, $0x0;
	v21 =	vshra.s32 v10, $0x18  }
0x2b4: {  	v22 =	vld [tilespmem:s30+$0xFFFFFF10];
	v11 =	vxor.u32 $0x80, v11;
	v23 =	vxor.u32 $0x7F, v21;
	v10 =	vshra.s32 v13, $0x18  }
0x2b5: {  	[tilespmem:v16+s16+$0x0] =	vst.idx.add.s32.msk $0xffff, v3;
	v16 =	vadd.s32 v5, v11;
	v12 =	vxor.u32 $0x7F, v10;
	v11 =	vshra.s32 v7, $0x18  }
0x2b6: {  	vm0 =	vlt.s32 v13, $0x0;
	v24 =	vshra.s32 v18, $0x18;
	[tilespmem:v15+s16+$0x0] =	vst.idx.add.s32.msk $0xffff, v3;
	v13 =	vxor.u32 $0x7F, v11  }
0x2b7: {  	vm2 =	vlt.s32 v18, $0x0;
	v15 =	vshra.s32 v20, $0x18;
	v18 =	vxor.u32 $0x7F, v24;
	[tilespmem:v14+s16+$0x0] =	vst.idx.add.s32.msk $0xffff, v3  }
0x2b8: {  	v14 =	vxor.u32 $0x7F, v15;
	v25 =	vshra.s32 v17, $0x18;
	v18 =	vsel vm2, v18, v24;
	v24 =	vld [tilespmem:s28+$0xFFFFFF30]  }
0x2b9: {  	v26 =	vshra.s32 v22, $0x18;
	v27 =	vxor.u32 $0x7F, v25;
	v18 =	vand.u32 $0xFF, v18;
	v28 =	vld [tilespmem:s28+$0xFFFFFF70]  }
0x2ba: {  	vm2 =	vlt.s32 v22, $0x0;
	v22 =	vxor.u32 $0x7F, v26;
	v18 =	vxor.u32 $0x80, v18;
	[tilespmem:v16+s16+$0x0] =	vst.idx.add.s32.msk $0xffff, v3  }
0x2bb: {  	vm3 =	vlt.s32 v20, $0x0;
	vm4 =	vlt.s32 v17, $0x0;
	v16 =	vadd.s32 v1, v18;
	v17 =	vld [tilespmem:s28+$0x0]  }
0x2bc: {  	v14 =	vsel vm3, v14, v15;
	v15 =	vsel vm4, v27, v25;
	v18 =	vsel vm2, v22, v26;
	v20 =	vld [tilespmem:s28+$0xFFFFFFB0]  }
0x2bd: {  	v14 =	vand.u32 $0xFF, v14;
	v15 =	vand.u32 $0xFF, v15;
	v18 =	vand.u32 $0xFF, v18;
	[tilespmem:v8+s16+$0x0] =	vst.idx.add.s32.msk $0xffff, v3  }
0x2be: {  	v14 =	vxor.u32 $0x80, v14;
	v15 =	vxor.u32 $0x80, v15;
	v8 =	vxor.u32 $0x80, v18;
	[tilespmem:v9+s16+$0x0] =	vst.idx.add.s32.msk $0xffff, v3  }
0x2bf: {  	v8 =	vadd.s32 v1, v8;
	v9 =	vadd.s32 v1, v14;
	v14 =	vadd.s32 v1, v15  }
0x2c0: {  	v15 =	vshra.s32 v24, $0x18;
	[tilespmem:v16+s16+$0x0] =	vst.idx.add.s32.msk $0xffff, v3;
	v16 =	vshra.s32 v28, $0x18;
	v18 =	vshra.s32 v17, $0x18  }
0x2c1: {  	vm2 =	vlt.s32 v17, $0x0;
	v22 =	vld [tilespmem:s30+$0xFFFFFFE0];
	v25 =	vshra.s32 v20, $0x18;
	v17 =	vxor.u32 $0x7F, v18  }
0x2c2: {  	v26 =	vxor.u32 $0x7F, v15;
	v27 =	vxor.u32 $0x7F, v16;
	v17 =	vsel vm2, v17, v18;
	[tilespmem:v19+s16+$0x0] =	vst.idx.add.s32.msk $0xffff, v3  }
0x2c3: {  	vm2 =	vlt.s32 v24, $0x0;
	v18 =	vxor.u32 $0x7F, v25;
	v17 =	vand.u32 $0xFF, v17  }
0x2c4: {  	vm3 =	vlt.s32 v28, $0x0;
	vm4 =	vlt.s32 v20, $0x0;
	[tilespmem:v8+s16+$0x0] =	vst.idx.add.s32.msk $0xffff, v3;
	v8 =	vxor.u32 $0x80, v17  }
0x2c5: {  	[tilespmem:v9+s16+$0x0] =	vst.idx.add.s32.msk $0xffff, v3;
	v9 =	vsel vm2, v26, v15;
	v8 =	vadd.s32 v6, v8;
	vm2 =	vlt.s32 v7, $0x0  }
0x2c6: {  	v15 =	vsel vm4, v18, v25;
	[tilespmem:v14+s16+$0x0] =	vst.idx.add.s32.msk $0xffff, v3;
	v7 =	vshra.s32 v22, $0x18;
	v14 =	vsel vm3, v27, v16  }
0x2c7: {  	vm3 =	vlt.s32 v22, $0x0;
	v9 =	vand.u32 $0xFF, v9;
	v16 =	vld [tilespmem:s30+$0xFFFFFF20];
	v17 =	vxor.u32 $0x7F, v7  }
0x2c8: {  	v15 =	vand.u32 $0xFF, v15;
	v14 =	vand.u32 $0xFF, v14;
	v18 =	vld [tilespmem:s30+$0xFFFFFF60];
	v7 =	vsel vm3, v17, v7  }
0x2c9: {  	v9 =	vxor.u32 $0x80, v9;
	v14 =	vxor.u32 $0x80, v14;
	v17 =	vld [tilespmem:s30+$0xFFFFFFA0];
	v7 =	vand.u32 $0xFF, v7  }
0x2ca: {  	v15 =	vxor.u32 $0x80, v15;
	v9 =	vadd.s32 v5, v9;
	v7 =	vxor.u32 $0x80, v7;
	[tilespmem:v8+s16+$0x0] =	vst.idx.add.s32.msk $0xffff, v3  }
0x2cb: {  	v19 =	vadd.s32 v5, v15;
	v8 =	vadd.s32 v5, v14;
	v7 =	vadd.s32 v4, v7  }
0x2cc: {  	v20 =	vsel vm1, v23, v21;
	vm3 =	vlt.s32 v16, $0x0;
	v14 =	vshra.s32 v16, $0x18  }
0x2cd: {  	v15 =	vxor.u32 $0x7F, v14;
	vm1 =	vlt.s32 v18, $0x0;
	v16 =	vshra.s32 v18, $0x18  }
0x2ce: {  	v18 =	vxor.u32 $0x7F, v16;
	vm4 =	vlt.s32 v17, $0x0;
	v17 =	vshra.s32 v17, $0x18  }
0x2cf: {  	v14 =	vsel vm3, v15, v14;
	v15 =	vsel vm1, v18, v16;
	v16 =	vxor.u32 $0x7F, v17;
	[tilespmem:v9+s16+$0x0] =	vst.idx.add.s32.msk $0xffff, v3  }
0x2d0: {  	v9 =	vand.u32 $0xFF, v14;
	v14 =	vand.u32 $0xFF, v15;
	v15 =	vsel vm4, v16, v17;
	[tilespmem:v7+s16+$0x0] =	vst.idx.add.s32.msk $0xffff, v3  }
0x2d1: {  	v7 =	vxor.u32 $0x80, v9;
	v9 =	vxor.u32 $0x80, v14;
	v14 =	vand.u32 $0xFF, v15;
	v17 =	vld [tilespmem:s30+$0xFFFFFFF0]  }
.Ltmp4:
0x2d2: {  	v16 =	vadd.s32 v4, v7;
	v15 =	vadd.s32 v4, v9;
	v7 =	vxor.u32 $0x80, v14;
	[tilespmem:v8+s16+$0x0] =	vst.idx.add.s32.msk $0xffff, v3;
	(pc) =	sbr.rel @p0 .LBB2_11-.Ltmp4, $4  }
0x2d3: {  	v8 =	vsel vm0, v12, v10;
	v14 =	vadd.s32 v4, v7;
	[tilespmem:v19+s16+$0x0] =	vst.idx.add.s32.msk $0xffff, v3;
	v7 =	vand.u32 $0xFF, v20  }
0x2d4: {  	v11 =	vsel vm2, v13, v11;
	v9 =	vand.u32 $0xFF, v8;
	v10 =	vld [tilespmem:s28+$0xFFFFFF40];
	v7 =	vxor.u32 $0x80, v7  }
0x2d5: {  	v11 =	vand.u32 $0xFF, v11;
	v9 =	vxor.u32 $0x80, v9;
	v13 =	vld [tilespmem:s28+$0xFFFFFF80];
	v8 =	vadd.s32 v6, v7  }
0x2d6: {  	v11 =	vxor.u32 $0x80, v11;
	v9 =	vadd.s32 v6, v9;
	v12 =	vshra.s32 v17, $0x18;
	v7 =	vld [tilespmem:s28+$0xFFFFFFC0];
	s28 =	smov.u32 s30;
	s30 =	sadd.s32 $0x100, s30  }
0x2d7: {  	_ =	sdelay $0x3  }
0x2d8: {  	[tilespmem:v16+s16+$0x0] =	vst.idx.add.s32.msk $0xffff, v3  }
0x2d9: {  	[tilespmem:v15+s16+$0x0] =	vst.idx.add.s32.msk $0xffff, v3  }
0x2da: {  	[tilespmem:v14+s16+$0x0] =	vst.idx.add.s32.msk $0xffff, v3  }
0x2db: {  	v36 =	vld [tilespmem:s28+$0xFFFFFF30]  }
0x2dc: {  	v38 =	vld [tilespmem:s28+$0xFFFFFF70]  }
0x2dd: {  	vm0 =	vlt.s32 v17, $0x0;
	v37 =	vxor.u32 $0x7F, v12;
	v39 =	vld [tilespmem:s28+$0xFFFFFFB0]  }
0x2de: {  	v12 =	vsel vm0, v37, v12  }
0x2df: {  	v12 =	vand.u32 $0xFF, v12  }
0x2e0: {  	v12 =	vxor.u32 $0x80, v12  }
0x2e1: {  	v12 =	vadd.s32 v5, v12  }
0x2e2: {  	v40 =	vshra.s32 v36, $0x18;
	v18 =	vshra.s32 v38, $0x18;
	v19 =	vshra.s32 v39, $0x18  }
0x2e3: {  	vm8 =	vlt.s32 v36, $0x0;
	vm1 =	vlt.s32 v38, $0x0;
	v20 =	vxor.u32 $0x7F, v40  }
0x2e4: {  	vm9 =	vlt.s32 v39, $0x0;
	v21 =	vxor.u32 $0x7F, v18;
	v42 =	vsel vm8, v20, v40  }
0x2e5: {  	v41 =	vxor.u32 $0x7F, v19;
	v43 =	vsel vm1, v21, v18;
	v44 =	vand.u32 $0xFF, v42  }
0x2e6: {  	v14 =	vsel vm9, v41, v19;
	[tilespmem:v12+s16+$0x0] =	vst.idx.add.s32.msk $0xffff, v3;
	v12 =	vand.u32 $0xFF, v43;
	v15 =	vxor.u32 $0x80, v44  }
0x2e7: {  	v14 =	vand.u32 $0xFF, v14;
	v12 =	vxor.u32 $0x80, v12;
	v15 =	vadd.s32 v5, v15  }
0x2e8: {  	v14 =	vxor.u32 $0x80, v14;
	v12 =	vadd.s32 v5, v12  }
0x2e9: {  	v14 =	vadd.s32 v5, v14  }
0x2ea: {  	v45 =	vld [tilespmem:s28+$0x0]  }
0x2eb: {  	v11 =	vadd.s32 v6, v11;
	v48 =	vshra.s32 v10, $0x18  }
0x2ec: {  	vm10 =	vlt.s32 v10, $0x0;
	v49 =	vshra.s32 v13, $0x18;
	v50 =	vxor.u32 $0x7F, v48;
	[tilespmem:v15+s16+$0x0] =	vst.idx.add.s32.msk $0xffff, v3  }
0x2ed: {  	vm12 =	vlt.s32 v13, $0x0;
	v51 =	vxor.u32 $0x7F, v49;
	v52 =	vshra.s32 v7, $0x18;
	[tilespmem:v12+s16+$0x0] =	vst.idx.add.s32.msk $0xffff, v3  }
0x2ee: {  	vm2 =	vlt.s32 v7, $0x0;
	v10 =	vsel vm10, v50, v48;
	v55 =	vxor.u32 $0x7F, v52;
	[tilespmem:v14+s16+$0x0] =	vst.idx.add.s32.msk $0xffff, v3  }
0x2ef: {  	v56 =	vsel vm12, v51, v49;
	v10 =	vand.u32 $0xFF, v10;
	v46 =	vshra.s32 v45, $0x18;
	v54 =	vld [tilespmem:s28+$0xFFFFFF40]  }
0x2f0: {  	v10 =	vxor.u32 $0x80, v10;
	vm11 =	vlt.s32 v45, $0x0;
	v47 =	vxor.u32 $0x7F, v46;
	v7 =	vld [tilespmem:s28+$0xFFFFFF80]  }
0x2f1: {  	v10 =	vadd.s32 v6, v10;
	v14 =	vsel vm2, v55, v52;
	v16 =	vsel vm11, v47, v46;
	v57 =	vld [tilespmem:s28+$0xFFFFFFC0]  }
0x2f2: {  	v12 =	vand.u32 $0xFF, v56;
	v14 =	vand.u32 $0xFF, v14;
	v16 =	vand.u32 $0xFF, v16  }
0x2f3: {  	v12 =	vxor.u32 $0x80, v12;
	v14 =	vxor.u32 $0x80, v14;
	v53 =	vxor.u32 $0x80, v16  }
0x2f4: {  	v12 =	vadd.s32 v6, v12;
	v14 =	vadd.s32 v6, v14;
	v13 =	vadd.s32 v6, v53  }
0x2f5: {  	vm13 =	vlt.s32 v54, $0x0;
	v16 =	vshra.s32 v54, $0x18;
	v58 =	vshra.s32 v7, $0x18  }
0x2f6: {  	v61 =	vshra.s32 v57, $0x18;
	vm14 =	vlt.s32 v7, $0x0;
	v59 =	vxor.u32 $0x7F, v16  }
0x2f7: {  	vm15 =	vlt.s32 v57, $0x0;
	v60 =	vxor.u32 $0x7F, v58;
	v16 =	vsel vm13, v59, v16  }
0x2f8: {  	[tilespmem:v8+s16+$0x0] =	vst.idx.add.s32.msk $0xffff, v3;
	v7 =	vxor.u32 $0x7F, v61;
	v62 =	vsel vm14, v60, v58;
	v8 =	vand.u32 $0xFF, v16  }
0x2f9: {  	[tilespmem:v9+s16+$0x0] =	vst.idx.add.s32.msk $0xffff, v3;
	v7 =	vsel vm15, v7, v61;
	v63 =	vand.u32 $0xFF, v62;
	v8 =	vxor.u32 $0x80, v8  }
0x2fa: {  	[tilespmem:v11+s16+$0x0] =	vst.idx.add.s32.msk $0xffff, v3;
	v7 =	vand.u32 $0xFF, v7;
	v9 =	vxor.u32 $0x80, v63;
	v8 =	vadd.s32 v6, v8  }
0x2fb: {  	[tilespmem:v10+s16+$0x0] =	vst.idx.add.s32.msk $0xffff, v3;
	v7 =	vxor.u32 $0x80, v7;
	v9 =	vadd.s32 v6, v9  }
0x2fc: {  	[tilespmem:v12+s16+$0x0] =	vst.idx.add.s32.msk $0xffff, v3;
	v7 =	vadd.s32 v6, v7  }
0x2fd: {  	[tilespmem:v14+s16+$0x0] =	vst.idx.add.s32.msk $0xffff, v3  }
0x2fe: {  	[tilespmem:v13+s16+$0x0] =	vst.idx.add.s32.msk $0xffff, v3  }
0x2ff: {  	[tilespmem:v8+s16+$0x0] =	vst.idx.add.s32.msk $0xffff, v3  }
0x300: {  	s0 =	simm.s32 $0x12110;
	s9 =	simm.s32 $0xFFFFFFFF;
	[tilespmem:v9+s16+$0x0] =	vst.idx.add.s32.msk $0xffff, v3  }
0x301: {  	p0 =	por $0x0, $0x0;
	s8 =	simm.s32 $0x0;
	s2 =	simm.s32 $0x0;
	[tilespmem:v7+s16+$0x0] =	vst.idx.add.s32.msk $0xffff, v3  }
.LBB2_13:
0x302: {  	v7 =	vld [tilespmem:s0+$0xFFFFDFE0]  }
0x303: {  	v8 =	vld [tilespmem:s0+$0xFFFFEFF0]  }
0x304: {  	v9 =	vld [tilespmem:s0+$0x0]  }
0x305: {  	v10 =	vld [tilespmem:s0+$0x1010]  }
0x306: {  	v11 =	vimm.s32 $0x0;
	v12 =	vld [tilespmem:s0+$0xFFFFE0E1]  }
0x307: {  	v7 =	vadd.s32 v11, v7;
	v11 =	vld [tilespmem:s0+$0xFFFFF0F1]  }
0x308: {  	v7 =	vadd.s32 v8, v7;
	v8 =	vld [tilespmem:s0+$0x101]  }
0x309: {  	v7 =	vadd.s32 v9, v7;
	v9 =	vld [tilespmem:s0+$0x1111]  }
0x30a: {  	v7 =	vadd.s32 v10, v7;
	v10 =	vld [tilespmem:s0+$0xFFFFE1E2]  }
0x30b: {  	v7 =	vadd.s32 v12, v7;
	v12 =	vld [tilespmem:s0+$0xFFFFF1F2]  }
0x30c: {  	v7 =	vadd.s32 v11, v7;
	v11 =	vld [tilespmem:s0+$0x202]  }
0x30d: {  	v8 =	vadd.s32 v8, v7;
	v7 =	vld [tilespmem:s0+$0x1212]  }
0x30e: {  	v9 =	vadd.s32 v9, v8;
	v8 =	vld [tilespmem:s0+$0xFFFFE2E3]  }
0x30f: {  	v10 =	vadd.s32 v10, v9;
	v9 =	vld [tilespmem:s0+$0xFFFFF2F3]  }
0x310: {  	v12 =	vadd.s32 v12, v10;
	v10 =	vld [tilespmem:s0+$0x303]  }
0x311: {  	s12 =	sshll.u32 s2, $0x4;
	s3 =	simm.s32 $0x0;
	s13 =	sadd.s32 $0x404, s0;
	v12 =	vadd.s32 v11, v12;
	v11 =	vld [tilespmem:s0+$0x1313]  }
.LBB2_14:
0x312: {  	v13 =	vld [tilespmem:s13+$0xFFFFDFE0];
	s3 =	sadd.s32 $0x4, s3;
	v7 =	vadd.s32 v7, v12  }
0x313: {  	v12 =	vld [tilespmem:s13+$0xFFFFEFF0];
	p1 =	slt.u32 s3, $0xC;
	v7 =	vadd.s32 v8, v7  }
0x314: {  	v8 =	vld [tilespmem:s13+$0x0];
	v7 =	vadd.s32 v9, v7  }
0x315: {  	v9 =	vld [tilespmem:s13+$0x1010];
	v7 =	vadd.s32 v10, v7  }
0x316: {  	v10 =	vld [tilespmem:s13+$0xFFFFE0E1];
	v7 =	vadd.s32 v11, v7  }
0x317: {  	v7 =	vadd.s32 v7, v13;
	v11 =	vld [tilespmem:s13+$0xFFFFF0F1]  }
0x318: {  	v7 =	vadd.s32 v12, v7;
	v12 =	vld [tilespmem:s13+$0x101]  }
0x319: {  	v7 =	vadd.s32 v8, v7;
	v8 =	vld [tilespmem:s13+$0x1111]  }
0x31a: {  	v7 =	vadd.s32 v9, v7;
	v9 =	vld [tilespmem:s13+$0xFFFFE1E2]  }
0x31b: {  	v7 =	vadd.s32 v10, v7;
	v10 =	vld [tilespmem:s13+$0xFFFFF1F2]  }
0x31c: {  	v7 =	vadd.s32 v11, v7;
	v11 =	vld [tilespmem:s13+$0x202]  }
.Ltmp5:
0x31d: {  	v12 =	vadd.s32 v12, v7;
	v7 =	vld [tilespmem:s13+$0x1212];
	(pc) =	sbr.rel @p1 .LBB2_14-.Ltmp5, $4  }
0x31e: {  	v12 =	vadd.s32 v8, v12;
	v8 =	vld [tilespmem:s13+$0xFFFFE2E3]  }
0x31f: {  	v12 =	vadd.s32 v9, v12;
	v9 =	vld [tilespmem:s13+$0xFFFFF2F3]  }
0x320: {  	v12 =	vadd.s32 v10, v12;
	v10 =	vld [tilespmem:s13+$0x303]  }
0x321: {  	v12 =	vadd.s32 v11, v12;
	v11 =	vld [tilespmem:s13+$0x1313];
	s13 =	sadd.s32 $0x404, s13  }
0x322: {  	v7 =	vadd.s32 v7, v12  }
0x323: {  	v7 =	vadd.s32 v8, v7  }
0x324: {  	v8 =	vmul.u32 $0xFFFFFFFF, v0;
	v7 =	vadd.s32 v9, v7  }
0x325: {  	v7 =	vadd.s32 v10, v7  }
0x326: {  	v62 =	vadd.s32 v11, v7;
	v7 =	vadd.s32 $0xF, v8  }
0x327: {  	v8 =	vperm.xlane v62, v7;
	_ =	sdelay $0x1  }
0x328: {  	(xrf0) =	vadd.scan.msk.s32 $0xffff, v8;
	_ =	sdelay $0x5  }
0x329: {  	v8, _, _ =	vpop (xrf0)  }
0x32a: {  	v8 =	vperm.xlane v8, v7  }
0x32b: {  	s3 =	ssub.s32 $0x40, s8  }
0x32c: {  	vm0 =	vge.s32 v8, s3  }
0x32d: {  	v63 =	vsel vm0, $0x1, v2  }
0x32e: {  	(xrf0) =	vadd.scan.msk.s32 $0xffff, v63;
	_ =	sdelay $0x2  }
0x32f: {  	v8 =	vxor.u32 $0x80000000, v8;
	_ =	sdelay $0x2  }
0x330: {  	(xrf0) =	vmax.scan.msk.u32 $0xffff, v8;
	v8, _, _ =	vpop (xrf0)  }
0x331: {  	(v2sf) =	vpush v8, $0xF;
	_ =	sdelay $0x4  }
0x332: {  	v8, _, _ =	vpop (xrf0)  }
0x333: {  	(v2sf) =	vpush v8, $0xF;
	_ =	sdelay $0x8  }
0x334: {  	s29 =	spop (v2sf)  }
0x335: {  	s12 =	ssub.s32 s29, s12  }
0x336: {  	s2 =	sadd.s32 $0x1, s2;
	p2 =	slt.s32 s29, $0x1;
	s3 =	sadd.s32 $0xEF, s12  }
0x337: {  	s3 =	smov.u32 @p2 s9;
	p2 =	sne.s32 s2, $0x10  }
.Ltmp6:
0x338: {  	_ = 	snop;
	(pc) =	sbr.rel @p2 .LBB2_13-.Ltmp6, $4  }
0x339: {  	_ = 	snop  }
0x33a: {  	s0 =	sadd.s32 $0xFFFFFFF0, s0;
	s30 =	spop (v2sf)  }
0x33b: {  	p1 =	sgt.s32 s29, $0x0;
	s31 =	sadd.s32 s30, s8;
	s3 =	smov.u32 @p0 s9  }
0x33c: {  	s8 =	sadd.s32 $0x80000000, s31;
	p0 =	por p0, p1;
	s9 =	smov.u32 s3  }
0x33d: {  	s0 =	simm.s32 $0x40  }
0x33e: {  	v9 =	vld [tilespmem:s0+$0xFFFFFFC0]  }
0x33f: {  	v10 =	vld [tilespmem:s0+$0x30]  }
0x340: {  	v12 =	vld [tilespmem:s0+$0x20]  }
0x341: {  	v13 =	vld [tilespmem:s0+$0x10]  }
0x342: {  	s2 =	sshll.u32 s3, $0x18;
	v11 =	vld [tilespmem:s0+$0x0]  }
0x343: {  	s28 =	sxor.u32 $0x80000000, s2;
	v15 =	vld [tilespmem:s0+$0xFFFFFFE0]  }
0x344: {  	v16 =	vimm.s32 $0x0;
	v8 =	vmov s28  }
0x345: {  	vm0 =	vlt.s32 v9, $0x0;
	v14 =	vxor.u32 $0x7FFFFFFF, v9;
	vm7 =	vlt.s32 v10, $0x0  }
0x346: {  	v18 =	vxor.u32 $0x7FFFFFFF, v10;
	v19 =	vxor.u32 $0x7FFFFFFF, v12;
	v21 =	vxor.u32 $0x7FFFFFFF, v13  }
0x347: {  	v17 =	vld [tilespmem:s0+$0xFFFFFFF0];
	vm2 =	vlt.s32 v12, $0x0;
	vm4 =	vlt.s32 v13, $0x0;
	v9 =	vsel vm0, v14, v9  }
0x348: {  	v14 =	vld [tilespmem:s0+$0xFFFFFFD0];
	vm0 =	vlt.s32 v11, $0x0;
	v12 =	vsel vm2, v19, v12;
	v19 =	vxor.u32 $0x7FFFFFFF, v15  }
0x349: {  	v13 =	vsel vm4, v21, v13;
	vm1 =	vge.s32 v9, v8;
	v9 =	vxor.u32 $0x7FFFFFFF, v11  }
0x34a: {  	vm5 =	vge.s32 v13, v8;
	vm2 =	vge.s32 v12, v8;
	v9 =	vsel vm0, v9, v11  }
0x34b: {  	v20 =	vmpcnt.ones.xlane vm1;
	vm0 =	vlt.s32 v15, $0x0;
	vm3 =	vge.s32 v9, v8  }
0x34c: {  	v11 =	vxor.u32 $0x7FFFFFFF, v17;
	v15 =	vsel vm0, v19, v15;
	v19 =	vsel vm3, $0x1, v2  }
0x34d: {  	v61 =	vsel vm1, $0x1, v2;
	vm6 =	vlt.s32 v14, $0x0;
	(xrf0) =	vadd.scan.msk.s32 $0xffff, v19;
	v19 =	vxor.u32 $0x7FFFFFFF, v14  }
0x34e: {  	v13 =	vsel vm5, $0x1, v2;
	vm0 =	vlt.s32 v17, $0x0;
	(xrf0) =	vadd.scan.msk.s32 $0xffff, v61;
	v12 =	vsel vm6, v19, v14  }
0x34f: {  	v11 =	vsel vm0, v11, v17;
	vm4 =	vge.s32 v15, v8;
	vm6 =	vge.s32 v12, v8  }
0x350: {  	vm0 =	vge.s32 v11, v8;
	v11 =	vsel vm2, $0x1, v2;
	(xrf0) =	vadd.scan.msk.s32 $0xffff, v13;
	v13 =	vmpcnt.ones.xlane vm6  }
0x351: {  	v9 =	vadd.s32 v16, v20;
	v17 =	vmpcnt.ones.xlane vm4;
	v12 =	vsel vm0, $0x1, v2;
	(xrf0) =	vadd.scan.msk.s32 $0xffff, v11  }
0x352: {  	v19 =	vmpcnt.ones.xlane vm0;
	v11 =	vsel vm6, $0x1, v2;
	(xrf0) =	vadd.scan.msk.s32 $0xffff, v12;
	v12 =	vadd.s32 v9, v13  }
0x353: {  	v15 =	vsel vm4, $0x1, v2;
	v14 =	vmpcnt.ones.xlane vm3;
	(xrf0) =	vadd.scan.msk.s32 $0xffff, v11;
	v20, _, _ =	vpop (xrf0);
	v17 =	vadd.s32 v12, v17  }
0x354: {  	v10 =	vsel vm7, v18, v10;
	(xrf0) =	vadd.scan.msk.s32 $0xffff, v15;
	v13, _, _ =	vpop (xrf0);
	v18 =	vadd.s32 v17, v19  }
0x355: {  	v13 =	vadd.s32 v13, v16;
	v14 =	vadd.s32 v18, v14  }
0x356: {  	s31 =	simm.s32 $0x0;
	vm7 =	vge.s32 v10, v8;
	v62 =	vmpcnt.ones.xlane vm5;
	v22, _, _ =	vpop (xrf0);
	v13 =	vadd.s32 $0xFFFFFFFF, v13  }
0x357: {  	v63 =	vsel vm7, $0x1, v2;
	v11 =	vor.u32 s31, v0;
	v19 =	vmpcnt.ones.xlane vm2;
	v10, _, _ =	vpop (xrf0)  }
0x358: {  	s29 =	simm.s32 $0x70;
	s30 =	simm.s32 $0x60;
	s8 =	simm.s32 $0xF0;
	v16 =	vadd.s32 v20, v18;
	v18 =	vadd.s32 v22, v14;
	v20 =	vadd.s32 v14, v62;
	v14, _, _ =	vpop (xrf0)  }
0x359: {  	s9 =	simm.s32 $0xC0;
	s2 =	simm.s32 $0x0;
	s0 =	simm.s32 $0x30;
	(xrf0) =	vadd.scan.msk.s32 $0xffff, v63;
	v15 =	vadd.s32 v14, v17;
	v14 =	vadd.s32 v10, v20;
	v10 =	vadd.s32 v20, v19;
	v17, _, _ =	vpop (xrf0)  }
.LBB2_17:
0x35a: {  	v19 =	vld [tilespmem:s9+$0xFFFFFFC0];
	s3 =	sadd.s32 $0xFFFFFFC0, s8;
	s12 =	sadd.s32 $0xFFFFFFF0, s8;
	s2 =	sadd.s32 $0x8, s2;
	v16 =	vadd.s32 $0xFFFFFFFF, v16;
	v18 =	vadd.s32 $0xFFFFFFFF, v18;
	v20 =	vor.u32 s29, v0;
	v21, _, _ =	vpop (xrf0)  }
0x35b: {  	s13 =	sadd.s32 $0xFFFFFFA0, s29;
	v22 =	vld [tilespmem:s9+$0x30];
	p0 =	slt.u32 s2, $0x7F8;
	[tilespmem:v13+s20+$0x0] =	vst.idx.msk vm1, v11;
	v11 =	vadd.s32 v21, v12;
	v12 =	vor.u32 s0, v0;
	s0 =	sadd.s32 $0xFFFFFFD0, s29;
	v13 =	vor.u32 s30, v0  }
0x35c: {  	s14 =	sadd.s32 $0xFFFFFFE0, s29;
	v23 =	vor.u32 s13, v0;
	s13 =	sadd.s32 $0xFFFFFFB0, s29;
	v21 =	vld [tilespmem:s9+$0x0];
	v11 =	vadd.s32 $0xFFFFFFFF, v11;
	v24 =	vor.u32 s0, v0;
	s0 =	smov.u32 s3  }
0x35d: {  	v9 =	vadd.s32 v17, v9;
	v26 =	vor.u32 s14, v0;
	s30 =	smov.u32 s12;
	s29 =	smov.u32 s8;
	v17 =	vor.u32 s13, v0;
	v25 =	vld [tilespmem:s9+$0x20]  }
0x35e: {  	v15 =	vadd.s32 $0xFFFFFFFF, v15;
	v28 =	vmpcnt.ones.xlane vm7;
	v9 =	vadd.s32 $0xFFFFFFFF, v9;
	v27 =	vld [tilespmem:s9+$0x10]  }
0x35f: {  	v14 =	vadd.s32 $0xFFFFFFFF, v14;
	vm1 =	vlt.s32 v19, $0x0;
	v29 =	vxor.u32 $0x7FFFFFFF, v19;
	v30 =	vld [tilespmem:s9+$0xFFFFFFF0];
	[tilespmem:v16+s20+$0x0] =	vst.idx.msk vm3, v24;
	v16, _, _ =	vpop (xrf0)  }
0x360: {  	v19 =	vsel vm1, v29, v19;
	v24 =	vld [tilespmem:s9+$0xFFFFFFE0];
	vm8 =	vlt.s32 v22, $0x0;
	[tilespmem:v18+s20+$0x0] =	vst.idx.msk vm5, v26;
	v16 =	vadd.s32 v16, v10  }
0x361: {  	vm1 =	vge.s32 v19, v8;
	v18 =	vld [tilespmem:s9+$0xFFFFFFD0];
	v19 =	vxor.u32 $0x7FFFFFFF, v22;
	[tilespmem:v11+s20+$0x0] =	vst.idx.msk vm4, v17;
	v11 =	vadd.s32 $0xFFFFFFFF, v16  }
0x362: {  	vm3 =	vlt.s32 v21, $0x0;
	v16 =	vxor.u32 $0x7FFFFFFF, v21;
	v17 =	vxor.u32 $0x7FFFFFFF, v25  }
0x363: {  	v26 =	vmpcnt.ones.xlane vm1;
	vm4 =	vlt.s32 v25, $0x0;
	v29 =	vxor.u32 $0x7FFFFFFF, v27;
	[tilespmem:v9+s20+$0x0] =	vst.idx.msk vm6, v23  }
0x364: {  	v10 =	vadd.s32 v10, v28;
	vm5 =	vlt.s32 v27, $0x0;
	v17 =	vsel vm4, v17, v25;
	[tilespmem:v14+s20+$0x0] =	vst.idx.msk vm2, v13  }
0x365: {  	v13 =	vxor.u32 $0x7FFFFFFF, v30;
	v14 =	vsel vm3, v16, v21;
	v9 =	vxor.u32 $0x7FFFFFFF, v24;
	[tilespmem:v15+s20+$0x0] =	vst.idx.msk vm0, v12  }
0x366: {  	vm2 =	vlt.s32 v24, $0x0;
	vm3 =	vge.s32 v14, v8;
	vm0 =	vlt.s32 v18, $0x0;
	[tilespmem:v11+s20+$0x0] =	vst.idx.msk vm7, v20  }
0x367: {  	v14 =	vsel vm5, v29, v27;
	v11 =	vsel vm2, v9, v24;
	v12 =	vsel vm3, $0x1, v2  }
0x368: {  	v15 =	vsel vm1, $0x1, v2;
	v9 =	vadd.s32 v10, v26;
	vm4 =	vge.s32 v11, v8;
	(xrf0) =	vadd.scan.msk.s32 $0xffff, v12  }
0x369: {  	vm2 =	vlt.s32 v30, $0x0;
	vm5 =	vge.s32 v14, v8;
	v11 =	vxor.u32 $0x7FFFFFFF, v18;
	(xrf0) =	vadd.scan.msk.s32 $0xffff, v15  }
0x36a: {  	v12 =	vsel vm2, v13, v30;
	v13 =	vsel vm5, $0x1, v2;
	vm2 =	vge.s32 v17, v8  }
0x36b: {  	v11 =	vsel vm0, v11, v18;
	vm0 =	vge.s32 v12, v8;
	v12 =	vsel vm2, $0x1, v2;
	(xrf0) =	vadd.scan.msk.s32 $0xffff, v13  }
0x36c: {  	v14 =	vmpcnt.ones.xlane vm3;
	vm6 =	vge.s32 v11, v8;
	v11 =	vsel vm0, $0x1, v2;
	(xrf0) =	vadd.scan.msk.s32 $0xffff, v12  }
0x36d: {  	v15 =	vsel vm4, $0x1, v2;
	v20 =	vmpcnt.ones.xlane vm6;
	v12 =	vsel vm6, $0x1, v2;
	(xrf0) =	vadd.scan.msk.s32 $0xffff, v11  }
0x36e: {  	s3 =	sadd.s32 $0xFFFFFF90, s8;
	v16 =	vmpcnt.ones.xlane vm4;
	v18 =	vsel vm8, v19, v22;
	v17 =	vmpcnt.ones.xlane vm0;
	(xrf0) =	vadd.scan.msk.s32 $0xffff, v12;
	v19, _, _ =	vpop (xrf0)  }
0x36f: {  	v11 =	vor.u32 s3, v0;
	v12 =	vadd.s32 v9, v20;
	v13, _, _ =	vpop (xrf0);
	(xrf0) =	vadd.scan.msk.s32 $0xffff, v15  }
.Ltmp7:
0x370: {  	v22 =	vmpcnt.ones.xlane vm5;
	v15 =	vadd.s32 v12, v16;
	v10 =	vadd.s32 v13, v10;
	(pc) =	sbr.rel @p0 .LBB2_17-.Ltmp7, $4  }
0x371: {  	v23 =	vmpcnt.ones.xlane vm2;
	v13 =	vadd.s32 $0xFFFFFFFF, v10;
	v10 =	vadd.s32 v15, v17;
	v21, _, _ =	vpop (xrf0)  }
0x372: {  	vm7 =	vge.s32 v18, v8;
	v16 =	vadd.s32 v19, v10;
	v10 =	vadd.s32 v10, v14;
	v14, _, _ =	vpop (xrf0)  }
0x373: {  	v19 =	vsel vm7, $0x1, v2;
	v18 =	vadd.s32 v21, v10;
	v10 =	vadd.s32 v10, v22;
	v20, _, _ =	vpop (xrf0)  }
0x374: {  	s8 =	sadd.s32 $0x80, s8;
	s9 =	sadd.s32 $0x80, s9;
	v15 =	vadd.s32 v20, v15;
	v14 =	vadd.s32 v14, v10;
	v10 =	vadd.s32 v10, v23;
	v17, _, _ =	vpop (xrf0);
	(xrf0) =	vadd.scan.msk.s32 $0xffff, v19  }
0x375: {  	v8 =	vmpcnt.ones.xlane vm7;
	_ =	sdelay $0x1  }
0x376: {  	v8 =	vadd.s32 v10, v8  }
0x377: {  	v8 =	vxor.u32 $0x80000000, v8  }
0x378: {  	(xrf0) =	vmax.scan.msk.u32 $0xffff, v8;
	_ =	sdelay $0x3  }
0x379: {  	v8, _, _ =	vpop (xrf0)  }
0x37a: {  	v19, _, _ =	vpop (xrf0)  }
0x37b: {  	v20, _, _ =	vpop (xrf0)  }
0x37c: {  	(v2sf) =	vpush v20, $0xF;
	_ =	sdelay $0x4  }
0x37d: {  	v16 =	vadd.s32 $0xFFFFFFFF, v16  }
0x37e: {  	v18 =	vadd.s32 $0xFFFFFFFF, v18  }
0x37f: {  	v9 =	vadd.s32 v17, v9;
	v59 =	vadd.s32 $0xFFFFFFFF, v15  }
0x380: {  	s2 =	sadd.s32 $0xFFFFFFD0, s29;
	v9 =	vadd.s32 $0xFFFFFFFF, v9;
	v8 =	vadd.s32 v8, v12  }
0x381: {  	[tilespmem:v13+s20+$0x0] =	vst.idx.msk vm1, v11;
	s24 =	sadd.s32 $0xFFFFFFE0, s29;
	v56 =	vor.u32 s2, v0;
	v8 =	vadd.s32 $0xFFFFFFFF, v8  }
0x382: {  	v57 =	vadd.s32 $0xFFFFFFFF, v14;
	v58 =	vor.u32 s24, v0;
	[tilespmem:v16+s20+$0x0] =	vst.idx.msk vm3, v56;
	v60 =	vadd.s32 v19, v10  }
0x383: {  	s31 =	sadd.s32 $0xFFFFFFA0, s29;
	v63 =	vor.u32 s0, v0;
	[tilespmem:v18+s20+$0x0] =	vst.idx.msk vm5, v58;
	v10 =	vadd.s32 $0xFFFFFFFF, v60  }
.Ltmp8:
0x384: {  	s25 =	sadd.s32 $0xFFFFFFB0, s29;
	v62 =	vor.u32 s31, v0;
	[tilespmem:v59+s20+$0x0] =	vst.idx.msk vm0, v63;
	(pc) =	sbr.rel .LBB2_19-.Ltmp8, $4  }
0x385: {  	v61 =	vor.u32 s25, v0;
	[tilespmem:v9+s20+$0x0] =	vst.idx.msk vm6, v62  }
0x386: {  	[tilespmem:v8+s20+$0x0] =	vst.idx.msk vm4, v61;
	v8 =	vor.u32 s30, v0  }
0x387: {  	[tilespmem:v57+s20+$0x0] =	vst.idx.msk vm2, v8;
	v8 =	vor.u32 s29, v0;
	s3 =	spop (v2sf)  }
0x388: {  	s29 =	simm.s32 $0x0;
	[tilespmem:v10+s20+$0x0] =	vst.idx.msk vm7, v8;
	s0 =	sxor.u32 $0x80000000, s3  }
.LBB2_27:
0x389: {  	v8 =	vimm.s32 $0x80000000  }
.LBB2_31:
0x38a: {  	(xrf0) =	vmax.scan.msk.u32 $0xffff, v8;
	_ =	sdelay $0x5  }
0x38b: {  	v8, _, _ =	vpop (xrf0)  }
0x38c: {  	(v2sf) =	vpush v8, $0xF;
	_ =	sdelay $0x9  }
0x38d: {  	s29 =	sadd.s32 $0x1, s29  }
0x38e: {  	p0 =	sne.s32 s29, $0x3  }
.Ltmp9:
0x38f: {  	_ = 	snop;
	(pc) =	sbr.rel @!p0 .LBB2_32-.Ltmp9, $3  }
0x390: {  	_ =	sdelay $0x1  }
0x391: {  	s3 =	spop (v2sf)  }
0x392: {  	s0 =	sxor.u32 $0x80000000, s3  }
.LBB2_19:
0x393: {  	s2 =	simm.s32 $0x10020  }
0x394: {  	[tilespmem:s2+$0xFFFFFFE0] =	vst v2  }
0x395: {  	[tilespmem:s2+$0x10] =	vst v2  }
0x396: {  	s8 =	simm.s32 $0x0;
	[tilespmem:s2+$0x0] =	vst v2  }
.LBB2_20:
0x397: {  	s8 =	sadd.s32 $0x4, s8  }
0x398: {  	[tilespmem:s2+$0xFFFFFFF0] =	vst v2;
	s2 =	sadd.s32 $0x40, s2;
	p0 =	slt.u32 s8, $0xFC  }
.Ltmp10:
0x399: {  	[tilespmem:s2+$0xFFFFFFE0] =	vst v2;
	(pc) =	sbr.rel @p0 .LBB2_20-.Ltmp10, $3  }
0x39a: {  	_ =	sdelay $0x1  }
0x39b: {  	[tilespmem:s2+$0x10] =	vst v2  }
0x39c: {  	[tilespmem:s2+$0x0] =	vst v2  }
0x39d: {  	s3 =	sadd.s32 $0x8000000F, s3  }
0x39e: {  	s8 =	sand.u32 $0xF, s3  }
0x39f: {  	s9 =	sshra.s32 s3, $0x1F;
	p0 =	slt.s32 s3, $0x1;
	p1 =	sne.s32 s8, $0x0  }
0x3a0: {  	s25 =	sshrl.u32 s9, $0x1C;
	p0 =	por !p0, !p1  }
0x3a1: {  	s8 =	simm.s32 $0x1;
	s3 =	sadd.s32 s25, s3;
	p0 =	por !p0, !p0  }
0x3a2: {  	s3 =	sshra.s32 s3, $0x4;
	s8 =	simm.s32 @!p0 $0x0  }
0x3a3: {  	s30 =	ssub.s32 s3, s8  }
0x3a4: {  	p0 =	slt.s32 s30, $0x1  }
.Ltmp11:
0x3a5: {  	_ = 	snop;
	(pc) =	sbr.rel @p0 .LBB2_24-.Ltmp11, $3  }
0x3a6: {  	_ =	sdelay $0x1  }
0x3a7: {  	[tilespmem:s2+$0xFFFFFFF0] =	vst v2;
	s2 =	sshll.u32 s29, $0x3  }
0x3a8: {  	v8 =	vmov s0;
	s31 =	ssub.s32 $0x10, s2;
	[tilespmem:$0x11000] =	vst v2  }
0x3a9: {  	s0 =	sshrl.u32 s21, s2  }
0x3aa: {  	s0 =	sor.u32 s28, s0  }
0x3ab: {  	v10 =	vmov s31;
	s2 =	simm.s32 $0x0;
	s3 =	smov.u32 s30;
	v9 =	vmov s0;
	s0 =	simm.s32 $0x8000  }
.LBB2_23:
0x3ac: {  	v11 =	vld [tilespmem:s0+$0x0]  }
0x3ad: {  	v12 =	vor.u32 s2, v0  }
0x3ae: {  	vm0 =	vlt.s32 v12, v8;
	_ =	sdelay $0x5  }
0x3af: {  	v11 =	vld.idx.msk [tilespmem:v11+s1+$0x0], vm0;
	_ =	sdelay $0x4  }
0x3b0: {  	vm1 =	vlt.s32 v11, $0x0;
	v62 =	vxor.u32 $0x7FFFFFFF, v11  }
0x3b1: {  	v11 =	vsel vm1, v62, v11  }
0x3b2: {  	v12 =	vshra.s32 v11, v10  }
0x3b3: {  	v12 =	vand.u32 $0xFF, v12  }
0x3b4: {  	v63 =	vadd.s32 $0xFF, v1;
	vm1 =	vgt.s32 v11, v9;
	v11 =	vadd.s32 v1, v12  }
0x3b5: {  	p1 =	sne.s32 s3, $0x1;
	v11 =	vsel vm1, v63, v11  }
.Ltmp12:
0x3b6: {  	_ = 	snop;
	(pc) =	sbr.rel @p1 .LBB2_23-.Ltmp12, $2  }
0x3b7: {  	_ =	sdelay $0x2  }
0x3b8: {  	s0 =	sadd.s32 $0x10, s0;
	s2 =	sadd.s32 $0x10, s2;
	s3 =	sadd.s32 $0xFFFFFFFF, s3;
	[tilespmem:v11+s16+$0x0] =	vst.idx.add.s32.msk vm0, v3  }
.LBB2_24:
0x3b9: {  	s0 =	simm.s32 $0x108F8  }
0x3ba: {  	v9 =	vld [tilespmem:s0+$0x202]  }
0x3bb: {  	v10 =	vld [tilespmem:s0+$0xFFFFF7F8]  }
0x3bc: {  	v11 =	vld [tilespmem:s0+$0xFFFFF8F9]  }
0x3bd: {  	v12 =	vld [tilespmem:s0+$0xFFFFF9FA]  }
0x3be: {  	v13 =	vld [tilespmem:s0+$0xFFFFFAFB]  }
0x3bf: {  	v14 =	vld [tilespmem:s0+$0xFFFFFBFC]  }
0x3c0: {  	v15 =	vld [tilespmem:s0+$0xFFFFFCFD]  }
0x3c1: {  	v16 =	vld [tilespmem:s0+$0xFFFFFDFE];
	v10 =	vadd.s32 v11, v10  }
0x3c2: {  	v11 =	vld [tilespmem:s0+$0xFFFFFEFF];
	v10 =	vadd.s32 v12, v10  }
0x3c3: {  	v12 =	vld [tilespmem:s0+$0x0];
	v10 =	vadd.s32 v13, v10  }
0x3c4: {  	v13 =	vld [tilespmem:s0+$0x101];
	v10 =	vadd.s32 v10, v14  }
0x3c5: {  	v14 =	vld [tilespmem:s0+$0x303];
	v10 =	vadd.s32 v15, v10  }
0x3c6: {  	v15 =	vld [tilespmem:s0+$0x404];
	v10 =	vadd.s32 v16, v10  }
0x3c7: {  	v16 =	vld [tilespmem:s0+$0x505];
	v10 =	vadd.s32 v11, v10  }
0x3c8: {  	v11 =	vld [tilespmem:s0+$0x606];
	v10 =	vadd.s32 v10, v12  }
0x3c9: {  	s2 =	simm.s32 $0x108E8;
	v12 =	vld [tilespmem:s0+$0x707];
	v10 =	vadd.s32 v13, v10  }
0x3ca: {  	v13 =	vld [tilespmem:s2+$0xFFFFF7F8];
	v9 =	vadd.s32 v9, v10  }
0x3cb: {  	v10 =	vld [tilespmem:s2+$0xFFFFF8F9];
	v9 =	vadd.s32 v14, v9  }
0x3cc: {  	v14 =	vld [tilespmem:s2+$0xFFFFF9FA];
	v9 =	vadd.s32 v9, v15  }
0x3cd: {  	v15 =	vld [tilespmem:s2+$0xFFFFFAFB];
	v9 =	vadd.s32 v16, v9  }
0x3ce: {  	v16 =	vld [tilespmem:s2+$0xFFFFFBFC];
	v9 =	vadd.s32 v11, v9  }
0x3cf: {  	v11 =	vld [tilespmem:s2+$0xFFFFFCFD];
	v9 =	vadd.s32 v12, v9  }
0x3d0: {  	v10 =	vadd.s32 v10, v13;
	v12 =	vld [tilespmem:s2+$0xFFFFFDFE];
	v9 =	vperm.xlane v9, v7  }
0x3d1: {  	v13 =	vld [tilespmem:s2+$0xFFFFFEFF];
	v10 =	vadd.s32 v14, v10  }
0x3d2: {  	v14 =	vld [tilespmem:s2+$0x0];
	v10 =	vadd.s32 v15, v10;
	(xrf0) =	vadd.scan.msk.s32 $0xffff, v9  }
0x3d3: {  	v9 =	vadd.s32 v10, v16;
	v10 =	vld [tilespmem:s2+$0x101]  }
0x3d4: {  	v15 =	vld [tilespmem:s2+$0x202];
	v9 =	vadd.s32 v11, v9  }
0x3d5: {  	v11 =	vld [tilespmem:s2+$0x303];
	v9 =	vadd.s32 v12, v9  }
0x3d6: {  	v12 =	vld [tilespmem:s2+$0x404];
	v9 =	vadd.s32 v13, v9  }
0x3d7: {  	v13 =	vld [tilespmem:s2+$0x505];
	v9 =	vadd.s32 v9, v14  }
0x3d8: {  	v9 =	vadd.s32 v10, v9;
	v10 =	vld [tilespmem:s2+$0x606];
	v14, _, _ =	vpop (xrf0)  }
0x3d9: {  	v9 =	vadd.s32 v15, v9;
	v15 =	vld [tilespmem:s2+$0x707];
	v14 =	vperm.xlane v14, v7  }
0x3da: {  	v9 =	vadd.s32 v11, v9  }
0x3db: {  	v9 =	vadd.s32 v9, v12;
	v11 =	vxor.u32 $0x80000000, v14  }
0x3dc: {  	v9 =	vadd.s32 v13, v9;
	(xrf0) =	vmax.scan.msk.u32 $0xffff, v11  }
0x3dd: {  	s13 =	simm.s32 $0x40;
	v9 =	vadd.s32 v10, v9  }
0x3de: {  	s12 =	simm.s32 $0x108D8;
	vm0 =	vge.s32 v14, s13;
	v9 =	vadd.s32 v15, v9  }
0x3df: {  	v12 =	vld [tilespmem:s12+$0xFFFFF8F9];
	v13 =	vsel vm0, $0x1, v2;
	v9 =	vperm.xlane v9, v7  }
0x3e0: {  	v11 =	vld [tilespmem:s12+$0xFFFFF7F8]  }
0x3e1: {  	(xrf0) =	vadd.scan.msk.s32 $0xffff, v9;
	v9 =	vld [tilespmem:s12+$0xFFFFF9FA]  }
0x3e2: {  	v14 =	vld [tilespmem:s12+$0xFFFFFAFB];
	(xrf0) =	vadd.scan.msk.s32 $0xffff, v13;
	v13, _, _ =	vpop (xrf0)  }
0x3e3: {  	(v2sf) =	vpush v13, $0xF;
	v13 =	vld [tilespmem:s12+$0xFFFFFBFC]  }
0x3e4: {  	v15 =	vld [tilespmem:s12+$0xFFFFFCFD]  }
0x3e5: {  	v16 =	vld [tilespmem:s12+$0xFFFFFDFE];
	v11 =	vadd.s32 v12, v11  }
0x3e6: {  	v12 =	vld [tilespmem:s12+$0xFFFFFEFF];
	v9 =	vadd.s32 v9, v11  }
0x3e7: {  	v11 =	vld [tilespmem:s12+$0x0];
	v9 =	vadd.s32 v14, v9  }
0x3e8: {  	v14 =	vld [tilespmem:s12+$0x101];
	v13 =	vadd.s32 v9, v13  }
0x3e9: {  	v10 =	vld [tilespmem:s12+$0x202];
	v13 =	vadd.s32 v15, v13  }
0x3ea: {  	v15 =	vld [tilespmem:s12+$0x303];
	v13 =	vadd.s32 v16, v13  }
0x3eb: {  	v16 =	vld [tilespmem:s12+$0x404];
	v12 =	vadd.s32 v12, v13  }
0x3ec: {  	v17, _, _ =	vpop (xrf0);
	v13 =	vld [tilespmem:s12+$0x505];
	v11 =	vadd.s32 v12, v11  }
0x3ed: {  	v18, _, _ =	vpop (xrf0);
	v12 =	vld [tilespmem:s12+$0x606];
	v11 =	vadd.s32 v14, v11  }
0x3ee: {  	(v2sf) =	vpush v18, $0xF;
	v14 =	vld [tilespmem:s12+$0x707];
	v10 =	vadd.s32 v10, v11  }
0x3ef: {  	v17 =	vperm.xlane v17, v7;
	v10 =	vadd.s32 v15, v10  }
0x3f0: {  	v10 =	vadd.s32 v10, v16  }
0x3f1: {  	v62 =	vxor.u32 $0x80000000, v17;
	v10 =	vadd.s32 v13, v10  }
0x3f2: {  	(xrf0) =	vmax.scan.msk.u32 $0xffff, v62;
	v10 =	vadd.s32 v12, v10  }
0x3f3: {  	s9 =	simm.s32 $0x108C8;
	v10 =	vadd.s32 v14, v10  }
0x3f4: {  	v63 =	vld [tilespmem:s9+$0xFFFFFAFB];
	v14 =	vperm.xlane v10, v7  }
0x3f5: {  	v11 =	vld [tilespmem:s9+$0xFFFFF7F8]  }
0x3f6: {  	v15 =	vld [tilespmem:s9+$0xFFFFF8F9];
	s14 =	spop (v2sf)  }
0x3f7: {  	v16 =	vld [tilespmem:s9+$0xFFFFF9FA];
	s0 =	sadd.s32 $0x0, s14  }
0x3f8: {  	v19 =	vld [tilespmem:s9+$0xFFFFFBFC];
	s25 =	sadd.s32 $0x80000000, s0;
	(xrf0) =	vadd.scan.msk.s32 $0xffff, v14;
	v14, _, _ =	vpop (xrf0)  }
0x3f9: {  	v9 =	vld [tilespmem:s9+$0x202];
	s3 =	ssub.s32 $0x40, s25;
	(v2sf) =	vpush v14, $0xF  }
0x3fa: {  	v13 =	vld [tilespmem:s9+$0xFFFFFDFE];
	vm15 =	vge.s32 v17, s3  }
0x3fb: {  	s4 =	simm.s32 $0xFFFFFFFF;
	p1 =	por $0x0, $0x0;
	s8 =	simm.s32 $0xDF;
	v12 =	vld [tilespmem:s9+$0xFFFFFCFD];
	v10 =	vadd.s32 v15, v11;
	v15 =	vsel vm15, $0x1, v2  }
0x3fc: {  	p2 =	por p1, p1;
	s2 =	simm.s32 $0xBF;
	s13 =	simm.s32 $0x108B8;
	v11 =	vadd.s32 v16, v10;
	v10 =	vld [tilespmem:s9+$0xFFFFFEFF];
	(xrf0) =	vadd.scan.msk.s32 $0xffff, v15  }
0x3fd: {  	s12 =	simm.s32 $0xAF;
	s0 =	simm.s32 $0xCF;
	v16 =	vadd.s32 v63, v11;
	v11 =	vld [tilespmem:s9+$0x0];
	s24 =	spop (v2sf)  }
0x3fe: {  	v15 =	vadd.s32 v16, v19;
	p4 =	sgt.s32 s24, $0x0;
	p5 =	slt.s32 s24, $0x1;
	s24 =	sadd.s32 $0xEF, s24;
	v14 =	vld [tilespmem:s9+$0x101]  }
.LBB2_25:
0x3ff: {  	s14 =	smov.u32 s4;
	p3 =	sne.s32 s12, $0xFFFFFFFF  }
0x400: {  	s24 =	smov.u32 @p5 s4;
	p1 =	por p1, p4;
	s3 =	smov.u32 s8  }
0x401: {  	v12 =	vadd.s32 v12, v15;
	s8 =	smov.u32 s0;
	s0 =	smov.u32 s2;
	v16 =	vld [tilespmem:s13+$0x202];
	v15, _, _ =	vpop (xrf0);
	s4 =	smov.u32 s24  }
0x402: {  	s2 =	smov.u32 s12;
	s12 =	sadd.s32 $0xFFFFFFF0, s12;
	v12 =	vadd.s32 v13, v12;
	v13 =	vld [tilespmem:s9+$0x303];
	v15 =	vperm.xlane v15, v7;
	v17, _, _ =	vpop (xrf0);
	s4 =	smov.u32 @p2 s14  }
0x403: {  	v10 =	vadd.s32 v10, v12;
	p2 =	por p1, p1;
	v12 =	vld [tilespmem:s9+$0x404];
	(v2sf) =	vpush v17, $0xF  }
0x404: {  	v10 =	vadd.s32 v10, v11;
	v11 =	vld [tilespmem:s9+$0x505];
	v17 =	vxor.u32 $0x80000000, v15  }
0x405: {  	v10 =	vadd.s32 v14, v10;
	v14 =	vld [tilespmem:s9+$0x606];
	(xrf0) =	vmax.scan.msk.u32 $0xffff, v17  }
0x406: {  	v10 =	vadd.s32 v9, v10;
	v17 =	vld [tilespmem:s9+$0x707];
	v9 =	vmov v16;
	s9 =	smov.u32 s13  }
0x407: {  	v10 =	vadd.s32 v13, v10  }
0x408: {  	v10 =	vadd.s32 v10, v12;
	s14 =	spop (v2sf)  }
0x409: {  	v10 =	vadd.s32 v11, v10;
	s14 =	sadd.s32 s14, s25  }
0x40a: {  	v11 =	vld [tilespmem:s13+$0xFFFFF7F8];
	v10 =	vadd.s32 v14, v10;
	s25 =	sadd.s32 $0x80000000, s14  }
0x40b: {  	v13 =	vld [tilespmem:s13+$0xFFFFF8F9];
	v10 =	vadd.s32 v17, v10;
	s14 =	ssub.s32 $0x40, s25;
	v12, _, _ =	vpop (xrf0)  }
0x40c: {  	v14 =	vld [tilespmem:s13+$0xFFFFF9FA];
	v10 =	vperm.xlane v10, v7;
	vm0 =	vge.s32 v15, s14;
	(v2sf) =	vpush v12, $0xF  }
0x40d: {  	v15 =	vld [tilespmem:s13+$0xFFFFFAFB];
	v16 =	vsel vm0, $0x1, v2  }
0x40e: {  	v17 =	vld [tilespmem:s13+$0xFFFFFBFC];
	(xrf0) =	vadd.scan.msk.s32 $0xffff, v10  }
.Ltmp13:
0x40f: {  	v12 =	vld [tilespmem:s13+$0xFFFFFCFD];
	(xrf0) =	vadd.scan.msk.s32 $0xffff, v16;
	(pc) =	sbr.rel @p3 .LBB2_25-.Ltmp13, $4  }
0x410: {  	v10 =	vadd.s32 v13, v11;
	v13 =	vld [tilespmem:s13+$0xFFFFFDFE]  }
0x411: {  	v11 =	vadd.s32 v14, v10;
	v10 =	vld [tilespmem:s13+$0xFFFFFEFF]  }
0x412: {  	s13 =	sadd.s32 $0xFFFFFFF0, s13;
	v14 =	vadd.s32 v15, v11;
	v11 =	vld [tilespmem:s9+$0x0];
	s14 =	spop (v2sf)  }
0x413: {  	v15 =	vadd.s32 v14, v17;
	v14 =	vld [tilespmem:s9+$0x101];
	p4 =	sgt.s32 s14, $0x0;
	p5 =	slt.s32 s14, $0x1;
	s24 =	sadd.s32 s3, s14  }
0x414: {  	v16, _, _ =	vpop (xrf0)  }
0x415: {  	v16 =	vperm.xlane v16, v7;
	_ =	sdelay $0x1  }
0x416: {  	v17 =	vxor.u32 $0x80000000, v16  }
0x417: {  	(xrf0) =	vmax.scan.msk.u32 $0xffff, v17;
	_ =	sdelay $0x3  }
0x418: {  	v12 =	vadd.s32 v12, v15  }
0x419: {  	v59 =	vld [tilespmem:s9+$0x303];
	v12 =	vadd.s32 v13, v12;
	v60, _, _ =	vpop (xrf0)  }
0x41a: {  	v61 =	vld [tilespmem:s9+$0x404];
	v10 =	vadd.s32 v10, v12;
	(v2sf) =	vpush v60, $0xF;
	v62, _, _ =	vpop (xrf0)  }
0x41b: {  	v10 =	vadd.s32 v10, v11;
	v11 =	vld [tilespmem:s9+$0x505];
	(v2sf) =	vpush v62, $0xF  }
0x41c: {  	v63 =	vld [tilespmem:s9+$0x606];
	v10 =	vadd.s32 v14, v10  }
0x41d: {  	v9 =	vadd.s32 v9, v10;
	v10 =	vld [tilespmem:s9+$0x707]  }
0x41e: {  	v9 =	vadd.s32 v59, v9  }
0x41f: {  	v9 =	vadd.s32 v9, v61  }
0x420: {  	v9 =	vadd.s32 v11, v9  }
0x421: {  	v9 =	vadd.s32 v63, v9  }
0x422: {  	v9 =	vadd.s32 v10, v9  }
0x423: {  	s3 =	spop (v2sf);
	v9 =	vperm.xlane v9, v7  }
0x424: {  	s3 =	sadd.s32 s3, s25  }
0x425: {  	s3 =	sadd.s32 $0x80000000, s3;
	(xrf0) =	vadd.scan.msk.s32 $0xffff, v9  }
0x426: {  	s12 =	ssub.s32 $0x40, s3  }
0x427: {  	vm0 =	vge.s32 v16, s12  }
0x428: {  	v9 =	vsel vm0, $0x1, v2  }
0x429: {  	s13 =	spop (v2sf)  }
0x42a: {  	s12 =	spop (v2sf)  }
0x42b: {  	(xrf0) =	vadd.scan.msk.s32 $0xffff, v9;
	v9, _, _ =	vpop (xrf0);
	s3 =	sadd.s32 s12, s3  }
0x42c: {  	v9 =	vperm.xlane v9, v7;
	s3 =	sadd.s32 $0x80000000, s3  }
0x42d: {  	s3 =	ssub.s32 $0x40, s3  }
0x42e: {  	v10 =	vxor.u32 $0x80000000, v9;
	vm15 =	vge.s32 v9, s3  }
0x42f: {  	(xrf0) =	vmax.scan.msk.u32 $0xffff, v10;
	v9 =	vsel vm15, $0x1, v2  }
0x430: {  	(xrf0) =	vadd.scan.msk.s32 $0xffff, v9;
	_ =	sdelay $0x2  }
0x431: {  	v9, _, _ =	vpop (xrf0)  }
0x432: {  	(v2sf) =	vpush v9, $0xF  }
0x433: {  	v9, _, _ =	vpop (xrf0)  }
0x434: {  	(v2sf) =	vpush v9, $0xF;
	v9, _, _ =	vpop (xrf0)  }
0x435: {  	(v2sf) =	vpush v9, $0xF;
	_ =	sdelay $0x8  }
0x436: {  	s24 =	smov.u32 @p5 s4;
	p1 =	por p1, p4  }
0x437: {  	s24 =	smov.u32 @p2 s4;
	p3 =	slt.s32 s13, $0x1;
	s4 =	sadd.s32 s8, s13  }
0x438: {  	p4 =	por p1, p1;
	p5 =	sgt.s32 s13, $0x0;
	s4 =	smov.u32 @p3 s24  }
0x439: {  	p1 =	por p1, p5;
	s4 =	smov.u32 @p4 s24;
	s14 =	spop (v2sf)  }
0x43a: {  	p2 =	por p1, p1;
	p4 =	slt.s32 s14, $0x1;
	s0 =	sadd.s32 s0, s14  }
0x43b: {  	p6 =	sgt.s32 s14, $0x0;
	s25 =	spop (v2sf);
	s0 =	smov.u32 @p4 s4  }
0x43c: {  	p1 =	por p1, p6;
	s0 =	smov.u32 @p2 s4;
	s3 =	spop (v2sf)  }
.Ltmp14:
0x43d: {  	p2 =	slt.s32 s3, $0x1;
	s2 =	sadd.s32 s2, s3;
	(pc) =	sbr.rel @p0 .LBB2_27-.Ltmp14, $4  }
0x43e: {  	p1 =	por p1, p1;
	s2 =	smov.u32 @p2 s0  }
0x43f: {  	s2 =	smov.u32 @p1 s0  }
0x440: {  	s0 =	sshll.u32 s2, s31  }
0x441: {  	s28 =	sor.u32 s28, s0  }
0x442: {  	v10 =	vmov s28;
	v9 =	vimm.s32 $0x0;
	s0 =	simm.s32 $0x8000;
	s2 =	simm.s32 $0x0  }
.LBB2_29:
0x443: {  	v11 =	vld [tilespmem:s0+$0x0]  }
0x444: {  	v12 =	vor.u32 s2, v0  }
0x445: {  	vm0 =	vlt.s32 v12, v8;
	_ =	sdelay $0x5  }
0x446: {  	v12 =	vld.idx.msk [tilespmem:v11+s1+$0x0], vm0;
	_ =	sdelay $0x4  }
0x447: {  	vm1 =	vlt.s32 v12, $0x0;
	v13 =	vxor.u32 $0x7FFFFFFF, v12  }
0x448: {  	v12 =	vsel vm1, v13, v12  }
0x449: {  	vm1 =	vge.s32 v12, v10  }
0x44a: {  	vm0 =	vmand vm0, vm1  }
0x44b: {  	v62 =	vsel vm0, $0x1, v2  }
0x44c: {  	(xrf0) =	vadd.scan.msk.s32 $0xffff, v62;
	_ =	sdelay $0x5  }
0x44d: {  	v12, _, _ =	vpop (xrf0)  }
0x44e: {  	v12 =	vadd.s32 v12, v9  }
0x44f: {  	p0 =	sne.s32 s30, $0x1;
	v12 =	vadd.s32 $0xFFFFFFFF, v12  }
.Ltmp15:
0x450: {  	_ = 	snop;
	(pc) =	sbr.rel @p0 .LBB2_29-.Ltmp15, $3  }
0x451: {  	_ = 	snop  }
0x452: {  	v63 =	vmpcnt.ones.xlane vm0;
	_ =	sdelay $0x1  }
0x453: {  	s0 =	sadd.s32 $0x10, s0;
	s2 =	sadd.s32 $0x10, s2;
	s30 =	sadd.s32 $0xFFFFFFFF, s30;
	v9 =	vadd.s32 v9, v63;
	[tilespmem:v12+s20+$0x0] =	vst.idx.msk vm0, v11  }
.Ltmp16:
0x454: {  	(pc) =	sbr.rel .LBB2_31-.Ltmp16, $2  }
0x455: {  	_ =	sdelay $0x2  }
0x456: {  	v8 =	vxor.u32 $0x80000000, v9  }
.LBB2_32:
0x457: {  	s2 =	sadd.s32 $0x8000000F, s3  }
0x458: {  	s3 =	sand.u32 $0xF, s2  }
0x459: {  	s4 =	sshra.s32 s2, $0x1F;
	p0 =	slt.s32 s2, $0x1;
	p1 =	sne.s32 s3, $0x0  }
0x45a: {  	s31 =	sshrl.u32 s4, $0x1C;
	p0 =	por !p0, !p1  }
0x45b: {  	s3 =	simm.s32 $0x1;
	s2 =	sadd.s32 s31, s2;
	p0 =	por !p0, !p0  }
0x45c: {  	s2 =	sshra.s32 s2, $0x4;
	s3 =	simm.s32 @!p0 $0x0  }
0x45d: {  	s2 =	ssub.s32 s2, s3  }
0x45e: {  	p0 =	slt.s32 s2, $0x1  }
.Ltmp17:
0x45f: {  	_ = 	snop;
	(pc) =	sbr.rel @p0 .LBB2_33-.Ltmp17, $1  }
0x460: {  	_ =	sdelay $0x3  }
0x461: {  	v7 =	vmov s0  }
0x462: {  	v8 =	vmov s28;
	v9 =	vimm.s32 $0x0;
	s0 =	simm.s32 $0x8000;
	s3 =	simm.s32 $0x0;
	v10 =	vimm.s32 $0x0  }
.LBB2_35:
0x463: {  	v11 =	vld [tilespmem:s0+$0x0]  }
0x464: {  	v12 =	vor.u32 s3, v0  }
0x465: {  	vm0 =	vlt.s32 v12, v7;
	_ =	sdelay $0x5  }
0x466: {  	v12 =	vld.idx.msk [tilespmem:v11+s1+$0x0], vm0;
	_ =	sdelay $0x4  }
0x467: {  	vm1 =	vlt.s32 v12, $0x0;
	v13 =	vxor.u32 $0x7FFFFFFF, v12  }
0x468: {  	v12 =	vsel vm1, v13, v12  }
0x469: {  	vm1 =	vgt.s32 v12, v8  }
0x46a: {  	vm2 =	veq.s32 v12, v8;
	vm1 =	vmand vm0, vm1  }
0x46b: {  	vm0 =	vmand vm0, vm2;
	v60 =	vsel vm1, $0x1, v2  }
0x46c: {  	v61 =	vsel vm0, $0x1, v2;
	(xrf0) =	vadd.scan.msk.s32 $0xffff, v60  }
0x46d: {  	(xrf0) =	vadd.scan.msk.s32 $0xffff, v61;
	_ =	sdelay $0x4  }
0x46e: {  	v62, _, _ =	vpop (xrf0)  }
0x46f: {  	v12 =	vadd.s32 v62, v10;
	v63, _, _ =	vpop (xrf0)  }
0x470: {  	v12 =	vadd.s32 $0xFFFFFFFF, v12;
	v13 =	vadd.s32 v63, v9  }
0x471: {  	p0 =	sne.s32 s2, $0x1;
	v13 =	vadd.s32 $0xFFFFFFFF, v13  }
.Ltmp18:
0x472: {  	_ = 	snop;
	(pc) =	sbr.rel @p0 .LBB2_35-.Ltmp18, $4  }
0x473: {  	_ = 	snop  }
0x474: {  	v14 =	vmpcnt.ones.xlane vm1;
	v15 =	vmpcnt.ones.xlane vm0  }
0x475: {  	[tilespmem:v12+s22+$0x0] =	vst.idx.msk vm1, v11  }
0x476: {  	s0 =	sadd.s32 $0x10, s0;
	s3 =	sadd.s32 $0x10, s3;
	s2 =	sadd.s32 $0xFFFFFFFF, s2;
	v10 =	vadd.s32 v10, v14;
	v9 =	vadd.s32 v9, v15;
	[tilespmem:v13+s20+$0x0] =	vst.idx.msk vm0, v11  }
.Ltmp19:
0x477: {  	(pc) =	sbr.rel .LBB2_37-.Ltmp19, $2  }
0x478: {  	_ =	sdelay $0x2  }
0x479: {  	v7 =	vxor.u32 $0x80000000, v10  }
.LBB2_33:
0x47a: {  	v7 =	vimm.s32 $0x80000000  }
.LBB2_37:
0x47b: {  	(xrf0) =	vmax.scan.msk.u32 $0xffff, v7;
	_ =	sdelay $0x5  }
0x47c: {  	v7, _, _ =	vpop (xrf0)  }
0x47d: {  	(v2sf) =	vpush v7, $0xF;
	_ =	sdelay $0xe  }
0x47e: {  	s2 =	spop (v2sf)  }
0x47f: {  	s0 =	sxor.u32 $0x80000000, s2  }
0x480: {  	p0 =	sne.s32 s2, $0x8000004F;
	s2 =	simm.s32 $0x1;
	s3 =	ssub.s32 $0x4F, s0  }
0x481: {  	s2 =	simm.s32 @!p0 $0x0;
	s4 =	sshra.s32 s3, $0x1F  }
0x482: {  	s8 =	sand.u32 $0xF, s3;
	s2 =	sor.u32 s2, s4  }
0x483: {  	p1 =	sne.s32 s8, $0x0;
	p6 =	sne.s32 s2, $0x1  }
0x484: {  	s31 =	sshrl.u32 s4, $0x1C;
	p0 =	por !p1, !p6  }
0x485: {  	s2 =	sadd.s32 s31, s3;
	s3 =	simm.s32 $0x1;
	p0 =	por !p0, !p0  }
0x486: {  	s2 =	sshra.s32 s2, $0x4;
	s3 =	simm.s32 @!p0 $0x0  }
0x487: {  	s2 =	ssub.s32 s2, s3  }
0x488: {  	p0 =	slt.s32 s2, $0x1  }
.Ltmp20:
0x489: {  	_ = 	snop;
	(pc) =	sbr.rel @p0 .LBB2_41-.Ltmp20, $1  }
0x48a: {  	_ =	sdelay $0x3  }
0x48b: {  	s3 =	ssub.s32 $0x40, s0;
	s4 =	simm.s32 $0x0  }
0x48c: {  	p0 =	sne.s32 s2, $0x1;
	v7 =	vmov s3;
	v10 =	vor.u32 s4, v0  }
.Ltmp21:
0x48d: {  	v8 =	vmov s0;
	s0 =	simm.s32 $0x8000;
	vm0 =	vlt.s32 v10, v7;
	(pc) =	sbr.rel @!p0 .LBB2_40-.Ltmp21, $2  }
0x48e: {  	v9 =	vld [tilespmem:s0+$0x0];
	v10 =	vadd.s32 v8, v10;
	_ =	sdelay $0x2  }
0x48f: {  	s2 =	sadd.s32 $0xFFFFFFFF, s2;
	s3 =	simm.s32 $0x10  }
.LBB2_39:
0x490: {  	v11 =	vor.u32 s3, v0;
	p0 =	sne.s32 s2, $0x1;
	s2 =	sadd.s32 $0xFFFFFFFF, s2  }
.Ltmp22:
0x491: {  	s0 =	sadd.s32 $0x10, s0;
	[tilespmem:v10+s22+$0x0] =	vst.idx.msk vm0, v9;
	vm0 =	vlt.s32 v11, v7;
	(pc) =	sbr.rel @p0 .LBB2_39-.Ltmp22, $2  }
0x492: {  	v10 =	vadd.s32 v8, v11;
	v9 =	vld [tilespmem:s0+$0x0];
	_ =	sdelay $0x2  }
0x493: {  	s3 =	sadd.s32 $0x10, s3  }
.LBB2_40:
0x494: {  	_ =	sdelay $0x4  }
0x495: {  	[tilespmem:v10+s22+$0x0] =	vst.idx.msk vm0, v9  }
.LBB2_41:
0x496: {  	s0 =	simm.s32 $0x1  }
0x497: {  	v11 =	vld [tilespmem:$0x14080];
	v7 =	vmov s0  }
0x498: {  	v10 =	vld [tilespmem:$0x14090];
	s28 =	simm.s32 $0x0  }
0x499: {  	v8 =	vmov s28  }
0x49a: {  	v13 =	vld [tilespmem:$0x140A0];
	v8 =	vand.u32 $0xFFFFFFFE, v8  }
0x49b: {  	v16 =	vld [tilespmem:$0x140B0];
	v8 =	vbroadcast v8, $0x0  }
0x49c: {  	v7 =	vld.idx.msk [tilespmem:v7+s22+$0x0], $0xffff;
	_ =	sdelay $0x2  }
0x49d: {  	v9 =	vld.idx.msk [tilespmem:v11+s28+$0x0], $0xffff  }
0x49e: {  	v12 =	vld.idx.msk [tilespmem:v10+s28+$0x0], $0xffff  }
0x49f: {  	s31 =	simm.s32 $0x2;
	v8 =	vld.idx.msk [tilespmem:v8+s22+$0x0], $0xffff  }
0x4a0: {  	v23 =	vmov s31;
	v14 =	vld.idx.msk [tilespmem:v13+s28+$0x0], $0xffff  }
0x4a1: {  	v23 =	vand.u32 $0xFFFFFFFE, v23;
	v18 =	vld.idx.msk [tilespmem:v16+s28+$0x0], $0xffff  }
0x4a2: {  	v25 =	vbroadcast v23, $0x0;
	vm2 =	vlt.s32 v10, v7;
	v19 =	vld.idx.msk [tilespmem:v7+s1+$0x0], $0xffff  }
0x4a3: {  	vm3 =	vlt.s32 v13, v7;
	vm0 =	vlt.s32 v9, $0x0;
	v15 =	vxor.u32 $0x7FFFFFFF, v9  }
0x4a4: {  	vm1 =	vlt.s32 v12, $0x0;
	v20 =	vxor.u32 $0x7FFFFFFF, v12;
	v17 =	vsel vm0, v15, v9  }
0x4a5: {  	v12 =	vsel vm1, v20, v12;
	vm0 =	vlt.s32 v14, $0x0;
	v9 =	vxor.u32 $0x7FFFFFFF, v14  }
0x4a6: {  	vm1 =	vlt.s32 v18, $0x0;
	v20 =	vxor.u32 $0x7FFFFFFF, v18;
	v15 =	vsel vm0, v9, v14  }
0x4a7: {  	s30 =	simm.s32 $0x3;
	v14 =	vsel vm1, v20, v18;
	v20 =	vld.idx.msk [tilespmem:v8+s1+$0x0], $0xffff;
	vm0 =	vlt.s32 v19, $0x0;
	v18 =	vxor.u32 $0x7FFFFFFF, v19  }
0x4a8: {  	vm1 =	vlt.s32 v16, v7;
	v18 =	vsel vm0, v18, v19;
	v19 =	vmov s30  }
0x4a9: {  	vm4 =	veq.s32 v17, v18;
	vm5 =	veq.s32 v12, v18;
	vm0 =	vgt.s32 v14, v18  }
0x4aa: {  	vm6 =	veq.s32 v14, v18;
	vm7 =	veq.s32 v15, v18;
	vm8 =	vgt.s32 v17, v18  }
0x4ab: {  	vm1 =	vmand vm1, vm6;
	vm6 =	vgt.s32 v15, v18;
	vm3 =	vmand vm3, vm7  }
0x4ac: {  	vm7 =	vgt.s32 v12, v18;
	vm2 =	vmand vm2, vm5;
	vm5 =	vlt.s32 v20, $0x0  }
0x4ad: {  	vm3 =	vmor vm6, vm3;
	vm1 =	vmor vm0, vm1;
	vm0 =	vlt.s32 v16, v8  }
0x4ae: {  	vm6 =	vlt.s32 v11, v7;
	vm2 =	vmor vm7, vm2;
	v21 =	vmpcnt.ones.xlane vm1;
	v18 =	vld.idx.msk [tilespmem:v19+s22+$0x0], $0xffff  }
0x4af: {  	vm1 =	vlt.s32 v13, v8;
	v22 =	vmpcnt.ones.xlane vm3;
	vm4 =	vmand vm6, vm4  }
0x4b0: {  	vm3 =	vlt.s32 v10, v8;
	v19 =	vxor.u32 $0x7FFFFFFF, v20;
	vm4 =	vmor vm8, vm4  }
0x4b1: {  	v19 =	vsel vm5, v19, v20;
	vm5 =	vlt.s32 v11, v8;
	v20 =	vmpcnt.ones.xlane vm2  }
0x4b2: {  	v24 =	vmpcnt.ones.xlane vm4;
	vm2 =	veq.s32 v17, v19;
	vm6 =	vgt.s32 v14, v19  }
0x4b3: {  	vm7 =	vgt.s32 v15, v19;
	vm2 =	vmand vm5, vm2;
	vm5 =	vgt.s32 v17, v19  }
0x4b4: {  	vm15 =	veq.s32 v12, v19;
	vm2 =	vmor vm5, vm2;
	vm5 =	vgt.s32 v12, v19  }
0x4b5: {  	v23 =	vmpcnt.ones.xlane vm2;
	vm2 =	vmand vm3, vm15;
	vm3 =	veq.s32 v15, v19  }
0x4b6: {  	vm4 =	veq.s32 v14, v19;
	vm2 =	vmor vm5, vm2;
	vm1 =	vmand vm1, vm3;
	v19 =	vld.idx.msk [tilespmem:v18+s1+$0x0], $0xffff  }
0x4b7: {  	vm0 =	vmand vm0, vm4;
	v26 =	vmpcnt.ones.xlane vm2;
	vm1 =	vmor vm7, vm1  }
0x4b8: {  	v20 =	vadd.s32 v24, v20;
	vm0 =	vmor vm6, vm0;
	v24 =	vmpcnt.ones.xlane vm1  }
0x4b9: {  	v20 =	vadd.s32 v22, v20;
	v23 =	vadd.s32 v23, v26;
	v26 =	vmpcnt.ones.xlane vm0  }
0x4ba: {  	v22 =	vadd.s32 v24, v23;
	v24 =	vadd.s32 v21, v20  }
0x4bb: {  	v21 =	vadd.s32 v26, v22;
	vm3 =	vlt.s32 v19, $0x0;
	v22 =	vxor.u32 $0x7FFFFFFF, v19  }
0x4bc: {  	v23 =	vsel vm3, v22, v19;
	v19 =	vld.idx.msk [tilespmem:v25+s22+$0x0], $0xffff  }
0x4bd: {  	s29 =	sshll.u32 s26, $0x7  }
0x4be: {  	v9 =	vmov s29;
	vm2 =	vlt.s32 v13, v18;
	vm1 =	vlt.s32 v16, v18  }
0x4bf: {  	vm0 =	vlt.s32 v10, v18;
	v20 =	vand.u32 $0xFFFFFF80, v24;
	v26 =	vand.u32 $0xFFFFFF80, v21  }
0x4c0: {  	v20 =	vadd.s32 v9, v20;
	v21 =	vand.u32 $0x7F, v21;
	v22 =	vadd.s32 v9, v26  }
0x4c1: {  	s0 =	simm.s32 $0x4;
	vm3 =	veq.s32 v17, v23;
	vm4 =	veq.s32 v12, v23;
	vm5 =	vgt.s32 v14, v23  }
.LBB2_42:
0x4c2: {  	s2 =	sadd.s32 $0x1, s0  }
0x4c3: {  	p0 =	slt.u32 s0, $0x3E;
	vm6 =	vgt.s32 v12, v23;
	vm7 =	veq.s32 v14, v23;
	v24 =	vand.u32 $0x7F, v24;
	s3 =	smov.u32 s0;
	s0 =	sadd.s32 $0x2, s0  }
0x4c4: {  	vm8 =	veq.s32 v15, v23;
	v25 =	vmov s2;
	v26 =	vld.idx.msk [tilespmem:v19+s1+$0x0], $0xffff;
	vm1 =	vmand vm1, vm7  }
0x4c5: {  	v21 =	vor.u32 v21, v22;
	vm7 =	vgt.s32 v15, v23;
	vm2 =	vmand vm2, vm8  }
0x4c6: {  	v20 =	vor.u32 v24, v20;
	vm7 =	vmor vm7, vm2;
	vm2 =	vmor vm5, vm1  }
0x4c7: {  	vm8 =	vlt.s32 v11, v18;
	vm1 =	vlt.s32 v16, v19;
	v22 =	vmpcnt.ones.xlane vm2  }
0x4c8: {  	vm9 =	vgt.s32 v17, v23;
	vm2 =	vlt.s32 v13, v19;
	v23 =	vmpcnt.ones.xlane vm7  }
0x4c9: {  	vm0 =	vmand vm0, vm4;
	vm5 =	vlt.s32 v10, v19;
	vm3 =	vmand vm8, vm3;
	v24 =	vld.idx.msk [tilespmem:v25+s22+$0x0], $0xffff  }
0x4ca: {  	vm0 =	vmor vm6, vm0;
	vm4 =	vlt.s32 v26, $0x0;
	v25 =	vxor.u32 $0x7FFFFFFF, v26;
	[tilespmem:v21+s23+$0x0] =	vst.idx.msk $0x1, v8;
	v8 =	vmovc v19  }
0x4cb: {  	v19 =	vsel vm4, v25, v26;
	v21 =	vmpcnt.ones.xlane vm0;
	vm4 =	vlt.s32 v11, v8;
	[tilespmem:v20+s23+$0x0] =	vst.idx.msk $0x1, v7  }
0x4cc: {  	v20 =	vmov s3;
	vm0 =	veq.s32 v17, v19;
	vm6 =	vgt.s32 v14, v19;
	v7 =	vmovc v18  }
0x4cd: {  	vm3 =	vmor vm9, vm3;
	v25 =	vand.u32 $0xFFFFFFFE, v20;
	vm0 =	vmand vm4, vm0  }
0x4ce: {  	vm7 =	vgt.s32 v15, v19;
	vm4 =	vgt.s32 v17, v19;
	v20 =	vbroadcast v25, $0x0  }
0x4cf: {  	vm8 =	veq.s32 v12, v19;
	vm0 =	vmor vm4, vm0;
	vm4 =	vgt.s32 v12, v19;
	v18 =	vmovc v24  }
0x4d0: {  	v26 =	vmpcnt.ones.xlane vm3;
	v25 =	vmpcnt.ones.xlane vm0;
	vm0 =	vmand vm5, vm8  }
0x4d1: {  	vm3 =	veq.s32 v15, v19;
	vm0 =	vmor vm4, vm0;
	vm4 =	veq.s32 v14, v19;
	v27 =	vld.idx.msk [tilespmem:v24+s1+$0x0], $0xffff  }
0x4d2: {  	vm1 =	vmand vm1, vm4;
	v24 =	vmpcnt.ones.xlane vm0;
	vm0 =	vmand vm2, vm3  }
0x4d3: {  	v21 =	vadd.s32 v26, v21;
	vm1 =	vmor vm6, vm1;
	vm0 =	vmor vm7, vm0  }
0x4d4: {  	v19 =	vld.idx.msk [tilespmem:v20+s22+$0x0], $0xffff;
	v20 =	vadd.s32 v25, v24;
	v24 =	vmpcnt.ones.xlane vm0;
	v25 =	vmpcnt.ones.xlane vm1  }
0x4d5: {  	v21 =	vadd.s32 v23, v21;
	vm0 =	vlt.s32 v10, v18;
	vm1 =	vlt.s32 v16, v18  }
.Ltmp23:
0x4d6: {  	vm2 =	vlt.s32 v13, v18;
	v20 =	vadd.s32 v24, v20;
	v24 =	vadd.s32 v22, v21;
	(pc) =	sbr.rel @p0 .LBB2_42-.Ltmp23, $4  }
0x4d7: {  	vm3 =	vlt.s32 v27, $0x0;
	v21 =	vadd.s32 v25, v20;
	v20 =	vand.u32 $0xFFFFFF80, v24  }
0x4d8: {  	v22 =	vxor.u32 $0x7FFFFFFF, v27;
	v25 =	vand.u32 $0xFFFFFF80, v21;
	v20 =	vadd.s32 v9, v20  }
0x4d9: {  	v23 =	vsel vm3, v22, v27;
	v21 =	vand.u32 $0x7F, v21;
	v22 =	vadd.s32 v9, v25  }
0x4da: {  	vm3 =	veq.s32 v17, v23;
	vm4 =	veq.s32 v12, v23;
	vm5 =	vgt.s32 v14, v23  }
0x4db: {  	_ =	sdelay $0x1  }
0x4dc: {  	vm6 =	vgt.s32 v12, v23  }
0x4dd: {  	vm7 =	veq.s32 v14, v23;
	v24 =	vand.u32 $0x7F, v24;
	vm8 =	veq.s32 v15, v23  }
0x4de: {  	v25 =	vld.idx.msk [tilespmem:v19+s1+$0x0], $0xffff;
	vm12 =	vgt.s32 v15, v23;
	vm13 =	vlt.s32 v11, v18;
	vm0 =	vmand vm0, vm4  }
0x4df: {  	vm15 =	vgt.s32 v17, v23;
	vm9 =	vlt.s32 v11, v19;
	vm11 =	vlt.s32 v10, v19  }
0x4e0: {  	vm1 =	vmand vm1, vm7;
	vm2 =	vmand vm2, vm8;
	vm7 =	vlt.s32 v16, v19  }
0x4e1: {  	vm8 =	vlt.s32 v13, v19;
	vm3 =	vmand vm13, vm3;
	vm0 =	vmor vm6, vm0  }
0x4e2: {  	vm2 =	vmor vm12, vm2;
	vm1 =	vmor vm5, vm1;
	v51 =	vmpcnt.ones.xlane vm0  }
0x4e3: {  	vm3 =	vmor vm15, vm3;
	vm14 =	vlt.s32 v25, $0x0;
	v50 =	vxor.u32 $0x7FFFFFFF, v25  }
0x4e4: {  	v54 =	vmpcnt.ones.xlane vm3;
	v56 =	vmpcnt.ones.xlane vm2;
	v13 =	vsel vm14, v50, v25  }
0x4e5: {  	v58 =	vmpcnt.ones.xlane vm1;
	vm10 =	veq.s32 v17, v13;
	vm12 =	vgt.s32 v17, v13  }
0x4e6: {  	vm13 =	veq.s32 v12, v13;
	vm5 =	vgt.s32 v14, v13;
	vm14 =	vgt.s32 v12, v13  }
0x4e7: {  	vm0 =	vmand vm9, vm10;
	vm4 =	vmand vm11, vm13;
	vm13 =	vgt.s32 v15, v13  }
0x4e8: {  	vm0 =	vmor vm12, vm0;
	vm15 =	vmor vm14, vm4;
	vm12 =	veq.s32 v15, v13  }
0x4e9: {  	vm14 =	veq.s32 v14, v13;
	v52 =	vmpcnt.ones.xlane vm0;
	vm4 =	vmand vm8, vm12  }
0x4ea: {  	v53 =	vmpcnt.ones.xlane vm15;
	vm15 =	vmand vm7, vm14;
	vm4 =	vmor vm13, vm4  }
0x4eb: {  	v11 =	vadd.s32 v54, v51;
	vm0 =	vmor vm5, vm15;
	v55 =	vmpcnt.ones.xlane vm4  }
0x4ec: {  	v11 =	vadd.s32 v56, v11;
	v10 =	vadd.s32 v52, v53;
	v57 =	vmpcnt.ones.xlane vm0  }
0x4ed: {  	v59 =	vor.u32 v21, v22;
	v11 =	vadd.s32 v58, v11;
	v10 =	vadd.s32 v55, v10  }
0x4ee: {  	v60 =	vor.u32 v24, v20;
	v62 =	vand.u32 $0xFFFFFF80, v11;
	v10 =	vadd.s32 v57, v10  }
0x4ef: {  	v11 =	vand.u32 $0x7F, v11;
	v63 =	vadd.s32 v9, v62;
	v61 =	vand.u32 $0xFFFFFF80, v10  }
0x4f0: {  	s26 =	sadd.s32 $0x1, s26;
	v10 =	vand.u32 $0x7F, v10;
	v14 =	vadd.s32 v9, v61;
	v9 =	vor.u32 v11, v63  }
0x4f1: {  	p0 =	sne.s32 s26, $0x4;
	v10 =	vor.u32 v10, v14  }
.Ltmp24:
0x4f2: {  	_ = 	snop;
	(pc) =	sbr.rel @p0 .LBB2_2-.Ltmp24, $4  }
0x4f3: {  	[tilespmem:v59+s23+$0x0] =	vst.idx.msk $0x1, v8  }
0x4f4: {  	[tilespmem:v60+s23+$0x0] =	vst.idx.msk $0x1, v7  }
0x4f5: {  	[tilespmem:v9+s23+$0x0] =	vst.idx.msk $0x1, v18  }
0x4f6: {  	[tilespmem:v10+s23+$0x0] =	vst.idx.msk $0x1, v19  }
0x4f7: {  	s0 =	rddreg [dreg:$0x4];
	s2 =	simm.s32 $0x5  }
0x4f8: {  	[hbm4b:s0+s1] =	stream.linear.scatter [tilespmem:s23], [sflag:$0x5], $0x200, $0x38;
	[tilespmem:$0x14300] =	vst v63  }
0x4f9: {  	_ =	swait.ge [sflag:s2], $0x200  }
0x4fa: {  	s3 =	rddreg [dreg:$0x6]  }
0x4fb: {  	s31 =	rddreg [dreg:$0x5];
	s3 =	sadd.s32 $0x1, s3  }
0x4fc: {  	p0 =	sne.s32 s3, s31  }
.Ltmp25:
0x4fd: {  	_ = 	snop;
	(pc) =	sbr.rel @p0 .LBB2_1-.Ltmp25, $3  }
0x4fe: {  	_ =	sdelay $0x1  }
0x4ff: {  	[sflag:s2] =	ssyncset.done $0x0  }
0x500: {  	[sflag:s2] =	ssyncadd.s32 $0xFFFFFE00  }
0x501: {  	_ =	sfence.sel $0x180000  }
0x502: {  	[bflag:$0x0] =	sbarrier.arrive $0xFFFF  }
0x503: {  	_ =	strace $0x90000047  }
0x504: {  	s0 =	stileid.u32;
	[bflag:$0x2] =	sbarrier.arrive $0xFFFF  }
0x505: {  	p0 =	sne.s32 s0, $0x0;
	s0 =	rddreg [dreg:$0x1]  }
0x506: {  	s0 =	sadd.s32 @!p0 $0x100000, s0  }
0x507: {  	[sflag:s0] =	ssyncadd.tile.s32 @!p0 $0x1;
	_ =	shalt  }
.Lfunc_end2:
_tile_overlayer_lowered:
.L_overlay_start_2:
0x508: {  	(tag) =	ssettag $0x2  }
0x509: {  	s0 =	rddreg [dreg:$0x0];
	s2 =	stileid.u32  }
0x50a: {  	s1 =	rddreg [dreg:$0x1];
	p0 =	sne.s32 s2, $0x0  }
0x50b: {  	s3 =	rddreg [dreg:$0x2];
	[bflag:$0x3] =	sbarrier.arrive $0xFFFF;
	s2 =	simm.s32 @!p0 $0x1C06  }
0x50c: {  	[timem:s3], [sflag:s2] =	dma.local @!p0 [hbm:s0], s1  }
0x50d: {  	s0 =	simm.s32 @!p0 $0x6  }
0x50e: {  	_ =	swait.ge @!p0 [sflag:s0], s1  }
0x50f: {  	s1 =	ssub.s32 @!p0 $0x0, s1;
	[sflag:s0] =	ssyncset.done @!p0 $0x0  }
0x510: {  	[sflag:s0] =	ssyncadd.s32 @!p0 s1  }
0x511: {  	[bflag:$0x3] =	sbarrier.arrive $0xFFFF  }
0x512: {  	_ =	shalt  }

</sc_bundles>
